<compile_context>
chip_gen: v7x
topology: tpu7x:2x2x1
jax: 0.10.2.dev20260603
libtpu: 0.0.44.dev20260713+nightly
codegen_flags: <defaults>
</compile_context>

<pallas_src>
import jax
import jax.numpy as jnp
from jax import lax
from jax.experimental import pallas as pl
from jax.experimental.pallas import tpu as pltpu
from jax.experimental.pallas import tpu_sc as plsc

N = 10000
E = 320000
B = 128
NC = 2
NS = 16
L = 16

EP = 327680
NPAD = 10240
NTRASH = 224

STAT_E = EP // NS
PROP_E = EP // (NC * NS)
BLK = 2048
CHUNK = 64
CPB = BLK // CHUNK
SROW = NPAD // B


def _sqrt16(y):
    i = plsc.bitcast(y, jnp.int32)
    r = plsc.bitcast(jnp.int32(0x5F3759DF) - (i >> 1), jnp.float32)
    for _ in range(3):
        r = r * (1.5 - 0.5 * y * r * r)
    return y * r


def _sc_body(from_hbm, attr_hbm, to2d_hbm, upT_hbm, out_hbm,
             fromb, attrb, to2d, s_in_loc, s_out_loc, riota, wbuf,
             rows0, rows1, gsem0, gsem1, ssem0, ssem1,
             s_in_sh, s_out_sh, scores_sh):
    c = lax.axis_index("c")
    s = lax.axis_index("s")

    def zero_srow(r, carry):
        for g in range(B // L):
            s_in_loc[r, pl.ds(g * L, L)] = jnp.zeros((L,), jnp.float32)
            s_out_loc[r, pl.ds(g * L, L)] = jnp.zeros((L,), jnp.float32)
        return carry
    lax.fori_loop(0, SROW, zero_srow, 0)

    def zero_rows(r, carry):
        for g in range(B // L):
            rows0[r, pl.ds(g * L, L)] = jnp.zeros((L,), jnp.float32)
        return carry
    lax.fori_loop(0, CHUNK, zero_rows, 0)

    for r in range(SROW // L):
        riota[pl.ds(r * L, L)] = lax.iota(jnp.int32, L) + r * L

    def stat_block(blk, carry):
        base = pl.multiple_of(s * STAT_E + blk * BLK, BLK)
        rowb = pl.multiple_of(s * (STAT_E // CHUNK) + blk * CPB, 8)
        pltpu.sync_copy(to2d_hbm.at[pl.ds(rowb, CPB)], to2d)
        pltpu.sync_copy(from_hbm.at[pl.ds(base, BLK)], fromb)
        pltpu.sync_copy(attr_hbm.at[pl.ds(base, BLK)], attrb)

        @plsc.parallel_loop(0, BLK // L, 1, unroll=4)
        def _(g):
            r = g // (CHUNK // L)
            k = g - r * (CHUNK // L)
            ex = jnp.exp(attrb[pl.ds(g * L, L)])
            tt = to2d[r, pl.ds(k * L, L)]
            ff = fromb[pl.ds(g * L, L)]
            plsc.addupdate_scatter(s_in_loc, [tt >> 7, tt & 127], ex)
            plsc.addupdate_scatter(s_out_loc, [ff >> 7, ff & 127], ex)
        return carry
    lax.fori_loop(0, STAT_E // BLK, stat_block, 0)

    for k in range(NPAD // NS // CHUNK):
        pltpu.async_copy(rows0, scores_sh.at[pl.ds(pl.multiple_of(s * (NPAD // NS) + k * CHUNK, 8), CHUNK)], ssem0)

    @pl.when(s == 0)
    def _():
        pltpu.sync_copy(s_in_loc, s_in_sh)
        pltpu.sync_copy(s_out_loc, s_out_sh)
    plsc.subcore_barrier()

    @pl.when(s != 0)
    def _():
        pltpu.sync_copy(s_in_loc, s_in_sh.at[riota], add=True)
        pltpu.sync_copy(s_out_loc, s_out_sh.at[riota], add=True)

    for k in range(NPAD // NS // CHUNK):
        pltpu.make_async_copy(upT_hbm.at[pl.ds(0, CHUNK)], rows0, ssem0).wait()
    plsc.subcore_barrier()

    pltpu.sync_copy(s_in_sh, s_in_loc)
    pltpu.sync_copy(s_out_sh, s_out_loc)

    def prop_block(blk, carry):
        base = pl.multiple_of(c * (EP // NC) + s * PROP_E + blk * BLK, BLK)
        rowb = pl.multiple_of(c * (EP // NC // CHUNK) + s * (PROP_E // CHUNK)
                              + blk * CPB, 8)
        pltpu.sync_copy(to2d_hbm.at[pl.ds(rowb, CPB)], to2d)
        pltpu.sync_copy(from_hbm.at[pl.ds(base, BLK)], fromb)
        pltpu.sync_copy(attr_hbm.at[pl.ds(base, BLK)], attrb)

        def do_chunk(jj, cur, oth, gsem_c, gsem_o, ssem_c, ssem_o):
            @pl.when(jj >= 1)
            def _():
                pltpu.make_async_copy(upT_hbm.at[pl.ds(0, CHUNK)], oth,
                                      ssem_o).wait()

            @pl.when(jj + 1 < CPB)
            def _():
                nsl = pl.ds((jj + 1) * CHUNK, CHUNK)
                pltpu.async_copy(upT_hbm.at[fromb.at[nsl]], oth, gsem_o)

            for k in range(CHUNK // L):
                sl = pl.ds(jj * CHUNK + k * L, L)
                ex = jnp.exp(attrb[sl])
                tt = to2d[jj, pl.ds(k * L, L)]
                ff = fromb[sl]
                g_in = plsc.load_gather(s_in_loc, [tt >> 7, tt & 127])
                g_out = plsc.load_gather(s_out_loc, [ff >> 7, ff & 127])
                y = (ex * ex) / (g_in * g_out) + 1e-10
                wbuf[pl.ds(k * L, L)] = _sqrt16(y)

            pltpu.make_async_copy(upT_hbm.at[pl.ds(0, CHUNK)], cur, gsem_c).wait()

            @plsc.parallel_loop(0, CHUNK, 1, unroll=8)
            def _(e):
                wv = plsc.load_gather(wbuf, [jnp.full((L,), e, jnp.int32)])
                for v in range(B // L):
                    sl = pl.ds(v * L, L)
                    cur[e, sl] = cur[e, sl] * wv

            pltpu.async_copy(cur, scores_sh.at[to2d.at[jj]], ssem_c,
                             add=True)

        pltpu.async_copy(upT_hbm.at[fromb.at[pl.ds(0, CHUNK)]], rows0, gsem0)

        def chunk_body(m, carry2):
            do_chunk(2 * m, rows0, rows1, gsem0, gsem1, ssem0, ssem1)
            do_chunk(2 * m + 1, rows1, rows0, gsem1, gsem0, ssem1, ssem0)
            return carry2
        lax.fori_loop(0, CPB // 2, chunk_body, 0)

        pltpu.make_async_copy(upT_hbm.at[pl.ds(0, CHUNK)], rows1, ssem1).wait()
        return carry
    lax.fori_loop(0, PROP_E // BLK, prop_block, 0)

    plsc.subcore_barrier()

    r0 = pl.multiple_of(s * (NPAD // NS), 8)
    pltpu.sync_copy(scores_sh.at[pl.ds(r0, NPAD // NS)],
                    out_hbm.at[c, pl.ds(r0, NPAD // NS)])


@jax.jit
def _sc_spmm(from_, attrs, to2d, upT):
    mesh = plsc.VectorSubcoreMesh(core_axis_name="c", subcore_axis_name="s",
                                  num_cores=NC, num_subcores=NS)
    return pl.kernel(
        _sc_body,
        out_type=jax.ShapeDtypeStruct((NC, NPAD, B), jnp.float32),
        mesh=mesh,
        compiler_params=pltpu.CompilerParams(needs_layout_passes=False),
        scratch_types=[
            pltpu.VMEM((BLK,), jnp.int32),
            pltpu.VMEM((BLK,), jnp.float32),
            pltpu.VMEM((CPB, CHUNK), jnp.int32),
            pltpu.VMEM((SROW, B), jnp.float32),
            pltpu.VMEM((SROW, B), jnp.float32),
            pltpu.VMEM((SROW,), jnp.int32),
            pltpu.VMEM((CHUNK,), jnp.float32),
            pltpu.VMEM((CHUNK, B), jnp.float32),
            pltpu.VMEM((CHUNK, B), jnp.float32),
            pltpu.SemaphoreType.DMA,
            pltpu.SemaphoreType.DMA,
            pltpu.SemaphoreType.DMA,
            pltpu.SemaphoreType.DMA,
            pltpu.VMEM_SHARED((SROW, B), jnp.float32),
            pltpu.VMEM_SHARED((SROW, B), jnp.float32),
            pltpu.VMEM_SHARED((NPAD, B), jnp.float32),
        ],
    )(from_, attrs, to2d, upT)


def _combine_body(p_ref, o_ref):
    o_ref[...] = (p_ref[0, :N] + p_ref[1, :N]).T


@jax.jit
def _tc_combine(partials):
    return pl.pallas_call(
        _combine_body,
        out_shape=jax.ShapeDtypeStruct((B, N), jnp.float32),
    )(partials)


def kernel(user_profiles, edge_attrs, edge_index):
    npad = EP - E
    pad_idx = N + jnp.arange(npad, dtype=jnp.int32) % NTRASH
    from_ = jnp.concatenate([edge_index[0], pad_idx])
    to_ = jnp.concatenate([edge_index[1], pad_idx])
    attrs = jnp.concatenate([edge_attrs, jnp.zeros((npad,), jnp.float32)])
    to2d = to_.reshape(EP // CHUNK, CHUNK)
    upT = jnp.pad(user_profiles.T, ((0, NPAD - N), (0, 0)))
    partials = _sc_spmm(from_, attrs, to2d, upT)
    return _tc_combine(partials)

# --- scband reference (transcript-rebuilt; emitter-appended) ---
"""Pipeline reference for scband-efficient-raw-model-29214367547835 (READ-ONLY COPY).

The authoritative reference and input builder live on the scoring server;
editing this copy changes nothing except your own understanding.
"""

import jax, jax.numpy as jnp
import numpy as np

N_ITEMS = 10000
N_EDGES = 320000
BATCH = 128
TEMPERATURE = 1.0


def setup_inputs(seed: int = 0) -> dict:
    key = jax.random.key(seed)
    k1, k2, k3 = jax.random.split(key, 3)
    user_profiles = jax.random.uniform(k1, (BATCH, N_ITEMS), dtype=jnp.float32)
    edge_attrs = jax.random.uniform(k2, (N_EDGES,), dtype=jnp.float32)
    edge_index = jax.random.randint(k3, (2, N_EDGES), 0, N_ITEMS, dtype=jnp.int32)
    return {"user_profiles": user_profiles, "edge_attrs": edge_attrs, "edge_index": edge_index}


def _segment_softmax(vals, seg, n):
    # numerically stable softmax within each segment (replaces the per-item
    # python loop of F.softmax over masked edges in the torch module)
    m = jax.ops.segment_max(vals, seg, num_segments=n)
    m = jnp.where(jnp.isfinite(m), m, 0.0)
    ex = jnp.exp(vals - m[seg])
    s = jax.ops.segment_sum(ex, seg, num_segments=n)
    return ex / s[seg]


def reference(user_profiles, edge_attrs, edge_index):
    from_ = edge_index[0]
    to_ = edge_index[1]
    scaled = edge_attrs / TEMPERATURE
    incoming_norm = _segment_softmax(scaled, to_, N_ITEMS)
    outgoing_norm = _segment_softmax(scaled, from_, N_ITEMS)
    edge_norm = jnp.sqrt(incoming_norm * outgoing_norm + 1e-10)
    # propagate: gather source item values per edge, weight, scatter-add to dst
    source_values = jnp.take(user_profiles, from_, axis=1) * edge_norm[None, :]  # [B, E]
    scores = jax.vmap(lambda row: jax.ops.segment_sum(row, to_, num_segments=N_ITEMS))(source_values)
    return scores

if __name__ == "__main__":
    import jax
    _d = setup_inputs()
    print(jax.jit(kernel)(*tuple(_d.values())))

</pallas_src>

<mosaic_0001>
#map = affine_map<(d0, d1) -> (0)>
#map1 = affine_map<(d0, d1) -> (0, 0)>
#map2 = affine_map<(d0, d1) -> (0, 0, 0)>
module attributes {stable_mosaic.version = 14 : i64} {
  func.func @_sc_body(%arg0: i32, %arg1: i32, %arg2: memref<327680xi32, #tpu.memory_space<hbm>>, %arg3: memref<327680xf32, #tpu.memory_space<hbm>>, %arg4: memref<5120x64xi32, #tpu.memory_space<hbm>>, %arg5: memref<10240x128xf32, #tpu.memory_space<hbm>>, %arg6: memref<2x10240x128xf32, #tpu.memory_space<hbm>>, %arg7: memref<2048xi32, #tpu.memory_space<vmem>>, %arg8: memref<2048xf32, #tpu.memory_space<vmem>>, %arg9: memref<32x64xi32, #tpu.memory_space<vmem>>, %arg10: memref<80x128xf32, #tpu.memory_space<vmem>>, %arg11: memref<80x128xf32, #tpu.memory_space<vmem>>, %arg12: memref<80xi32, #tpu.memory_space<vmem>>, %arg13: memref<64xf32, #tpu.memory_space<vmem>>, %arg14: memref<64x128xf32, #tpu.memory_space<vmem>>, %arg15: memref<64x128xf32, #tpu.memory_space<vmem>>, %arg16: memref<!tpu.dma_semaphore, #tpu.memory_space<semaphore_mem>>, %arg17: memref<!tpu.dma_semaphore, #tpu.memory_space<semaphore_mem>>, %arg18: memref<!tpu.dma_semaphore, #tpu.memory_space<semaphore_mem>>, %arg19: memref<!tpu.dma_semaphore, #tpu.memory_space<semaphore_mem>>, %arg20: memref<80x128xf32, #tpu.memory_space<vmem_shared>>, %arg21: memref<80x128xf32, #tpu.memory_space<vmem_shared>>, %arg22: memref<10240x128xf32, #tpu.memory_space<vmem_shared>>) attributes {dimension_semantics = [#tpu.dimension_semantics<core_parallel>, #tpu.dimension_semantics<subcore_parallel>], iteration_bounds = array<i64: 2, 16>, scalar_prefetch = 0 : i64, scratch_operands = 16 : i64, tpu.core_type = #tpu.core_type<sc_vector_subcore>, window_params = [{transform_indices = #map}, {transform_indices = #map}, {transform_indices = #map1}, {transform_indices = #map1}, {transform_indices = #map2}]} {
    %scan3A = arith.constant 0 : i32
    %scan3A_0 = arith.constant 0 : i32
    %scan3A_1 = arith.constant 80 : i32
    %scan3A_2 = arith.addi %scan3A_0, %scan3A_1 : i32
    %scan3A_3 = arith.constant 1 : i32
    scf.for %scan3A_207 = %scan3A_0 to %scan3A_2 step %scan3A_3  : i32 {
      %broadcast_in_dim3A = arith.constant 0.000000e+00 : f32
      %broadcast_in_dim3A_208 = vector.broadcast %broadcast_in_dim3A : f32 to vector<16xf32>
      %swap3A_209 = arith.index_cast %scan3A_207 : i32 to index
      %swap3A_210 = arith.constant 0 : index
      %swap3A_211 = tpu.vector_load %arg10[%swap3A_209, %swap3A_210] {strides = array<i32>} : memref<80x128xf32, #tpu.memory_space<vmem>>, vector<16xf32>,
      tpu.vector_store %arg10[%swap3A_209, %swap3A_210], %broadcast_in_dim3A_208 {strides = array<i32>} : memref<80x128xf32, #tpu.memory_space<vmem>>, vector<16xf32>,
      %broadcast_in_dim3A_212 = arith.constant 0.000000e+00 : f32
      %broadcast_in_dim3A_213 = vector.broadcast %broadcast_in_dim3A_212 : f32 to vector<16xf32>
      %swap3A_214 = arith.index_cast %scan3A_207 : i32 to index
      %swap3A_215 = arith.constant 0 : index
      %swap3A_216 = tpu.vector_load %arg11[%swap3A_214, %swap3A_215] {strides = array<i32>} : memref<80x128xf32, #tpu.memory_space<vmem>>, vector<16xf32>,
      tpu.vector_store %arg11[%swap3A_214, %swap3A_215], %broadcast_in_dim3A_213 {strides = array<i32>} : memref<80x128xf32, #tpu.memory_space<vmem>>, vector<16xf32>,
      %broadcast_in_dim3A_217 = arith.constant 0.000000e+00 : f32
      %broadcast_in_dim3A_218 = vector.broadcast %broadcast_in_dim3A_217 : f32 to vector<16xf32>
      %swap3A_219 = arith.index_cast %scan3A_207 : i32 to index
      %swap3A_220 = arith.constant 16 : index
      %swap3A_221 = tpu.vector_load %arg10[%swap3A_219, %swap3A_220] {strides = array<i32>} : memref<80x128xf32, #tpu.memory_space<vmem>>, vector<16xf32>,
      tpu.vector_store %arg10[%swap3A_219, %swap3A_220], %broadcast_in_dim3A_218 {strides = array<i32>} : memref<80x128xf32, #tpu.memory_space<vmem>>, vector<16xf32>,
      %broadcast_in_dim3A_222 = arith.constant 0.000000e+00 : f32
      %broadcast_in_dim3A_223 = vector.broadcast %broadcast_in_dim3A_222 : f32 to vector<16xf32>
      %swap3A_224 = arith.index_cast %scan3A_207 : i32 to index
      %swap3A_225 = arith.constant 16 : index
      %swap3A_226 = tpu.vector_load %arg11[%swap3A_224, %swap3A_225] {strides = array<i32>} : memref<80x128xf32, #tpu.memory_space<vmem>>, vector<16xf32>,
      tpu.vector_store %arg11[%swap3A_224, %swap3A_225], %broadcast_in_dim3A_223 {strides = array<i32>} : memref<80x128xf32, #tpu.memory_space<vmem>>, vector<16xf32>,
      %broadcast_in_dim3A_227 = arith.constant 0.000000e+00 : f32
      %broadcast_in_dim3A_228 = vector.broadcast %broadcast_in_dim3A_227 : f32 to vector<16xf32>
      %swap3A_229 = arith.index_cast %scan3A_207 : i32 to index
      %swap3A_230 = arith.constant 32 : index
      %swap3A_231 = tpu.vector_load %arg10[%swap3A_229, %swap3A_230] {strides = array<i32>} : memref<80x128xf32, #tpu.memory_space<vmem>>, vector<16xf32>,
      tpu.vector_store %arg10[%swap3A_229, %swap3A_230], %broadcast_in_dim3A_228 {strides = array<i32>} : memref<80x128xf32, #tpu.memory_space<vmem>>, vector<16xf32>,
      %broadcast_in_dim3A_232 = arith.constant 0.000000e+00 : f32
      %broadcast_in_dim3A_233 = vector.broadcast %broadcast_in_dim3A_232 : f32 to vector<16xf32>
      %swap3A_234 = arith.index_cast %scan3A_207 : i32 to index
      %swap3A_235 = arith.constant 32 : index
      %swap3A_236 = tpu.vector_load %arg11[%swap3A_234, %swap3A_235] {strides = array<i32>} : memref<80x128xf32, #tpu.memory_space<vmem>>, vector<16xf32>,
      tpu.vector_store %arg11[%swap3A_234, %swap3A_235], %broadcast_in_dim3A_233 {strides = array<i32>} : memref<80x128xf32, #tpu.memory_space<vmem>>, vector<16xf32>,
      %broadcast_in_dim3A_237 = arith.constant 0.000000e+00 : f32
      %broadcast_in_dim3A_238 = vector.broadcast %broadcast_in_dim3A_237 : f32 to vector<16xf32>
      %swap3A_239 = arith.index_cast %scan3A_207 : i32 to index
      %swap3A_240 = arith.constant 48 : index
      %swap3A_241 = tpu.vector_load %arg10[%swap3A_239, %swap3A_240] {strides = array<i32>} : memref<80x128xf32, #tpu.memory_space<vmem>>, vector<16xf32>,
      tpu.vector_store %arg10[%swap3A_239, %swap3A_240], %broadcast_in_dim3A_238 {strides = array<i32>} : memref<80x128xf32, #tpu.memory_space<vmem>>, vector<16xf32>,
      %broadcast_in_dim3A_242 = arith.constant 0.000000e+00 : f32
      %broadcast_in_dim3A_243 = vector.broadcast %broadcast_in_dim3A_242 : f32 to vector<16xf32>
      %swap3A_244 = arith.index_cast %scan3A_207 : i32 to index
      %swap3A_245 = arith.constant 48 : index
      %swap3A_246 = tpu.vector_load %arg11[%swap3A_244, %swap3A_245] {strides = array<i32>} : memref<80x128xf32, #tpu.memory_space<vmem>>, vector<16xf32>,
      tpu.vector_store %arg11[%swap3A_244, %swap3A_245], %broadcast_in_dim3A_243 {strides = array<i32>} : memref<80x128xf32, #tpu.memory_space<vmem>>, vector<16xf32>,
      %broadcast_in_dim3A_247 = arith.constant 0.000000e+00 : f32
      %broadcast_in_dim3A_248 = vector.broadcast %broadcast_in_dim3A_247 : f32 to vector<16xf32>
      %swap3A_249 = arith.index_cast %scan3A_207 : i32 to index
      %swap3A_250 = arith.constant 64 : index
      %swap3A_251 = tpu.vector_load %arg10[%swap3A_249, %swap3A_250] {strides = array<i32>} : memref<80x128xf32, #tpu.memory_space<vmem>>, vector<16xf32>,
      tpu.vector_store %arg10[%swap3A_249, %swap3A_250], %broadcast_in_dim3A_248 {strides = array<i32>} : memref<80x128xf32, #tpu.memory_space<vmem>>, vector<16xf32>,
      %broadcast_in_dim3A_252 = arith.constant 0.000000e+00 : f32
      %broadcast_in_dim3A_253 = vector.broadcast %broadcast_in_dim3A_252 : f32 to vector<16xf32>
      %swap3A_254 = arith.index_cast %scan3A_207 : i32 to index
      %swap3A_255 = arith.constant 64 : index
      %swap3A_256 = tpu.vector_load %arg11[%swap3A_254, %swap3A_255] {strides = array<i32>} : memref<80x128xf32, #tpu.memory_space<vmem>>, vector<16xf32>,
      tpu.vector_store %arg11[%swap3A_254, %swap3A_255], %broadcast_in_dim3A_253 {strides = array<i32>} : memref<80x128xf32, #tpu.memory_space<vmem>>, vector<16xf32>,
      %broadcast_in_dim3A_257 = arith.constant 0.000000e+00 : f32
      %broadcast_in_dim3A_258 = vector.broadcast %broadcast_in_dim3A_257 : f32 to vector<16xf32>
      %swap3A_259 = arith.index_cast %scan3A_207 : i32 to index
      %swap3A_260 = arith.constant 80 : index
      %swap3A_261 = tpu.vector_load %arg10[%swap3A_259, %swap3A_260] {strides = array<i32>} : memref<80x128xf32, #tpu.memory_space<vmem>>, vector<16xf32>,
      tpu.vector_store %arg10[%swap3A_259, %swap3A_260], %broadcast_in_dim3A_258 {strides = array<i32>} : memref<80x128xf32, #tpu.memory_space<vmem>>, vector<16xf32>,
      %broadcast_in_dim3A_262 = arith.constant 0.000000e+00 : f32
      %broadcast_in_dim3A_263 = vector.broadcast %broadcast_in_dim3A_262 : f32 to vector<16xf32>
      %swap3A_264 = arith.index_cast %scan3A_207 : i32 to index
      %swap3A_265 = arith.constant 80 : index
      %swap3A_266 = tpu.vector_load %arg11[%swap3A_264, %swap3A_265] {strides = array<i32>} : memref<80x128xf32, #tpu.memory_space<vmem>>, vector<16xf32>,
      tpu.vector_store %arg11[%swap3A_264, %swap3A_265], %broadcast_in_dim3A_263 {strides = array<i32>} : memref<80x128xf32, #tpu.memory_space<vmem>>, vector<16xf32>,
      %broadcast_in_dim3A_267 = arith.constant 0.000000e+00 : f32
      %broadcast_in_dim3A_268 = vector.broadcast %broadcast_in_dim3A_267 : f32 to vector<16xf32>
      %swap3A_269 = arith.index_cast %scan3A_207 : i32 to index
      %swap3A_270 = arith.constant 96 : index
      %swap3A_271 = tpu.vector_load %arg10[%swap3A_269, %swap3A_270] {strides = array<i32>} : memref<80x128xf32, #tpu.memory_space<vmem>>, vector<16xf32>,
      tpu.vector_store %arg10[%swap3A_269, %swap3A_270], %broadcast_in_dim3A_268 {strides = array<i32>} : memref<80x128xf32, #tpu.memory_space<vmem>>, vector<16xf32>,
      %broadcast_in_dim3A_272 = arith.constant 0.000000e+00 : f32
      %broadcast_in_dim3A_273 = vector.broadcast %broadcast_in_dim3A_272 : f32 to vector<16xf32>
      %swap3A_274 = arith.index_cast %scan3A_207 : i32 to index
      %swap3A_275 = arith.constant 96 : index
      %swap3A_276 = tpu.vector_load %arg11[%swap3A_274, %swap3A_275] {strides = array<i32>} : memref<80x128xf32, #tpu.memory_space<vmem>>, vector<16xf32>,
      tpu.vector_store %arg11[%swap3A_274, %swap3A_275], %broadcast_in_dim3A_273 {strides = array<i32>} : memref<80x128xf32, #tpu.memory_space<vmem>>, vector<16xf32>,
      %broadcast_in_dim3A_277 = arith.constant 0.000000e+00 : f32
      %broadcast_in_dim3A_278 = vector.broadcast %broadcast_in_dim3A_277 : f32 to vector<16xf32>
      %swap3A_279 = arith.index_cast %scan3A_207 : i32 to index
      %swap3A_280 = arith.constant 112 : index
      %swap3A_281 = tpu.vector_load %arg10[%swap3A_279, %swap3A_280] {strides = array<i32>} : memref<80x128xf32, #tpu.memory_space<vmem>>, vector<16xf32>,
      tpu.vector_store %arg10[%swap3A_279, %swap3A_280], %broadcast_in_dim3A_278 {strides = array<i32>} : memref<80x128xf32, #tpu.memory_space<vmem>>, vector<16xf32>,
      %broadcast_in_dim3A_282 = arith.constant 0.000000e+00 : f32
      %broadcast_in_dim3A_283 = vector.broadcast %broadcast_in_dim3A_282 : f32 to vector<16xf32>
      %swap3A_284 = arith.index_cast %scan3A_207 : i32 to index
      %swap3A_285 = arith.constant 112 : index
      %swap3A_286 = tpu.vector_load %arg11[%swap3A_284, %swap3A_285] {strides = array<i32>} : memref<80x128xf32, #tpu.memory_space<vmem>>, vector<16xf32>,
      tpu.vector_store %arg11[%swap3A_284, %swap3A_285], %broadcast_in_dim3A_283 {strides = array<i32>} : memref<80x128xf32, #tpu.memory_space<vmem>>, vector<16xf32>,
    }
    %scan3A_4 = arith.constant 80 : i32
    %scan3A_5 = arith.constant 0 : i32
    %scan3A_6 = arith.constant 0 : i32
    %scan3A_7 = arith.constant 64 : i32
    %scan3A_8 = arith.addi %scan3A_6, %scan3A_7 : i32
    %scan3A_9 = arith.constant 1 : i32
    scf.for %scan3A_207 = %scan3A_6 to %scan3A_8 step %scan3A_9  : i32 {
      %broadcast_in_dim3A = arith.constant 0.000000e+00 : f32
      %broadcast_in_dim3A_208 = vector.broadcast %broadcast_in_dim3A : f32 to vector<16xf32>
      %swap3A_209 = arith.index_cast %scan3A_207 : i32 to index
      %swap3A_210 = arith.constant 0 : index
      %swap3A_211 = tpu.vector_load %arg14[%swap3A_209, %swap3A_210] {strides = array<i32>} : memref<64x128xf32, #tpu.memory_space<vmem>>, vector<16xf32>,
      tpu.vector_store %arg14[%swap3A_209, %swap3A_210], %broadcast_in_dim3A_208 {strides = array<i32>} : memref<64x128xf32, #tpu.memory_space<vmem>>, vector<16xf32>,
      %broadcast_in_dim3A_212 = arith.constant 0.000000e+00 : f32
      %broadcast_in_dim3A_213 = vector.broadcast %broadcast_in_dim3A_212 : f32 to vector<16xf32>
      %swap3A_214 = arith.index_cast %scan3A_207 : i32 to index
      %swap3A_215 = arith.constant 16 : index
      %swap3A_216 = tpu.vector_load %arg14[%swap3A_214, %swap3A_215] {strides = array<i32>} : memref<64x128xf32, #tpu.memory_space<vmem>>, vector<16xf32>,
      tpu.vector_store %arg14[%swap3A_214, %swap3A_215], %broadcast_in_dim3A_213 {strides = array<i32>} : memref<64x128xf32, #tpu.memory_space<vmem>>, vector<16xf32>,
      %broadcast_in_dim3A_217 = arith.constant 0.000000e+00 : f32
      %broadcast_in_dim3A_218 = vector.broadcast %broadcast_in_dim3A_217 : f32 to vector<16xf32>
      %swap3A_219 = arith.index_cast %scan3A_207 : i32 to index
      %swap3A_220 = arith.constant 32 : index
      %swap3A_221 = tpu.vector_load %arg14[%swap3A_219, %swap3A_220] {strides = array<i32>} : memref<64x128xf32, #tpu.memory_space<vmem>>, vector<16xf32>,
      tpu.vector_store %arg14[%swap3A_219, %swap3A_220], %broadcast_in_dim3A_218 {strides = array<i32>} : memref<64x128xf32, #tpu.memory_space<vmem>>, vector<16xf32>,
      %broadcast_in_dim3A_222 = arith.constant 0.000000e+00 : f32
      %broadcast_in_dim3A_223 = vector.broadcast %broadcast_in_dim3A_222 : f32 to vector<16xf32>
      %swap3A_224 = arith.index_cast %scan3A_207 : i32 to index
      %swap3A_225 = arith.constant 48 : index
      %swap3A_226 = tpu.vector_load %arg14[%swap3A_224, %swap3A_225] {strides = array<i32>} : memref<64x128xf32, #tpu.memory_space<vmem>>, vector<16xf32>,
      tpu.vector_store %arg14[%swap3A_224, %swap3A_225], %broadcast_in_dim3A_223 {strides = array<i32>} : memref<64x128xf32, #tpu.memory_space<vmem>>, vector<16xf32>,
      %broadcast_in_dim3A_227 = arith.constant 0.000000e+00 : f32
      %broadcast_in_dim3A_228 = vector.broadcast %broadcast_in_dim3A_227 : f32 to vector<16xf32>
      %swap3A_229 = arith.index_cast %scan3A_207 : i32 to index
      %swap3A_230 = arith.constant 64 : index
      %swap3A_231 = tpu.vector_load %arg14[%swap3A_229, %swap3A_230] {strides = array<i32>} : memref<64x128xf32, #tpu.memory_space<vmem>>, vector<16xf32>,
      tpu.vector_store %arg14[%swap3A_229, %swap3A_230], %broadcast_in_dim3A_228 {strides = array<i32>} : memref<64x128xf32, #tpu.memory_space<vmem>>, vector<16xf32>,
      %broadcast_in_dim3A_232 = arith.constant 0.000000e+00 : f32
      %broadcast_in_dim3A_233 = vector.broadcast %broadcast_in_dim3A_232 : f32 to vector<16xf32>
      %swap3A_234 = arith.index_cast %scan3A_207 : i32 to index
      %swap3A_235 = arith.constant 80 : index
      %swap3A_236 = tpu.vector_load %arg14[%swap3A_234, %swap3A_235] {strides = array<i32>} : memref<64x128xf32, #tpu.memory_space<vmem>>, vector<16xf32>,
      tpu.vector_store %arg14[%swap3A_234, %swap3A_235], %broadcast_in_dim3A_233 {strides = array<i32>} : memref<64x128xf32, #tpu.memory_space<vmem>>, vector<16xf32>,
      %broadcast_in_dim3A_237 = arith.constant 0.000000e+00 : f32
      %broadcast_in_dim3A_238 = vector.broadcast %broadcast_in_dim3A_237 : f32 to vector<16xf32>
      %swap3A_239 = arith.index_cast %scan3A_207 : i32 to index
      %swap3A_240 = arith.constant 96 : index
      %swap3A_241 = tpu.vector_load %arg14[%swap3A_239, %swap3A_240] {strides = array<i32>} : memref<64x128xf32, #tpu.memory_space<vmem>>, vector<16xf32>,
      tpu.vector_store %arg14[%swap3A_239, %swap3A_240], %broadcast_in_dim3A_238 {strides = array<i32>} : memref<64x128xf32, #tpu.memory_space<vmem>>, vector<16xf32>,
      %broadcast_in_dim3A_242 = arith.constant 0.000000e+00 : f32
      %broadcast_in_dim3A_243 = vector.broadcast %broadcast_in_dim3A_242 : f32 to vector<16xf32>
      %swap3A_244 = arith.index_cast %scan3A_207 : i32 to index
      %swap3A_245 = arith.constant 112 : index
      %swap3A_246 = tpu.vector_load %arg14[%swap3A_244, %swap3A_245] {strides = array<i32>} : memref<64x128xf32, #tpu.memory_space<vmem>>, vector<16xf32>,
      tpu.vector_store %arg14[%swap3A_244, %swap3A_245], %broadcast_in_dim3A_243 {strides = array<i32>} : memref<64x128xf32, #tpu.memory_space<vmem>>, vector<16xf32>,
    }
    %scan3A_10 = arith.constant 64 : i32
    %iota3A = tpu.iota {dimensions = array<i32: 0>} : vector<16xi32>
    %add3A = arith.constant 0 : i32
    %add3A_11 = vector.broadcast %add3A : i32 to vector<16xi32>
    %add3A_12 = arith.addi %iota3A, %add3A_11 : vector<16xi32>
    %swap3A = arith.constant 0 : index
    %swap3A_13 = tpu.vector_load %arg12[%swap3A] {strides = array<i32>} : memref<80xi32, #tpu.memory_space<vmem>>, vector<16xi32>,
    tpu.vector_store %arg12[%swap3A], %add3A_12 {strides = array<i32>} : memref<80xi32, #tpu.memory_space<vmem>>, vector<16xi32>,
    %iota3A_14 = tpu.iota {dimensions = array<i32: 0>} : vector<16xi32>
    %add3A_15 = arith.constant 16 : i32
    %add3A_16 = vector.broadcast %add3A_15 : i32 to vector<16xi32>
    %add3A_17 = arith.addi %iota3A_14, %add3A_16 : vector<16xi32>
    %swap3A_18 = arith.constant 16 : index
    %swap3A_19 = tpu.vector_load %arg12[%swap3A_18] {strides = array<i32>} : memref<80xi32, #tpu.memory_space<vmem>>, vector<16xi32>,
    tpu.vector_store %arg12[%swap3A_18], %add3A_17 {strides = array<i32>} : memref<80xi32, #tpu.memory_space<vmem>>, vector<16xi32>,
    %iota3A_20 = tpu.iota {dimensions = array<i32: 0>} : vector<16xi32>
    %add3A_21 = arith.constant 32 : i32
    %add3A_22 = vector.broadcast %add3A_21 : i32 to vector<16xi32>
    %add3A_23 = arith.addi %iota3A_20, %add3A_22 : vector<16xi32>
    %swap3A_24 = arith.constant 32 : index
    %swap3A_25 = tpu.vector_load %arg12[%swap3A_24] {strides = array<i32>} : memref<80xi32, #tpu.memory_space<vmem>>, vector<16xi32>,
    tpu.vector_store %arg12[%swap3A_24], %add3A_23 {strides = array<i32>} : memref<80xi32, #tpu.memory_space<vmem>>, vector<16xi32>,
    %iota3A_26 = tpu.iota {dimensions = array<i32: 0>} : vector<16xi32>
    %add3A_27 = arith.constant 48 : i32
    %add3A_28 = vector.broadcast %add3A_27 : i32 to vector<16xi32>
    %add3A_29 = arith.addi %iota3A_26, %add3A_28 : vector<16xi32>
    %swap3A_30 = arith.constant 48 : index
    %swap3A_31 = tpu.vector_load %arg12[%swap3A_30] {strides = array<i32>} : memref<80xi32, #tpu.memory_space<vmem>>, vector<16xi32>,
    tpu.vector_store %arg12[%swap3A_30], %add3A_29 {strides = array<i32>} : memref<80xi32, #tpu.memory_space<vmem>>, vector<16xi32>,
    %iota3A_32 = tpu.iota {dimensions = array<i32: 0>} : vector<16xi32>
    %add3A_33 = arith.constant 64 : i32
    %add3A_34 = vector.broadcast %add3A_33 : i32 to vector<16xi32>
    %add3A_35 = arith.addi %iota3A_32, %add3A_34 : vector<16xi32>
    %swap3A_36 = arith.constant 64 : index
    %swap3A_37 = tpu.vector_load %arg12[%swap3A_36] {strides = array<i32>} : memref<80xi32, #tpu.memory_space<vmem>>, vector<16xi32>,
    tpu.vector_store %arg12[%swap3A_36], %add3A_35 {strides = array<i32>} : memref<80xi32, #tpu.memory_space<vmem>>, vector<16xi32>,
    %scan3A_38 = arith.constant 0 : i32
    %scan3A_39 = arith.constant 0 : i32
    %scan3A_40 = arith.constant 10 : i32
    %scan3A_41 = arith.addi %scan3A_39, %scan3A_40 : i32
    %scan3A_42 = arith.constant 1 : i32
    scf.for %scan3A_207 = %scan3A_39 to %scan3A_41 step %scan3A_42  : i32 {
      %mul3A_208 = arith.constant 20480 : i32
      %mul3A_209 = arith.muli %arg1, %mul3A_208 : i32
      %mul3A_210 = arith.constant 2048 : i32
      %mul3A_211 = arith.muli %scan3A_207, %mul3A_210 : i32
      %add3A_212 = arith.addi %mul3A_209, %mul3A_211 : i32
      %multiple_of3A_213 = tpu.assume_multiple %add3A_212, 2048 : i32
      %mul3A_214 = arith.constant 320 : i32
      %mul3A_215 = arith.muli %arg1, %mul3A_214 : i32
      %mul3A_216 = arith.constant 32 : i32
      %mul3A_217 = arith.muli %scan3A_207, %mul3A_216 : i32
      %add3A_218 = arith.addi %mul3A_215, %mul3A_217 : i32
      %multiple_of3A_219 = tpu.assume_multiple %add3A_218, 8 : i32
      "tpu.region"() ({
        %run_scoped3A = tpu.sem_alloc : memref<!tpu.dma_semaphore, #tpu.memory_space<semaphore_mem>>
        %dma_start3A_222 = arith.constant 0 : i32
        %dma_start3A_223 = tpu.memref_slice %arg4[%multiple_of3A_219, %dma_start3A_222] : memref<5120x64xi32, #tpu.memory_space<hbm>> -> memref<32x64xi32, #tpu.memory_space<hbm>>
        %dma_start3A_224 = arith.constant 0 : i32
        %dma_start3A_225 = tpu.memref_slice %arg4[%multiple_of3A_219, %dma_start3A_224] : memref<5120x64xi32, #tpu.memory_space<hbm>> -> memref<32x64xi32, #tpu.memory_space<hbm>>
        tpu.enqueue_dma source(%dma_start3A_225 : memref<32x64xi32, #tpu.memory_space<hbm>>) target(%arg9 : memref<32x64xi32, #tpu.memory_space<vmem>>) target_semaphore(%run_scoped3A : memref<!tpu.dma_semaphore, #tpu.memory_space<semaphore_mem>>)
        %dma_wait3A_226 = arith.constant 0 : i32
        %dma_wait3A_227 = tpu.memref_slice %arg4[%multiple_of3A_219, %dma_wait3A_226] : memref<5120x64xi32, #tpu.memory_space<hbm>> -> memref<32x64xi32, #tpu.memory_space<hbm>>
        %dma_wait3A_228 = arith.constant 0 : i32
        %dma_wait3A_229 = tpu.memref_slice %arg4[%multiple_of3A_219, %dma_wait3A_228] : memref<5120x64xi32, #tpu.memory_space<hbm>> -> memref<32x64xi32, #tpu.memory_space<hbm>>
        tpu.wait_dma2 semaphore(%run_scoped3A : memref<!tpu.dma_semaphore, #tpu.memory_space<semaphore_mem>>) src(%dma_wait3A_229 : memref<32x64xi32, #tpu.memory_space<hbm>>) dst(%arg9 : memref<32x64xi32, #tpu.memory_space<vmem>>)
        tpu.yield
      }) : () -> ()
      "tpu.region"() ({
        %run_scoped3A = tpu.sem_alloc : memref<!tpu.dma_semaphore, #tpu.memory_space<semaphore_mem>>
        %dma_start3A_222 = tpu.memref_slice %arg2[%multiple_of3A_213] : memref<327680xi32, #tpu.memory_space<hbm>> -> memref<2048xi32, #tpu.memory_space<hbm>>
        %dma_start3A_223 = tpu.memref_slice %arg2[%multiple_of3A_213] : memref<327680xi32, #tpu.memory_space<hbm>> -> memref<2048xi32, #tpu.memory_space<hbm>>
        tpu.enqueue_dma source(%dma_start3A_223 : memref<2048xi32, #tpu.memory_space<hbm>>) target(%arg7 : memref<2048xi32, #tpu.memory_space<vmem>>) target_semaphore(%run_scoped3A : memref<!tpu.dma_semaphore, #tpu.memory_space<semaphore_mem>>)
        %dma_wait3A_224 = tpu.memref_slice %arg2[%multiple_of3A_213] : memref<327680xi32, #tpu.memory_space<hbm>> -> memref<2048xi32, #tpu.memory_space<hbm>>
        %dma_wait3A_225 = tpu.memref_slice %arg2[%multiple_of3A_213] : memref<327680xi32, #tpu.memory_space<hbm>> -> memref<2048xi32, #tpu.memory_space<hbm>>
        tpu.wait_dma2 semaphore(%run_scoped3A : memref<!tpu.dma_semaphore, #tpu.memory_space<semaphore_mem>>) src(%dma_wait3A_225 : memref<2048xi32, #tpu.memory_space<hbm>>) dst(%arg7 : memref<2048xi32, #tpu.memory_space<vmem>>)
        tpu.yield
      }) : () -> ()
      "tpu.region"() ({
        %run_scoped3A = tpu.sem_alloc : memref<!tpu.dma_semaphore, #tpu.memory_space<semaphore_mem>>
        %dma_start3A_222 = tpu.memref_slice %arg3[%multiple_of3A_213] : memref<327680xf32, #tpu.memory_space<hbm>> -> memref<2048xf32, #tpu.memory_space<hbm>>
        %dma_start3A_223 = tpu.memref_slice %arg3[%multiple_of3A_213] : memref<327680xf32, #tpu.memory_space<hbm>> -> memref<2048xf32, #tpu.memory_space<hbm>>
        tpu.enqueue_dma source(%dma_start3A_223 : memref<2048xf32, #tpu.memory_space<hbm>>) target(%arg8 : memref<2048xf32, #tpu.memory_space<vmem>>) target_semaphore(%run_scoped3A : memref<!tpu.dma_semaphore, #tpu.memory_space<semaphore_mem>>)
        %dma_wait3A_224 = tpu.memref_slice %arg3[%multiple_of3A_213] : memref<327680xf32, #tpu.memory_space<hbm>> -> memref<2048xf32, #tpu.memory_space<hbm>>
        %dma_wait3A_225 = tpu.memref_slice %arg3[%multiple_of3A_213] : memref<327680xf32, #tpu.memory_space<hbm>> -> memref<2048xf32, #tpu.memory_space<hbm>>
        tpu.wait_dma2 semaphore(%run_scoped3A : memref<!tpu.dma_semaphore, #tpu.memory_space<semaphore_mem>>) src(%dma_wait3A_225 : memref<2048xf32, #tpu.memory_space<hbm>>) dst(%arg8 : memref<2048xf32, #tpu.memory_space<vmem>>)
        tpu.yield
      }) : () -> ()
      %parallel_loop3A = arith.constant 0 : i32
      %parallel_loop3A_220 = arith.constant 128 : i32
      %parallel_loop3A_221 = arith.constant 1 : i32
      scf.for %parallel_loop3A_222 = %parallel_loop3A to %parallel_loop3A_220 step %parallel_loop3A_221  : i32 {
        %parallel_loop3A_223 = arith.constant 4 : i32
        %parallel_loop3A_224 = arith.divsi %parallel_loop3A_222, %parallel_loop3A_223 : i32
        %parallel_loop3A_225 = arith.constant 0 : i32
        %parallel_loop3A_226 = arith.cmpi sgt, %parallel_loop3A_222, %parallel_loop3A_225 : i32
        %parallel_loop3A_227 = arith.extui %parallel_loop3A_226 : i1 to i32
        %parallel_loop3A_228 = arith.constant 0 : i32
        %parallel_loop3A_229 = arith.cmpi slt, %parallel_loop3A_222, %parallel_loop3A_228 : i32
        %parallel_loop3A_230 = arith.extui %parallel_loop3A_229 : i1 to i32
        %parallel_loop3A_231 = arith.subi %parallel_loop3A_227, %parallel_loop3A_230 : i32
        %parallel_loop3A_232 = arith.constant 0 : i32
        %parallel_loop3A_233 = arith.cmpi sgt, %parallel_loop3A_223, %parallel_loop3A_232 : i32
        %parallel_loop3A_234 = arith.extui %parallel_loop3A_233 : i1 to i32
        %parallel_loop3A_235 = arith.constant 0 : i32
        %parallel_loop3A_236 = arith.cmpi slt, %parallel_loop3A_223, %parallel_loop3A_235 : i32
        %parallel_loop3A_237 = arith.extui %parallel_loop3A_236 : i1 to i32
        %parallel_loop3A_238 = arith.subi %parallel_loop3A_234, %parallel_loop3A_237 : i32
        %parallel_loop3A_239 = arith.cmpi ne, %parallel_loop3A_231, %parallel_loop3A_238 : i32
        %parallel_loop3A_240 = arith.remsi %parallel_loop3A_222, %parallel_loop3A_223 : i32
        %parallel_loop3A_241 = arith.constant 0 : i32
        %parallel_loop3A_242 = arith.cmpi ne, %parallel_loop3A_240, %parallel_loop3A_241 : i32
        %parallel_loop3A_243 = arith.andi %parallel_loop3A_239, %parallel_loop3A_242 : i1
        %parallel_loop3A_244 = arith.constant 1 : i32
        %parallel_loop3A_245 = arith.subi %parallel_loop3A_224, %parallel_loop3A_244 : i32
        %parallel_loop3A_246 = arith.select %parallel_loop3A_243, %parallel_loop3A_245, %parallel_loop3A_224 : i32
        %parallel_loop3A_247 = arith.constant 4 : i32
        %parallel_loop3A_248 = arith.muli %parallel_loop3A_246, %parallel_loop3A_247 : i32
        %parallel_loop3A_249 = arith.subi %parallel_loop3A_222, %parallel_loop3A_248 : i32
        %parallel_loop3A_250 = arith.constant 16 : i32
        %parallel_loop3A_251 = arith.muli %parallel_loop3A_222, %parallel_loop3A_250 : i32
        %parallel_loop3A_252 = arith.index_cast %parallel_loop3A_251 : i32 to index
        %parallel_loop3A_253 = tpu.vector_load %arg8[%parallel_loop3A_252] {strides = array<i32>} : memref<2048xf32, #tpu.memory_space<vmem>>, vector<16xf32>,
        %parallel_loop3A_254 = math.exp %parallel_loop3A_253 : vector<16xf32>
        %parallel_loop3A_255 = arith.constant 16 : i32
        %parallel_loop3A_256 = arith.muli %parallel_loop3A_249, %parallel_loop3A_255 : i32
        %parallel_loop3A_257 = arith.index_cast %parallel_loop3A_246 : i32 to index
        %parallel_loop3A_258 = arith.index_cast %parallel_loop3A_256 : i32 to index
        %parallel_loop3A_259 = tpu.vector_load %arg9[%parallel_loop3A_257, %parallel_loop3A_258] {strides = array<i32>} : memref<32x64xi32, #tpu.memory_space<vmem>>, vector<16xi32>,
        %parallel_loop3A_260 = arith.constant 16 : i32
        %parallel_loop3A_261 = arith.muli %parallel_loop3A_222, %parallel_loop3A_260 : i32
        %parallel_loop3A_262 = arith.index_cast %parallel_loop3A_261 : i32 to index
        %parallel_loop3A_263 = tpu.vector_load %arg7[%parallel_loop3A_262] {strides = array<i32>} : memref<2048xi32, #tpu.memory_space<vmem>>, vector<16xi32>,
        %parallel_loop3A_264 = arith.constant 7 : i32
        %parallel_loop3A_265 = vector.broadcast %parallel_loop3A_264 : i32 to vector<16xi32>
        %parallel_loop3A_266 = arith.shrsi %parallel_loop3A_259, %parallel_loop3A_265 : vector<16xi32>
        %parallel_loop3A_267 = arith.constant 127 : i32
        %parallel_loop3A_268 = vector.broadcast %parallel_loop3A_267 : i32 to vector<16xi32>
        %parallel_loop3A_269 = arith.andi %parallel_loop3A_259, %parallel_loop3A_268 : vector<16xi32>
        tpu.vector_store_idx %arg10[%parallel_loop3A_266, %parallel_loop3A_269], %parallel_loop3A_254 {add = true} : memref<80x128xf32, #tpu.memory_space<vmem>>[vector<16xi32>, vector<16xi32>], vector<16xf32>,
        %parallel_loop3A_270 = arith.constant 7 : i32
        %parallel_loop3A_271 = vector.broadcast %parallel_loop3A_270 : i32 to vector<16xi32>
        %parallel_loop3A_272 = arith.shrsi %parallel_loop3A_263, %parallel_loop3A_271 : vector<16xi32>
        %parallel_loop3A_273 = arith.constant 127 : i32
        %parallel_loop3A_274 = vector.broadcast %parallel_loop3A_273 : i32 to vector<16xi32>
        %parallel_loop3A_275 = arith.andi %parallel_loop3A_263, %parallel_loop3A_274 : vector<16xi32>
        tpu.vector_store_idx %arg11[%parallel_loop3A_272, %parallel_loop3A_275], %parallel_loop3A_254 {add = true} : memref<80x128xf32, #tpu.memory_space<vmem>>[vector<16xi32>, vector<16xi32>], vector<16xf32>,
      } {sc.loop_unroll_factor = 4 : i64, sc.parallel_access}
    }
    %scan3A_43 = arith.constant 10 : i32
    %mul3A = arith.constant 640 : i32
    %mul3A_44 = arith.muli %arg1, %mul3A : i32
    %add3A_45 = arith.constant 0 : i32
    %add3A_46 = arith.addi %mul3A_44, %add3A_45 : i32
    %multiple_of3A = tpu.assume_multiple %add3A_46, 8 : i32
    %dma_start3A = arith.constant 0 : i32
    %dma_start3A_47 = tpu.memref_slice %arg22[%multiple_of3A, %dma_start3A] : memref<10240x128xf32, #tpu.memory_space<vmem_shared>> -> memref<64x128xf32, #tpu.memory_space<vmem_shared>>
    %dma_start3A_48 = arith.constant 0 : i32
    %dma_start3A_49 = tpu.memref_slice %arg22[%multiple_of3A, %dma_start3A_48] : memref<10240x128xf32, #tpu.memory_space<vmem_shared>> -> memref<64x128xf32, #tpu.memory_space<vmem_shared>>
    tpu.enqueue_dma source(%arg14 : memref<64x128xf32, #tpu.memory_space<vmem>>) target(%dma_start3A_49 : memref<64x128xf32, #tpu.memory_space<vmem_shared>>) target_semaphore(%arg18 : memref<!tpu.dma_semaphore, #tpu.memory_space<semaphore_mem>>)
    %mul3A_50 = arith.constant 640 : i32
    %mul3A_51 = arith.muli %arg1, %mul3A_50 : i32
    %add3A_52 = arith.constant 64 : i32
    %add3A_53 = arith.addi %mul3A_51, %add3A_52 : i32
    %multiple_of3A_54 = tpu.assume_multiple %add3A_53, 8 : i32
    %dma_start3A_55 = arith.constant 0 : i32
    %dma_start3A_56 = tpu.memref_slice %arg22[%multiple_of3A_54, %dma_start3A_55] : memref<10240x128xf32, #tpu.memory_space<vmem_shared>> -> memref<64x128xf32, #tpu.memory_space<vmem_shared>>
    %dma_start3A_57 = arith.constant 0 : i32
    %dma_start3A_58 = tpu.memref_slice %arg22[%multiple_of3A_54, %dma_start3A_57] : memref<10240x128xf32, #tpu.memory_space<vmem_shared>> -> memref<64x128xf32, #tpu.memory_space<vmem_shared>>
    tpu.enqueue_dma source(%arg14 : memref<64x128xf32, #tpu.memory_space<vmem>>) target(%dma_start3A_58 : memref<64x128xf32, #tpu.memory_space<vmem_shared>>) target_semaphore(%arg18 : memref<!tpu.dma_semaphore, #tpu.memory_space<semaphore_mem>>)
    %mul3A_59 = arith.constant 640 : i32
    %mul3A_60 = arith.muli %arg1, %mul3A_59 : i32
    %add3A_61 = arith.constant 128 : i32
    %add3A_62 = arith.addi %mul3A_60, %add3A_61 : i32
    %multiple_of3A_63 = tpu.assume_multiple %add3A_62, 8 : i32
    %dma_start3A_64 = arith.constant 0 : i32
    %dma_start3A_65 = tpu.memref_slice %arg22[%multiple_of3A_63, %dma_start3A_64] : memref<10240x128xf32, #tpu.memory_space<vmem_shared>> -> memref<64x128xf32, #tpu.memory_space<vmem_shared>>
    %dma_start3A_66 = arith.constant 0 : i32
    %dma_start3A_67 = tpu.memref_slice %arg22[%multiple_of3A_63, %dma_start3A_66] : memref<10240x128xf32, #tpu.memory_space<vmem_shared>> -> memref<64x128xf32, #tpu.memory_space<vmem_shared>>
    tpu.enqueue_dma source(%arg14 : memref<64x128xf32, #tpu.memory_space<vmem>>) target(%dma_start3A_67 : memref<64x128xf32, #tpu.memory_space<vmem_shared>>) target_semaphore(%arg18 : memref<!tpu.dma_semaphore, #tpu.memory_space<semaphore_mem>>)
    %mul3A_68 = arith.constant 640 : i32
    %mul3A_69 = arith.muli %arg1, %mul3A_68 : i32
    %add3A_70 = arith.constant 192 : i32
    %add3A_71 = arith.addi %mul3A_69, %add3A_70 : i32
    %multiple_of3A_72 = tpu.assume_multiple %add3A_71, 8 : i32
    %dma_start3A_73 = arith.constant 0 : i32
    %dma_start3A_74 = tpu.memref_slice %arg22[%multiple_of3A_72, %dma_start3A_73] : memref<10240x128xf32, #tpu.memory_space<vmem_shared>> -> memref<64x128xf32, #tpu.memory_space<vmem_shared>>
    %dma_start3A_75 = arith.constant 0 : i32
    %dma_start3A_76 = tpu.memref_slice %arg22[%multiple_of3A_72, %dma_start3A_75] : memref<10240x128xf32, #tpu.memory_space<vmem_shared>> -> memref<64x128xf32, #tpu.memory_space<vmem_shared>>
    tpu.enqueue_dma source(%arg14 : memref<64x128xf32, #tpu.memory_space<vmem>>) target(%dma_start3A_76 : memref<64x128xf32, #tpu.memory_space<vmem_shared>>) target_semaphore(%arg18 : memref<!tpu.dma_semaphore, #tpu.memory_space<semaphore_mem>>)
    %mul3A_77 = arith.constant 640 : i32
    %mul3A_78 = arith.muli %arg1, %mul3A_77 : i32
    %add3A_79 = arith.constant 256 : i32
    %add3A_80 = arith.addi %mul3A_78, %add3A_79 : i32
    %multiple_of3A_81 = tpu.assume_multiple %add3A_80, 8 : i32
    %dma_start3A_82 = arith.constant 0 : i32
    %dma_start3A_83 = tpu.memref_slice %arg22[%multiple_of3A_81, %dma_start3A_82] : memref<10240x128xf32, #tpu.memory_space<vmem_shared>> -> memref<64x128xf32, #tpu.memory_space<vmem_shared>>
    %dma_start3A_84 = arith.constant 0 : i32
    %dma_start3A_85 = tpu.memref_slice %arg22[%multiple_of3A_81, %dma_start3A_84] : memref<10240x128xf32, #tpu.memory_space<vmem_shared>> -> memref<64x128xf32, #tpu.memory_space<vmem_shared>>
    tpu.enqueue_dma source(%arg14 : memref<64x128xf32, #tpu.memory_space<vmem>>) target(%dma_start3A_85 : memref<64x128xf32, #tpu.memory_space<vmem_shared>>) target_semaphore(%arg18 : memref<!tpu.dma_semaphore, #tpu.memory_space<semaphore_mem>>)
    %mul3A_86 = arith.constant 640 : i32
    %mul3A_87 = arith.muli %arg1, %mul3A_86 : i32
    %add3A_88 = arith.constant 320 : i32
    %add3A_89 = arith.addi %mul3A_87, %add3A_88 : i32
    %multiple_of3A_90 = tpu.assume_multiple %add3A_89, 8 : i32
    %dma_start3A_91 = arith.constant 0 : i32
    %dma_start3A_92 = tpu.memref_slice %arg22[%multiple_of3A_90, %dma_start3A_91] : memref<10240x128xf32, #tpu.memory_space<vmem_shared>> -> memref<64x128xf32, #tpu.memory_space<vmem_shared>>
    %dma_start3A_93 = arith.constant 0 : i32
    %dma_start3A_94 = tpu.memref_slice %arg22[%multiple_of3A_90, %dma_start3A_93] : memref<10240x128xf32, #tpu.memory_space<vmem_shared>> -> memref<64x128xf32, #tpu.memory_space<vmem_shared>>
    tpu.enqueue_dma source(%arg14 : memref<64x128xf32, #tpu.memory_space<vmem>>) target(%dma_start3A_94 : memref<64x128xf32, #tpu.memory_space<vmem_shared>>) target_semaphore(%arg18 : memref<!tpu.dma_semaphore, #tpu.memory_space<semaphore_mem>>)
    %mul3A_95 = arith.constant 640 : i32
    %mul3A_96 = arith.muli %arg1, %mul3A_95 : i32
    %add3A_97 = arith.constant 384 : i32
    %add3A_98 = arith.addi %mul3A_96, %add3A_97 : i32
    %multiple_of3A_99 = tpu.assume_multiple %add3A_98, 8 : i32
    %dma_start3A_100 = arith.constant 0 : i32
    %dma_start3A_101 = tpu.memref_slice %arg22[%multiple_of3A_99, %dma_start3A_100] : memref<10240x128xf32, #tpu.memory_space<vmem_shared>> -> memref<64x128xf32, #tpu.memory_space<vmem_shared>>
    %dma_start3A_102 = arith.constant 0 : i32
    %dma_start3A_103 = tpu.memref_slice %arg22[%multiple_of3A_99, %dma_start3A_102] : memref<10240x128xf32, #tpu.memory_space<vmem_shared>> -> memref<64x128xf32, #tpu.memory_space<vmem_shared>>
    tpu.enqueue_dma source(%arg14 : memref<64x128xf32, #tpu.memory_space<vmem>>) target(%dma_start3A_103 : memref<64x128xf32, #tpu.memory_space<vmem_shared>>) target_semaphore(%arg18 : memref<!tpu.dma_semaphore, #tpu.memory_space<semaphore_mem>>)
    %mul3A_104 = arith.constant 640 : i32
    %mul3A_105 = arith.muli %arg1, %mul3A_104 : i32
    %add3A_106 = arith.constant 448 : i32
    %add3A_107 = arith.addi %mul3A_105, %add3A_106 : i32
    %multiple_of3A_108 = tpu.assume_multiple %add3A_107, 8 : i32
    %dma_start3A_109 = arith.constant 0 : i32
    %dma_start3A_110 = tpu.memref_slice %arg22[%multiple_of3A_108, %dma_start3A_109] : memref<10240x128xf32, #tpu.memory_space<vmem_shared>> -> memref<64x128xf32, #tpu.memory_space<vmem_shared>>
    %dma_start3A_111 = arith.constant 0 : i32
    %dma_start3A_112 = tpu.memref_slice %arg22[%multiple_of3A_108, %dma_start3A_111] : memref<10240x128xf32, #tpu.memory_space<vmem_shared>> -> memref<64x128xf32, #tpu.memory_space<vmem_shared>>
    tpu.enqueue_dma source(%arg14 : memref<64x128xf32, #tpu.memory_space<vmem>>) target(%dma_start3A_112 : memref<64x128xf32, #tpu.memory_space<vmem_shared>>) target_semaphore(%arg18 : memref<!tpu.dma_semaphore, #tpu.memory_space<semaphore_mem>>)
    %mul3A_113 = arith.constant 640 : i32
    %mul3A_114 = arith.muli %arg1, %mul3A_113 : i32
    %add3A_115 = arith.constant 512 : i32
    %add3A_116 = arith.addi %mul3A_114, %add3A_115 : i32
    %multiple_of3A_117 = tpu.assume_multiple %add3A_116, 8 : i32
    %dma_start3A_118 = arith.constant 0 : i32
    %dma_start3A_119 = tpu.memref_slice %arg22[%multiple_of3A_117, %dma_start3A_118] : memref<10240x128xf32, #tpu.memory_space<vmem_shared>> -> memref<64x128xf32, #tpu.memory_space<vmem_shared>>
    %dma_start3A_120 = arith.constant 0 : i32
    %dma_start3A_121 = tpu.memref_slice %arg22[%multiple_of3A_117, %dma_start3A_120] : memref<10240x128xf32, #tpu.memory_space<vmem_shared>> -> memref<64x128xf32, #tpu.memory_space<vmem_shared>>
    tpu.enqueue_dma source(%arg14 : memref<64x128xf32, #tpu.memory_space<vmem>>) target(%dma_start3A_121 : memref<64x128xf32, #tpu.memory_space<vmem_shared>>) target_semaphore(%arg18 : memref<!tpu.dma_semaphore, #tpu.memory_space<semaphore_mem>>)
    %mul3A_122 = arith.constant 640 : i32
    %mul3A_123 = arith.muli %arg1, %mul3A_122 : i32
    %add3A_124 = arith.constant 576 : i32
    %add3A_125 = arith.addi %mul3A_123, %add3A_124 : i32
    %multiple_of3A_126 = tpu.assume_multiple %add3A_125, 8 : i32
    %dma_start3A_127 = arith.constant 0 : i32
    %dma_start3A_128 = tpu.memref_slice %arg22[%multiple_of3A_126, %dma_start3A_127] : memref<10240x128xf32, #tpu.memory_space<vmem_shared>> -> memref<64x128xf32, #tpu.memory_space<vmem_shared>>
    %dma_start3A_129 = arith.constant 0 : i32
    %dma_start3A_130 = tpu.memref_slice %arg22[%multiple_of3A_126, %dma_start3A_129] : memref<10240x128xf32, #tpu.memory_space<vmem_shared>> -> memref<64x128xf32, #tpu.memory_space<vmem_shared>>
    tpu.enqueue_dma source(%arg14 : memref<64x128xf32, #tpu.memory_space<vmem>>) target(%dma_start3A_130 : memref<64x128xf32, #tpu.memory_space<vmem_shared>>) target_semaphore(%arg18 : memref<!tpu.dma_semaphore, #tpu.memory_space<semaphore_mem>>)
    %eq3A = arith.constant 0 : i32
    %eq3A_131 = arith.cmpi eq, %arg1, %eq3A : i32
    %convert_element_type3A = arith.extui %eq3A_131 : i1 to i32
    %cond3A = arith.constant 0 : i32
    %cond3A_132 = arith.cmpi ne, %convert_element_type3A, %cond3A : i32
    scf.if %cond3A_132 {
      "tpu.region"() ({
        %run_scoped3A = tpu.sem_alloc : memref<!tpu.dma_semaphore, #tpu.memory_space<semaphore_mem>>
        tpu.enqueue_dma source(%arg10 : memref<80x128xf32, #tpu.memory_space<vmem>>) target(%arg20 : memref<80x128xf32, #tpu.memory_space<vmem_shared>>) target_semaphore(%run_scoped3A : memref<!tpu.dma_semaphore, #tpu.memory_space<semaphore_mem>>)
        tpu.wait_dma2 semaphore(%run_scoped3A : memref<!tpu.dma_semaphore, #tpu.memory_space<semaphore_mem>>) src(%arg10 : memref<80x128xf32, #tpu.memory_space<vmem>>) dst(%arg20 : memref<80x128xf32, #tpu.memory_space<vmem_shared>>)
        tpu.yield
      }) : () -> ()
      "tpu.region"() ({
        %run_scoped3A = tpu.sem_alloc : memref<!tpu.dma_semaphore, #tpu.memory_space<semaphore_mem>>
        tpu.enqueue_dma source(%arg11 : memref<80x128xf32, #tpu.memory_space<vmem>>) target(%arg21 : memref<80x128xf32, #tpu.memory_space<vmem_shared>>) target_semaphore(%run_scoped3A : memref<!tpu.dma_semaphore, #tpu.memory_space<semaphore_mem>>)
        tpu.wait_dma2 semaphore(%run_scoped3A : memref<!tpu.dma_semaphore, #tpu.memory_space<semaphore_mem>>) src(%arg11 : memref<80x128xf32, #tpu.memory_space<vmem>>) dst(%arg21 : memref<80x128xf32, #tpu.memory_space<vmem_shared>>)
        tpu.yield
      }) : () -> ()
    } else {
    }
    %barrier3A = arith.constant 0 : index
    tpu.barrier barrier_id(%barrier3A)
    %ne3A = arith.constant 0 : i32
    %ne3A_133 = arith.cmpi ne, %arg1, %ne3A : i32
    %convert_element_type3A_134 = arith.extui %ne3A_133 : i1 to i32
    %cond3A_135 = arith.constant 0 : i32
    %cond3A_136 = arith.cmpi ne, %convert_element_type3A_134, %cond3A_135 : i32
    scf.if %cond3A_136 {
      "tpu.region"() ({
        %run_scoped3A = tpu.sem_alloc : memref<!tpu.dma_semaphore, #tpu.memory_space<semaphore_mem>>
        %dma_start3A_207 = arith.constant 0 : i32
        %dma_start3A_208 = arith.constant 0 : i32
        %dma_start3A_209 = tpu.memref_slice %arg20[%dma_start3A_207, %dma_start3A_208] : memref<80x128xf32, #tpu.memory_space<vmem_shared>> -> memref<80x128xf32, #tpu.memory_space<vmem_shared>>
        tpu.enqueue_indirect_dma source(%arg10 : memref<80x128xf32, #tpu.memory_space<vmem>>) target(%dma_start3A_209 : memref<80x128xf32, #tpu.memory_space<vmem_shared>>) offsets(%arg12 : memref<80xi32, #tpu.memory_space<vmem>>) semaphore(%run_scoped3A : memref<!tpu.dma_semaphore, #tpu.memory_space<semaphore_mem>>) {add = true}
        %dma_wait3A_210 = arith.constant 0 : i32
        %dma_wait3A_211 = arith.constant 0 : i32
        %dma_wait3A_212 = tpu.memref_slice %arg20[%dma_wait3A_210, %dma_wait3A_211] : memref<80x128xf32, #tpu.memory_space<vmem_shared>> -> memref<80x128xf32, #tpu.memory_space<vmem_shared>>
        tpu.wait_indirect_dma semaphore(%run_scoped3A : memref<!tpu.dma_semaphore, #tpu.memory_space<semaphore_mem>>) src(%arg10 : memref<80x128xf32, #tpu.memory_space<vmem>>) dst(%dma_wait3A_212 : memref<80x128xf32, #tpu.memory_space<vmem_shared>>)
        tpu.yield
      }) : () -> ()
      "tpu.region"() ({
        %run_scoped3A = tpu.sem_alloc : memref<!tpu.dma_semaphore, #tpu.memory_space<semaphore_mem>>
        %dma_start3A_207 = arith.constant 0 : i32
        %dma_start3A_208 = arith.constant 0 : i32
        %dma_start3A_209 = tpu.memref_slice %arg21[%dma_start3A_207, %dma_start3A_208] : memref<80x128xf32, #tpu.memory_space<vmem_shared>> -> memref<80x128xf32, #tpu.memory_space<vmem_shared>>
        tpu.enqueue_indirect_dma source(%arg11 : memref<80x128xf32, #tpu.memory_space<vmem>>) target(%dma_start3A_209 : memref<80x128xf32, #tpu.memory_space<vmem_shared>>) offsets(%arg12 : memref<80xi32, #tpu.memory_space<vmem>>) semaphore(%run_scoped3A : memref<!tpu.dma_semaphore, #tpu.memory_space<semaphore_mem>>) {add = true}
        %dma_wait3A_210 = arith.constant 0 : i32
        %dma_wait3A_211 = arith.constant 0 : i32
        %dma_wait3A_212 = tpu.memref_slice %arg21[%dma_wait3A_210, %dma_wait3A_211] : memref<80x128xf32, #tpu.memory_space<vmem_shared>> -> memref<80x128xf32, #tpu.memory_space<vmem_shared>>
        tpu.wait_indirect_dma semaphore(%run_scoped3A : memref<!tpu.dma_semaphore, #tpu.memory_space<semaphore_mem>>) src(%arg11 : memref<80x128xf32, #tpu.memory_space<vmem>>) dst(%dma_wait3A_212 : memref<80x128xf32, #tpu.memory_space<vmem_shared>>)
        tpu.yield
      }) : () -> ()
    } else {
    }
    %dma_wait3A = arith.constant 0 : i32
    %dma_wait3A_137 = arith.constant 0 : i32
    %dma_wait3A_138 = tpu.memref_slice %arg5[%dma_wait3A, %dma_wait3A_137] : memref<10240x128xf32, #tpu.memory_space<hbm>> -> memref<64x128xf32, #tpu.memory_space<hbm>>
    %dma_wait3A_139 = arith.constant 0 : i32
    %dma_wait3A_140 = arith.constant 0 : i32
    %dma_wait3A_141 = tpu.memref_slice %arg5[%dma_wait3A_139, %dma_wait3A_140] : memref<10240x128xf32, #tpu.memory_space<hbm>> -> memref<64x128xf32, #tpu.memory_space<hbm>>
    tpu.wait_dma2 semaphore(%arg18 : memref<!tpu.dma_semaphore, #tpu.memory_space<semaphore_mem>>) src(%dma_wait3A_141 : memref<64x128xf32, #tpu.memory_space<hbm>>) dst(%arg14 : memref<64x128xf32, #tpu.memory_space<vmem>>)
    %dma_wait3A_142 = arith.constant 0 : i32
    %dma_wait3A_143 = arith.constant 0 : i32
    %dma_wait3A_144 = tpu.memref_slice %arg5[%dma_wait3A_142, %dma_wait3A_143] : memref<10240x128xf32, #tpu.memory_space<hbm>> -> memref<64x128xf32, #tpu.memory_space<hbm>>
    %dma_wait3A_145 = arith.constant 0 : i32
    %dma_wait3A_146 = arith.constant 0 : i32
    %dma_wait3A_147 = tpu.memref_slice %arg5[%dma_wait3A_145, %dma_wait3A_146] : memref<10240x128xf32, #tpu.memory_space<hbm>> -> memref<64x128xf32, #tpu.memory_space<hbm>>
    tpu.wait_dma2 semaphore(%arg18 : memref<!tpu.dma_semaphore, #tpu.memory_space<semaphore_mem>>) src(%dma_wait3A_147 : memref<64x128xf32, #tpu.memory_space<hbm>>) dst(%arg14 : memref<64x128xf32, #tpu.memory_space<vmem>>)
    %dma_wait3A_148 = arith.constant 0 : i32
    %dma_wait3A_149 = arith.constant 0 : i32
    %dma_wait3A_150 = tpu.memref_slice %arg5[%dma_wait3A_148, %dma_wait3A_149] : memref<10240x128xf32, #tpu.memory_space<hbm>> -> memref<64x128xf32, #tpu.memory_space<hbm>>
    %dma_wait3A_151 = arith.constant 0 : i32
    %dma_wait3A_152 = arith.constant 0 : i32
    %dma_wait3A_153 = tpu.memref_slice %arg5[%dma_wait3A_151, %dma_wait3A_152] : memref<10240x128xf32, #tpu.memory_space<hbm>> -> memref<64x128xf32, #tpu.memory_space<hbm>>
    tpu.wait_dma2 semaphore(%arg18 : memref<!tpu.dma_semaphore, #tpu.memory_space<semaphore_mem>>) src(%dma_wait3A_153 : memref<64x128xf32, #tpu.memory_space<hbm>>) dst(%arg14 : memref<64x128xf32, #tpu.memory_space<vmem>>)
    %dma_wait3A_154 = arith.constant 0 : i32
    %dma_wait3A_155 = arith.constant 0 : i32
    %dma_wait3A_156 = tpu.memref_slice %arg5[%dma_wait3A_154, %dma_wait3A_155] : memref<10240x128xf32, #tpu.memory_space<hbm>> -> memref<64x128xf32, #tpu.memory_space<hbm>>
    %dma_wait3A_157 = arith.constant 0 : i32
    %dma_wait3A_158 = arith.constant 0 : i32
    %dma_wait3A_159 = tpu.memref_slice %arg5[%dma_wait3A_157, %dma_wait3A_158] : memref<10240x128xf32, #tpu.memory_space<hbm>> -> memref<64x128xf32, #tpu.memory_space<hbm>>
    tpu.wait_dma2 semaphore(%arg18 : memref<!tpu.dma_semaphore, #tpu.memory_space<semaphore_mem>>) src(%dma_wait3A_159 : memref<64x128xf32, #tpu.memory_space<hbm>>) dst(%arg14 : memref<64x128xf32, #tpu.memory_space<vmem>>)
    %dma_wait3A_160 = arith.constant 0 : i32
    %dma_wait3A_161 = arith.constant 0 : i32
    %dma_wait3A_162 = tpu.memref_slice %arg5[%dma_wait3A_160, %dma_wait3A_161] : memref<10240x128xf32, #tpu.memory_space<hbm>> -> memref<64x128xf32, #tpu.memory_space<hbm>>
    %dma_wait3A_163 = arith.constant 0 : i32
    %dma_wait3A_164 = arith.constant 0 : i32
    %dma_wait3A_165 = tpu.memref_slice %arg5[%dma_wait3A_163, %dma_wait3A_164] : memref<10240x128xf32, #tpu.memory_space<hbm>> -> memref<64x128xf32, #tpu.memory_space<hbm>>
    tpu.wait_dma2 semaphore(%arg18 : memref<!tpu.dma_semaphore, #tpu.memory_space<semaphore_mem>>) src(%dma_wait3A_165 : memref<64x128xf32, #tpu.memory_space<hbm>>) dst(%arg14 : memref<64x128xf32, #tpu.memory_space<vmem>>)
    %dma_wait3A_166 = arith.constant 0 : i32
    %dma_wait3A_167 = arith.constant 0 : i32
    %dma_wait3A_168 = tpu.memref_slice %arg5[%dma_wait3A_166, %dma_wait3A_167] : memref<10240x128xf32, #tpu.memory_space<hbm>> -> memref<64x128xf32, #tpu.memory_space<hbm>>
    %dma_wait3A_169 = arith.constant 0 : i32
    %dma_wait3A_170 = arith.constant 0 : i32
    %dma_wait3A_171 = tpu.memref_slice %arg5[%dma_wait3A_169, %dma_wait3A_170] : memref<10240x128xf32, #tpu.memory_space<hbm>> -> memref<64x128xf32, #tpu.memory_space<hbm>>
    tpu.wait_dma2 semaphore(%arg18 : memref<!tpu.dma_semaphore, #tpu.memory_space<semaphore_mem>>) src(%dma_wait3A_171 : memref<64x128xf32, #tpu.memory_space<hbm>>) dst(%arg14 : memref<64x128xf32, #tpu.memory_space<vmem>>)
    %dma_wait3A_172 = arith.constant 0 : i32
    %dma_wait3A_173 = arith.constant 0 : i32
    %dma_wait3A_174 = tpu.memref_slice %arg5[%dma_wait3A_172, %dma_wait3A_173] : memref<10240x128xf32, #tpu.memory_space<hbm>> -> memref<64x128xf32, #tpu.memory_space<hbm>>
    %dma_wait3A_175 = arith.constant 0 : i32
    %dma_wait3A_176 = arith.constant 0 : i32
    %dma_wait3A_177 = tpu.memref_slice %arg5[%dma_wait3A_175, %dma_wait3A_176] : memref<10240x128xf32, #tpu.memory_space<hbm>> -> memref<64x128xf32, #tpu.memory_space<hbm>>
    tpu.wait_dma2 semaphore(%arg18 : memref<!tpu.dma_semaphore, #tpu.memory_space<semaphore_mem>>) src(%dma_wait3A_177 : memref<64x128xf32, #tpu.memory_space<hbm>>) dst(%arg14 : memref<64x128xf32, #tpu.memory_space<vmem>>)
    %dma_wait3A_178 = arith.constant 0 : i32
    %dma_wait3A_179 = arith.constant 0 : i32
    %dma_wait3A_180 = tpu.memref_slice %arg5[%dma_wait3A_178, %dma_wait3A_179] : memref<10240x128xf32, #tpu.memory_space<hbm>> -> memref<64x128xf32, #tpu.memory_space<hbm>>
    %dma_wait3A_181 = arith.constant 0 : i32
    %dma_wait3A_182 = arith.constant 0 : i32
    %dma_wait3A_183 = tpu.memref_slice %arg5[%dma_wait3A_181, %dma_wait3A_182] : memref<10240x128xf32, #tpu.memory_space<hbm>> -> memref<64x128xf32, #tpu.memory_space<hbm>>
    tpu.wait_dma2 semaphore(%arg18 : memref<!tpu.dma_semaphore, #tpu.memory_space<semaphore_mem>>) src(%dma_wait3A_183 : memref<64x128xf32, #tpu.memory_space<hbm>>) dst(%arg14 : memref<64x128xf32, #tpu.memory_space<vmem>>)
    %dma_wait3A_184 = arith.constant 0 : i32
    %dma_wait3A_185 = arith.constant 0 : i32
    %dma_wait3A_186 = tpu.memref_slice %arg5[%dma_wait3A_184, %dma_wait3A_185] : memref<10240x128xf32, #tpu.memory_space<hbm>> -> memref<64x128xf32, #tpu.memory_space<hbm>>
    %dma_wait3A_187 = arith.constant 0 : i32
    %dma_wait3A_188 = arith.constant 0 : i32
    %dma_wait3A_189 = tpu.memref_slice %arg5[%dma_wait3A_187, %dma_wait3A_188] : memref<10240x128xf32, #tpu.memory_space<hbm>> -> memref<64x128xf32, #tpu.memory_space<hbm>>
    tpu.wait_dma2 semaphore(%arg18 : memref<!tpu.dma_semaphore, #tpu.memory_space<semaphore_mem>>) src(%dma_wait3A_189 : memref<64x128xf32, #tpu.memory_space<hbm>>) dst(%arg14 : memref<64x128xf32, #tpu.memory_space<vmem>>)
    %dma_wait3A_190 = arith.constant 0 : i32
    %dma_wait3A_191 = arith.constant 0 : i32
    %dma_wait3A_192 = tpu.memref_slice %arg5[%dma_wait3A_190, %dma_wait3A_191] : memref<10240x128xf32, #tpu.memory_space<hbm>> -> memref<64x128xf32, #tpu.memory_space<hbm>>
    %dma_wait3A_193 = arith.constant 0 : i32
    %dma_wait3A_194 = arith.constant 0 : i32
    %dma_wait3A_195 = tpu.memref_slice %arg5[%dma_wait3A_193, %dma_wait3A_194] : memref<10240x128xf32, #tpu.memory_space<hbm>> -> memref<64x128xf32, #tpu.memory_space<hbm>>
    tpu.wait_dma2 semaphore(%arg18 : memref<!tpu.dma_semaphore, #tpu.memory_space<semaphore_mem>>) src(%dma_wait3A_195 : memref<64x128xf32, #tpu.memory_space<hbm>>) dst(%arg14 : memref<64x128xf32, #tpu.memory_space<vmem>>)
    %barrier3A_196 = arith.constant 0 : index
    tpu.barrier barrier_id(%barrier3A_196)
    "tpu.region"() ({
      %run_scoped3A = tpu.sem_alloc : memref<!tpu.dma_semaphore, #tpu.memory_space<semaphore_mem>>
      tpu.enqueue_dma source(%arg20 : memref<80x128xf32, #tpu.memory_space<vmem_shared>>) target(%arg10 : memref<80x128xf32, #tpu.memory_space<vmem>>) target_semaphore(%run_scoped3A : memref<!tpu.dma_semaphore, #tpu.memory_space<semaphore_mem>>)
      tpu.wait_dma2 semaphore(%run_scoped3A : memref<!tpu.dma_semaphore, #tpu.memory_space<semaphore_mem>>) src(%arg20 : memref<80x128xf32, #tpu.memory_space<vmem_shared>>) dst(%arg10 : memref<80x128xf32, #tpu.memory_space<vmem>>)
      tpu.yield
    }) : () -> ()
    "tpu.region"() ({
      %run_scoped3A = tpu.sem_alloc : memref<!tpu.dma_semaphore, #tpu.memory_space<semaphore_mem>>
      tpu.enqueue_dma source(%arg21 : memref<80x128xf32, #tpu.memory_space<vmem_shared>>) target(%arg11 : memref<80x128xf32, #tpu.memory_space<vmem>>) target_semaphore(%run_scoped3A : memref<!tpu.dma_semaphore, #tpu.memory_space<semaphore_mem>>)
      tpu.wait_dma2 semaphore(%run_scoped3A : memref<!tpu.dma_semaphore, #tpu.memory_space<semaphore_mem>>) src(%arg21 : memref<80x128xf32, #tpu.memory_space<vmem_shared>>) dst(%arg11 : memref<80x128xf32, #tpu.memory_space<vmem>>)
      tpu.yield
    }) : () -> ()
    %scan3A_197 = arith.constant 0 : i32
    %scan3A_198 = arith.constant 0 : i32
    %scan3A_199 = arith.constant 5 : i32
    %scan3A_200 = arith.addi %scan3A_198, %scan3A_199 : i32
    %scan3A_201 = arith.constant 1 : i32
    scf.for %scan3A_207 = %scan3A_198 to %scan3A_200 step %scan3A_201  : i32 {
      %mul3A_208 = arith.constant 163840 : i32
      %mul3A_209 = arith.muli %arg0, %mul3A_208 : i32
      %mul3A_210 = arith.constant 10240 : i32
      %mul3A_211 = arith.muli %arg1, %mul3A_210 : i32
      %add3A_212 = arith.addi %mul3A_209, %mul3A_211 : i32
      %mul3A_213 = arith.constant 2048 : i32
      %mul3A_214 = arith.muli %scan3A_207, %mul3A_213 : i32
      %add3A_215 = arith.addi %add3A_212, %mul3A_214 : i32
      %multiple_of3A_216 = tpu.assume_multiple %add3A_215, 2048 : i32
      %mul3A_217 = arith.constant 2560 : i32
      %mul3A_218 = arith.muli %arg0, %mul3A_217 : i32
      %mul3A_219 = arith.constant 160 : i32
      %mul3A_220 = arith.muli %arg1, %mul3A_219 : i32
      %add3A_221 = arith.addi %mul3A_218, %mul3A_220 : i32
      %mul3A_222 = arith.constant 32 : i32
      %mul3A_223 = arith.muli %scan3A_207, %mul3A_222 : i32
      %add3A_224 = arith.addi %add3A_221, %mul3A_223 : i32
      %multiple_of3A_225 = tpu.assume_multiple %add3A_224, 8 : i32
      "tpu.region"() ({
        %run_scoped3A = tpu.sem_alloc : memref<!tpu.dma_semaphore, #tpu.memory_space<semaphore_mem>>
        %dma_start3A_243 = arith.constant 0 : i32
        %dma_start3A_244 = tpu.memref_slice %arg4[%multiple_of3A_225, %dma_start3A_243] : memref<5120x64xi32, #tpu.memory_space<hbm>> -> memref<32x64xi32, #tpu.memory_space<hbm>>
        %dma_start3A_245 = arith.constant 0 : i32
        %dma_start3A_246 = tpu.memref_slice %arg4[%multiple_of3A_225, %dma_start3A_245] : memref<5120x64xi32, #tpu.memory_space<hbm>> -> memref<32x64xi32, #tpu.memory_space<hbm>>
        tpu.enqueue_dma source(%dma_start3A_246 : memref<32x64xi32, #tpu.memory_space<hbm>>) target(%arg9 : memref<32x64xi32, #tpu.memory_space<vmem>>) target_semaphore(%run_scoped3A : memref<!tpu.dma_semaphore, #tpu.memory_space<semaphore_mem>>)
        %dma_wait3A_247 = arith.constant 0 : i32
        %dma_wait3A_248 = tpu.memref_slice %arg4[%multiple_of3A_225, %dma_wait3A_247] : memref<5120x64xi32, #tpu.memory_space<hbm>> -> memref<32x64xi32, #tpu.memory_space<hbm>>
        %dma_wait3A_249 = arith.constant 0 : i32
        %dma_wait3A_250 = tpu.memref_slice %arg4[%multiple_of3A_225, %dma_wait3A_249] : memref<5120x64xi32, #tpu.memory_space<hbm>> -> memref<32x64xi32, #tpu.memory_space<hbm>>
        tpu.wait_dma2 semaphore(%run_scoped3A : memref<!tpu.dma_semaphore, #tpu.memory_space<semaphore_mem>>) src(%dma_wait3A_250 : memref<32x64xi32, #tpu.memory_space<hbm>>) dst(%arg9 : memref<32x64xi32, #tpu.memory_space<vmem>>)
        tpu.yield
      }) : () -> ()
      "tpu.region"() ({
        %run_scoped3A = tpu.sem_alloc : memref<!tpu.dma_semaphore, #tpu.memory_space<semaphore_mem>>
        %dma_start3A_243 = tpu.memref_slice %arg2[%multiple_of3A_216] : memref<327680xi32, #tpu.memory_space<hbm>> -> memref<2048xi32, #tpu.memory_space<hbm>>
        %dma_start3A_244 = tpu.memref_slice %arg2[%multiple_of3A_216] : memref<327680xi32, #tpu.memory_space<hbm>> -> memref<2048xi32, #tpu.memory_space<hbm>>
        tpu.enqueue_dma source(%dma_start3A_244 : memref<2048xi32, #tpu.memory_space<hbm>>) target(%arg7 : memref<2048xi32, #tpu.memory_space<vmem>>) target_semaphore(%run_scoped3A : memref<!tpu.dma_semaphore, #tpu.memory_space<semaphore_mem>>)
        %dma_wait3A_245 = tpu.memref_slice %arg2[%multiple_of3A_216] : memref<327680xi32, #tpu.memory_space<hbm>> -> memref<2048xi32, #tpu.memory_space<hbm>>
        %dma_wait3A_246 = tpu.memref_slice %arg2[%multiple_of3A_216] : memref<327680xi32, #tpu.memory_space<hbm>> -> memref<2048xi32, #tpu.memory_space<hbm>>
        tpu.wait_dma2 semaphore(%run_scoped3A : memref<!tpu.dma_semaphore, #tpu.memory_space<semaphore_mem>>) src(%dma_wait3A_246 : memref<2048xi32, #tpu.memory_space<hbm>>) dst(%arg7 : memref<2048xi32, #tpu.memory_space<vmem>>)
        tpu.yield
      }) : () -> ()
      "tpu.region"() ({
        %run_scoped3A = tpu.sem_alloc : memref<!tpu.dma_semaphore, #tpu.memory_space<semaphore_mem>>
        %dma_start3A_243 = tpu.memref_slice %arg3[%multiple_of3A_216] : memref<327680xf32, #tpu.memory_space<hbm>> -> memref<2048xf32, #tpu.memory_space<hbm>>
        %dma_start3A_244 = tpu.memref_slice %arg3[%multiple_of3A_216] : memref<327680xf32, #tpu.memory_space<hbm>> -> memref<2048xf32, #tpu.memory_space<hbm>>
        tpu.enqueue_dma source(%dma_start3A_244 : memref<2048xf32, #tpu.memory_space<hbm>>) target(%arg8 : memref<2048xf32, #tpu.memory_space<vmem>>) target_semaphore(%run_scoped3A : memref<!tpu.dma_semaphore, #tpu.memory_space<semaphore_mem>>)
        %dma_wait3A_245 = tpu.memref_slice %arg3[%multiple_of3A_216] : memref<327680xf32, #tpu.memory_space<hbm>> -> memref<2048xf32, #tpu.memory_space<hbm>>
        %dma_wait3A_246 = tpu.memref_slice %arg3[%multiple_of3A_216] : memref<327680xf32, #tpu.memory_space<hbm>> -> memref<2048xf32, #tpu.memory_space<hbm>>
        tpu.wait_dma2 semaphore(%run_scoped3A : memref<!tpu.dma_semaphore, #tpu.memory_space<semaphore_mem>>) src(%dma_wait3A_246 : memref<2048xf32, #tpu.memory_space<hbm>>) dst(%arg8 : memref<2048xf32, #tpu.memory_space<vmem>>)
        tpu.yield
      }) : () -> ()
      %dma_start3A_226 = arith.constant 0 : i32
      %dma_start3A_227 = tpu.memref_slice %arg7[%dma_start3A_226] : memref<2048xi32, #tpu.memory_space<vmem>> -> memref<64xi32, #tpu.memory_space<vmem>>
      %dma_start3A_228 = arith.constant 0 : i32
      %dma_start3A_229 = arith.constant 0 : i32
      %dma_start3A_230 = tpu.memref_slice %arg5[%dma_start3A_228, %dma_start3A_229] : memref<10240x128xf32, #tpu.memory_space<hbm>> -> memref<10240x128xf32, #tpu.memory_space<hbm>>
      tpu.enqueue_indirect_dma source(%dma_start3A_230 : memref<10240x128xf32, #tpu.memory_space<hbm>>) target(%arg14 : memref<64x128xf32, #tpu.memory_space<vmem>>) offsets(%dma_start3A_227 : memref<64xi32, #tpu.memory_space<vmem>>) semaphore(%arg16 : memref<!tpu.dma_semaphore, #tpu.memory_space<semaphore_mem>>)
      %scan3A_231 = arith.constant 0 : i32
      %scan3A_232 = arith.constant 0 : i32
      %scan3A_233 = arith.constant 16 : i32
      %scan3A_234 = arith.addi %scan3A_232, %scan3A_233 : i32
      %scan3A_235 = arith.constant 1 : i32
      scf.for %scan3A_243 = %scan3A_232 to %scan3A_234 step %scan3A_235  : i32 {
        %mul3A_244 = arith.constant 2 : i32
        %mul3A_245 = arith.muli %mul3A_244, %scan3A_243 : i32
        %ge3A = arith.constant 1 : i32
        %ge3A_246 = arith.cmpi sge, %mul3A_245, %ge3A : i32
        %convert_element_type3A_247 = arith.extui %ge3A_246 : i1 to i32
        %cond3A_248 = arith.constant 0 : i32
        %cond3A_249 = arith.cmpi ne, %convert_element_type3A_247, %cond3A_248 : i32
        scf.if %cond3A_249 {
          %dma_wait3A_853 = arith.constant 0 : i32
          %dma_wait3A_854 = arith.constant 0 : i32
          %dma_wait3A_855 = tpu.memref_slice %arg5[%dma_wait3A_853, %dma_wait3A_854] : memref<10240x128xf32, #tpu.memory_space<hbm>> -> memref<64x128xf32, #tpu.memory_space<hbm>>
          %dma_wait3A_856 = arith.constant 0 : i32
          %dma_wait3A_857 = arith.constant 0 : i32
          %dma_wait3A_858 = tpu.memref_slice %arg5[%dma_wait3A_856, %dma_wait3A_857] : memref<10240x128xf32, #tpu.memory_space<hbm>> -> memref<64x128xf32, #tpu.memory_space<hbm>>
          tpu.wait_dma2 semaphore(%arg19 : memref<!tpu.dma_semaphore, #tpu.memory_space<semaphore_mem>>) src(%dma_wait3A_858 : memref<64x128xf32, #tpu.memory_space<hbm>>) dst(%arg15 : memref<64x128xf32, #tpu.memory_space<vmem>>)
        } else {
        }
        %add3A_250 = arith.constant 1 : i32
        %add3A_251 = arith.addi %mul3A_245, %add3A_250 : i32
        %lt3A = arith.constant 32 : i32
        %lt3A_252 = arith.cmpi slt, %add3A_251, %lt3A : i32
        %convert_element_type3A_253 = arith.extui %lt3A_252 : i1 to i32
        %cond3A_254 = arith.constant 0 : i32
        %cond3A_255 = arith.cmpi ne, %convert_element_type3A_253, %cond3A_254 : i32
        scf.if %cond3A_255 {
          %add3A_853 = arith.constant 1 : i32
          %add3A_854 = arith.addi %mul3A_245, %add3A_853 : i32
          %mul3A_855 = arith.constant 64 : i32
          %mul3A_856 = arith.muli %add3A_854, %mul3A_855 : i32
          %dma_start3A_857 = tpu.memref_slice %arg7[%mul3A_856] : memref<2048xi32, #tpu.memory_space<vmem>> -> memref<64xi32, #tpu.memory_space<vmem>>
          %dma_start3A_858 = arith.constant 0 : i32
          %dma_start3A_859 = arith.constant 0 : i32
          %dma_start3A_860 = tpu.memref_slice %arg5[%dma_start3A_858, %dma_start3A_859] : memref<10240x128xf32, #tpu.memory_space<hbm>> -> memref<10240x128xf32, #tpu.memory_space<hbm>>
          tpu.enqueue_indirect_dma source(%dma_start3A_860 : memref<10240x128xf32, #tpu.memory_space<hbm>>) target(%arg15 : memref<64x128xf32, #tpu.memory_space<vmem>>) offsets(%dma_start3A_857 : memref<64xi32, #tpu.memory_space<vmem>>) semaphore(%arg17 : memref<!tpu.dma_semaphore, #tpu.memory_space<semaphore_mem>>)
        } else {
        }
        %mul3A_256 = arith.constant 64 : i32
        %mul3A_257 = arith.muli %mul3A_245, %mul3A_256 : i32
        %add3A_258 = arith.constant 0 : i32
        %add3A_259 = arith.addi %mul3A_257, %add3A_258 : i32
        %get3A = arith.index_cast %add3A_259 : i32 to index
        %get3A_260 = tpu.vector_load %arg8[%get3A] {strides = array<i32>} : memref<2048xf32, #tpu.memory_space<vmem>>, vector<16xf32>,
        %exp3A = math.exp %get3A_260 : vector<16xf32>
        %get3A_261 = arith.index_cast %mul3A_245 : i32 to index
        %get3A_262 = arith.constant 0 : index
        %get3A_263 = tpu.vector_load %arg9[%get3A_261, %get3A_262] {strides = array<i32>} : memref<32x64xi32, #tpu.memory_space<vmem>>, vector<16xi32>,
        %get3A_264 = arith.index_cast %add3A_259 : i32 to index
        %get3A_265 = tpu.vector_load %arg7[%get3A_264] {strides = array<i32>} : memref<2048xi32, #tpu.memory_space<vmem>>, vector<16xi32>,
        %shift_right_arithmetic3A = arith.constant 7 : i32
        %shift_right_arithmetic3A_266 = vector.broadcast %shift_right_arithmetic3A : i32 to vector<16xi32>
        %shift_right_arithmetic3A_267 = arith.shrsi %get3A_263, %shift_right_arithmetic3A_266 : vector<16xi32>
        %and3A = arith.constant 127 : i32
        %and3A_268 = vector.broadcast %and3A : i32 to vector<16xi32>
        %and3A_269 = arith.andi %get3A_263, %and3A_268 : vector<16xi32>
        %gather3A = tpu.vector_load_idx %arg10[%shift_right_arithmetic3A_267, %and3A_269] : memref<80x128xf32, #tpu.memory_space<vmem>>[vector<16xi32>, vector<16xi32>], vector<16xf32>,
        %shift_right_arithmetic3A_270 = arith.constant 7 : i32
        %shift_right_arithmetic3A_271 = vector.broadcast %shift_right_arithmetic3A_270 : i32 to vector<16xi32>
        %shift_right_arithmetic3A_272 = arith.shrsi %get3A_265, %shift_right_arithmetic3A_271 : vector<16xi32>
        %and3A_273 = arith.constant 127 : i32
        %and3A_274 = vector.broadcast %and3A_273 : i32 to vector<16xi32>
        %and3A_275 = arith.andi %get3A_265, %and3A_274 : vector<16xi32>
        %gather3A_276 = tpu.vector_load_idx %arg11[%shift_right_arithmetic3A_272, %and3A_275] : memref<80x128xf32, #tpu.memory_space<vmem>>[vector<16xi32>, vector<16xi32>], vector<16xf32>,
        %mul3A_277 = arith.mulf %exp3A, %exp3A : vector<16xf32>
        %mul3A_278 = arith.mulf %gather3A, %gather3A_276 : vector<16xf32>
        %div3A = arith.divf %mul3A_277, %mul3A_278 : vector<16xf32>
        %add3A_279 = arith.constant 1.000000e-10 : f32
        %add3A_280 = vector.broadcast %add3A_279 : f32 to vector<16xf32>
        %add3A_281 = arith.addf %div3A, %add3A_280 : vector<16xf32>
        %bitcast3A = vector.bitcast %add3A_281 : vector<16xf32> to vector<16xi32>
        %shift_right_arithmetic3A_282 = arith.constant 1 : i32
        %shift_right_arithmetic3A_283 = vector.broadcast %shift_right_arithmetic3A_282 : i32 to vector<16xi32>
        %shift_right_arithmetic3A_284 = arith.shrsi %bitcast3A, %shift_right_arithmetic3A_283 : vector<16xi32>
        %sub3A = arith.constant 1597463007 : i32
        %sub3A_285 = vector.broadcast %sub3A : i32 to vector<16xi32>
        %sub3A_286 = arith.subi %sub3A_285, %shift_right_arithmetic3A_284 : vector<16xi32>
        %bitcast3A_287 = vector.bitcast %sub3A_286 : vector<16xi32> to vector<16xf32>
        %mul3A_288 = arith.constant 5.000000e-01 : f32
        %mul3A_289 = vector.broadcast %mul3A_288 : f32 to vector<16xf32>
        %mul3A_290 = arith.mulf %mul3A_289, %add3A_281 : vector<16xf32>
        %mul3A_291 = arith.mulf %mul3A_290, %bitcast3A_287 : vector<16xf32>
        %mul3A_292 = arith.mulf %mul3A_291, %bitcast3A_287 : vector<16xf32>
        %sub3A_293 = arith.constant 1.500000e+00 : f32
        %sub3A_294 = vector.broadcast %sub3A_293 : f32 to vector<16xf32>
        %sub3A_295 = arith.subf %sub3A_294, %mul3A_292 : vector<16xf32>
        %mul3A_296 = arith.mulf %bitcast3A_287, %sub3A_295 : vector<16xf32>
        %mul3A_297 = arith.constant 5.000000e-01 : f32
        %mul3A_298 = vector.broadcast %mul3A_297 : f32 to vector<16xf32>
        %mul3A_299 = arith.mulf %mul3A_298, %add3A_281 : vector<16xf32>
        %mul3A_300 = arith.mulf %mul3A_299, %mul3A_296 : vector<16xf32>
        %mul3A_301 = arith.mulf %mul3A_300, %mul3A_296 : vector<16xf32>
        %sub3A_302 = arith.constant 1.500000e+00 : f32
        %sub3A_303 = vector.broadcast %sub3A_302 : f32 to vector<16xf32>
        %sub3A_304 = arith.subf %sub3A_303, %mul3A_301 : vector<16xf32>
        %mul3A_305 = arith.mulf %mul3A_296, %sub3A_304 : vector<16xf32>
        %mul3A_306 = arith.constant 5.000000e-01 : f32
        %mul3A_307 = vector.broadcast %mul3A_306 : f32 to vector<16xf32>
        %mul3A_308 = arith.mulf %mul3A_307, %add3A_281 : vector<16xf32>
        %mul3A_309 = arith.mulf %mul3A_308, %mul3A_305 : vector<16xf32>
        %mul3A_310 = arith.mulf %mul3A_309, %mul3A_305 : vector<16xf32>
        %sub3A_311 = arith.constant 1.500000e+00 : f32
        %sub3A_312 = vector.broadcast %sub3A_311 : f32 to vector<16xf32>
        %sub3A_313 = arith.subf %sub3A_312, %mul3A_310 : vector<16xf32>
        %mul3A_314 = arith.mulf %mul3A_305, %sub3A_313 : vector<16xf32>
        %mul3A_315 = arith.mulf %add3A_281, %mul3A_314 : vector<16xf32>
        %swap3A_316 = arith.constant 0 : index
        %swap3A_317 = tpu.vector_load %arg13[%swap3A_316] {strides = array<i32>} : memref<64xf32, #tpu.memory_space<vmem>>, vector<16xf32>,
        tpu.vector_store %arg13[%swap3A_316], %mul3A_315 {strides = array<i32>} : memref<64xf32, #tpu.memory_space<vmem>>, vector<16xf32>,
        %mul3A_318 = arith.constant 64 : i32
        %mul3A_319 = arith.muli %mul3A_245, %mul3A_318 : i32
        %add3A_320 = arith.constant 16 : i32
        %add3A_321 = arith.addi %mul3A_319, %add3A_320 : i32
        %get3A_322 = arith.index_cast %add3A_321 : i32 to index
        %get3A_323 = tpu.vector_load %arg8[%get3A_322] {strides = array<i32>} : memref<2048xf32, #tpu.memory_space<vmem>>, vector<16xf32>,
        %exp3A_324 = math.exp %get3A_323 : vector<16xf32>
        %get3A_325 = arith.index_cast %mul3A_245 : i32 to index
        %get3A_326 = arith.constant 16 : index
        %get3A_327 = tpu.vector_load %arg9[%get3A_325, %get3A_326] {strides = array<i32>} : memref<32x64xi32, #tpu.memory_space<vmem>>, vector<16xi32>,
        %get3A_328 = arith.index_cast %add3A_321 : i32 to index
        %get3A_329 = tpu.vector_load %arg7[%get3A_328] {strides = array<i32>} : memref<2048xi32, #tpu.memory_space<vmem>>, vector<16xi32>,
        %shift_right_arithmetic3A_330 = arith.constant 7 : i32
        %shift_right_arithmetic3A_331 = vector.broadcast %shift_right_arithmetic3A_330 : i32 to vector<16xi32>
        %shift_right_arithmetic3A_332 = arith.shrsi %get3A_327, %shift_right_arithmetic3A_331 : vector<16xi32>
        %and3A_333 = arith.constant 127 : i32
        %and3A_334 = vector.broadcast %and3A_333 : i32 to vector<16xi32>
        %and3A_335 = arith.andi %get3A_327, %and3A_334 : vector<16xi32>
        %gather3A_336 = tpu.vector_load_idx %arg10[%shift_right_arithmetic3A_332, %and3A_335] : memref<80x128xf32, #tpu.memory_space<vmem>>[vector<16xi32>, vector<16xi32>], vector<16xf32>,
        %shift_right_arithmetic3A_337 = arith.constant 7 : i32
        %shift_right_arithmetic3A_338 = vector.broadcast %shift_right_arithmetic3A_337 : i32 to vector<16xi32>
        %shift_right_arithmetic3A_339 = arith.shrsi %get3A_329, %shift_right_arithmetic3A_338 : vector<16xi32>
        %and3A_340 = arith.constant 127 : i32
        %and3A_341 = vector.broadcast %and3A_340 : i32 to vector<16xi32>
        %and3A_342 = arith.andi %get3A_329, %and3A_341 : vector<16xi32>
        %gather3A_343 = tpu.vector_load_idx %arg11[%shift_right_arithmetic3A_339, %and3A_342] : memref<80x128xf32, #tpu.memory_space<vmem>>[vector<16xi32>, vector<16xi32>], vector<16xf32>,
        %mul3A_344 = arith.mulf %exp3A_324, %exp3A_324 : vector<16xf32>
        %mul3A_345 = arith.mulf %gather3A_336, %gather3A_343 : vector<16xf32>
        %div3A_346 = arith.divf %mul3A_344, %mul3A_345 : vector<16xf32>
        %add3A_347 = arith.constant 1.000000e-10 : f32
        %add3A_348 = vector.broadcast %add3A_347 : f32 to vector<16xf32>
        %add3A_349 = arith.addf %div3A_346, %add3A_348 : vector<16xf32>
        %bitcast3A_350 = vector.bitcast %add3A_349 : vector<16xf32> to vector<16xi32>
        %shift_right_arithmetic3A_351 = arith.constant 1 : i32
        %shift_right_arithmetic3A_352 = vector.broadcast %shift_right_arithmetic3A_351 : i32 to vector<16xi32>
        %shift_right_arithmetic3A_353 = arith.shrsi %bitcast3A_350, %shift_right_arithmetic3A_352 : vector<16xi32>
        %sub3A_354 = arith.constant 1597463007 : i32
        %sub3A_355 = vector.broadcast %sub3A_354 : i32 to vector<16xi32>
        %sub3A_356 = arith.subi %sub3A_355, %shift_right_arithmetic3A_353 : vector<16xi32>
        %bitcast3A_357 = vector.bitcast %sub3A_356 : vector<16xi32> to vector<16xf32>
        %mul3A_358 = arith.constant 5.000000e-01 : f32
        %mul3A_359 = vector.broadcast %mul3A_358 : f32 to vector<16xf32>
        %mul3A_360 = arith.mulf %mul3A_359, %add3A_349 : vector<16xf32>
        %mul3A_361 = arith.mulf %mul3A_360, %bitcast3A_357 : vector<16xf32>
        %mul3A_362 = arith.mulf %mul3A_361, %bitcast3A_357 : vector<16xf32>
        %sub3A_363 = arith.constant 1.500000e+00 : f32
        %sub3A_364 = vector.broadcast %sub3A_363 : f32 to vector<16xf32>
        %sub3A_365 = arith.subf %sub3A_364, %mul3A_362 : vector<16xf32>
        %mul3A_366 = arith.mulf %bitcast3A_357, %sub3A_365 : vector<16xf32>
        %mul3A_367 = arith.constant 5.000000e-01 : f32
        %mul3A_368 = vector.broadcast %mul3A_367 : f32 to vector<16xf32>
        %mul3A_369 = arith.mulf %mul3A_368, %add3A_349 : vector<16xf32>
        %mul3A_370 = arith.mulf %mul3A_369, %mul3A_366 : vector<16xf32>
        %mul3A_371 = arith.mulf %mul3A_370, %mul3A_366 : vector<16xf32>
        %sub3A_372 = arith.constant 1.500000e+00 : f32
        %sub3A_373 = vector.broadcast %sub3A_372 : f32 to vector<16xf32>
        %sub3A_374 = arith.subf %sub3A_373, %mul3A_371 : vector<16xf32>
        %mul3A_375 = arith.mulf %mul3A_366, %sub3A_374 : vector<16xf32>
        %mul3A_376 = arith.constant 5.000000e-01 : f32
        %mul3A_377 = vector.broadcast %mul3A_376 : f32 to vector<16xf32>
        %mul3A_378 = arith.mulf %mul3A_377, %add3A_349 : vector<16xf32>
        %mul3A_379 = arith.mulf %mul3A_378, %mul3A_375 : vector<16xf32>
        %mul3A_380 = arith.mulf %mul3A_379, %mul3A_375 : vector<16xf32>
        %sub3A_381 = arith.constant 1.500000e+00 : f32
        %sub3A_382 = vector.broadcast %sub3A_381 : f32 to vector<16xf32>
        %sub3A_383 = arith.subf %sub3A_382, %mul3A_380 : vector<16xf32>
        %mul3A_384 = arith.mulf %mul3A_375, %sub3A_383 : vector<16xf32>
        %mul3A_385 = arith.mulf %add3A_349, %mul3A_384 : vector<16xf32>
        %swap3A_386 = arith.constant 16 : index
        %swap3A_387 = tpu.vector_load %arg13[%swap3A_386] {strides = array<i32>} : memref<64xf32, #tpu.memory_space<vmem>>, vector<16xf32>,
        tpu.vector_store %arg13[%swap3A_386], %mul3A_385 {strides = array<i32>} : memref<64xf32, #tpu.memory_space<vmem>>, vector<16xf32>,
        %mul3A_388 = arith.constant 64 : i32
        %mul3A_389 = arith.muli %mul3A_245, %mul3A_388 : i32
        %add3A_390 = arith.constant 32 : i32
        %add3A_391 = arith.addi %mul3A_389, %add3A_390 : i32
        %get3A_392 = arith.index_cast %add3A_391 : i32 to index
        %get3A_393 = tpu.vector_load %arg8[%get3A_392] {strides = array<i32>} : memref<2048xf32, #tpu.memory_space<vmem>>, vector<16xf32>,
        %exp3A_394 = math.exp %get3A_393 : vector<16xf32>
        %get3A_395 = arith.index_cast %mul3A_245 : i32 to index
        %get3A_396 = arith.constant 32 : index
        %get3A_397 = tpu.vector_load %arg9[%get3A_395, %get3A_396] {strides = array<i32>} : memref<32x64xi32, #tpu.memory_space<vmem>>, vector<16xi32>,
        %get3A_398 = arith.index_cast %add3A_391 : i32 to index
        %get3A_399 = tpu.vector_load %arg7[%get3A_398] {strides = array<i32>} : memref<2048xi32, #tpu.memory_space<vmem>>, vector<16xi32>,
        %shift_right_arithmetic3A_400 = arith.constant 7 : i32
        %shift_right_arithmetic3A_401 = vector.broadcast %shift_right_arithmetic3A_400 : i32 to vector<16xi32>
        %shift_right_arithmetic3A_402 = arith.shrsi %get3A_397, %shift_right_arithmetic3A_401 : vector<16xi32>
        %and3A_403 = arith.constant 127 : i32
        %and3A_404 = vector.broadcast %and3A_403 : i32 to vector<16xi32>
        %and3A_405 = arith.andi %get3A_397, %and3A_404 : vector<16xi32>
        %gather3A_406 = tpu.vector_load_idx %arg10[%shift_right_arithmetic3A_402, %and3A_405] : memref<80x128xf32, #tpu.memory_space<vmem>>[vector<16xi32>, vector<16xi32>], vector<16xf32>,
        %shift_right_arithmetic3A_407 = arith.constant 7 : i32
        %shift_right_arithmetic3A_408 = vector.broadcast %shift_right_arithmetic3A_407 : i32 to vector<16xi32>
        %shift_right_arithmetic3A_409 = arith.shrsi %get3A_399, %shift_right_arithmetic3A_408 : vector<16xi32>
        %and3A_410 = arith.constant 127 : i32
        %and3A_411 = vector.broadcast %and3A_410 : i32 to vector<16xi32>
        %and3A_412 = arith.andi %get3A_399, %and3A_411 : vector<16xi32>
        %gather3A_413 = tpu.vector_load_idx %arg11[%shift_right_arithmetic3A_409, %and3A_412] : memref<80x128xf32, #tpu.memory_space<vmem>>[vector<16xi32>, vector<16xi32>], vector<16xf32>,
        %mul3A_414 = arith.mulf %exp3A_394, %exp3A_394 : vector<16xf32>
        %mul3A_415 = arith.mulf %gather3A_406, %gather3A_413 : vector<16xf32>
        %div3A_416 = arith.divf %mul3A_414, %mul3A_415 : vector<16xf32>
        %add3A_417 = arith.constant 1.000000e-10 : f32
        %add3A_418 = vector.broadcast %add3A_417 : f32 to vector<16xf32>
        %add3A_419 = arith.addf %div3A_416, %add3A_418 : vector<16xf32>
        %bitcast3A_420 = vector.bitcast %add3A_419 : vector<16xf32> to vector<16xi32>
        %shift_right_arithmetic3A_421 = arith.constant 1 : i32
        %shift_right_arithmetic3A_422 = vector.broadcast %shift_right_arithmetic3A_421 : i32 to vector<16xi32>
        %shift_right_arithmetic3A_423 = arith.shrsi %bitcast3A_420, %shift_right_arithmetic3A_422 : vector<16xi32>
        %sub3A_424 = arith.constant 1597463007 : i32
        %sub3A_425 = vector.broadcast %sub3A_424 : i32 to vector<16xi32>
        %sub3A_426 = arith.subi %sub3A_425, %shift_right_arithmetic3A_423 : vector<16xi32>
        %bitcast3A_427 = vector.bitcast %sub3A_426 : vector<16xi32> to vector<16xf32>
        %mul3A_428 = arith.constant 5.000000e-01 : f32
        %mul3A_429 = vector.broadcast %mul3A_428 : f32 to vector<16xf32>
        %mul3A_430 = arith.mulf %mul3A_429, %add3A_419 : vector<16xf32>
        %mul3A_431 = arith.mulf %mul3A_430, %bitcast3A_427 : vector<16xf32>
        %mul3A_432 = arith.mulf %mul3A_431, %bitcast3A_427 : vector<16xf32>
        %sub3A_433 = arith.constant 1.500000e+00 : f32
        %sub3A_434 = vector.broadcast %sub3A_433 : f32 to vector<16xf32>
        %sub3A_435 = arith.subf %sub3A_434, %mul3A_432 : vector<16xf32>
        %mul3A_436 = arith.mulf %bitcast3A_427, %sub3A_435 : vector<16xf32>
        %mul3A_437 = arith.constant 5.000000e-01 : f32
        %mul3A_438 = vector.broadcast %mul3A_437 : f32 to vector<16xf32>
        %mul3A_439 = arith.mulf %mul3A_438, %add3A_419 : vector<16xf32>
        %mul3A_440 = arith.mulf %mul3A_439, %mul3A_436 : vector<16xf32>
        %mul3A_441 = arith.mulf %mul3A_440, %mul3A_436 : vector<16xf32>
        %sub3A_442 = arith.constant 1.500000e+00 : f32
        %sub3A_443 = vector.broadcast %sub3A_442 : f32 to vector<16xf32>
        %sub3A_444 = arith.subf %sub3A_443, %mul3A_441 : vector<16xf32>
        %mul3A_445 = arith.mulf %mul3A_436, %sub3A_444 : vector<16xf32>
        %mul3A_446 = arith.constant 5.000000e-01 : f32
        %mul3A_447 = vector.broadcast %mul3A_446 : f32 to vector<16xf32>
        %mul3A_448 = arith.mulf %mul3A_447, %add3A_419 : vector<16xf32>
        %mul3A_449 = arith.mulf %mul3A_448, %mul3A_445 : vector<16xf32>
        %mul3A_450 = arith.mulf %mul3A_449, %mul3A_445 : vector<16xf32>
        %sub3A_451 = arith.constant 1.500000e+00 : f32
        %sub3A_452 = vector.broadcast %sub3A_451 : f32 to vector<16xf32>
        %sub3A_453 = arith.subf %sub3A_452, %mul3A_450 : vector<16xf32>
        %mul3A_454 = arith.mulf %mul3A_445, %sub3A_453 : vector<16xf32>
        %mul3A_455 = arith.mulf %add3A_419, %mul3A_454 : vector<16xf32>
        %swap3A_456 = arith.constant 32 : index
        %swap3A_457 = tpu.vector_load %arg13[%swap3A_456] {strides = array<i32>} : memref<64xf32, #tpu.memory_space<vmem>>, vector<16xf32>,
        tpu.vector_store %arg13[%swap3A_456], %mul3A_455 {strides = array<i32>} : memref<64xf32, #tpu.memory_space<vmem>>, vector<16xf32>,
        %mul3A_458 = arith.constant 64 : i32
        %mul3A_459 = arith.muli %mul3A_245, %mul3A_458 : i32
        %add3A_460 = arith.constant 48 : i32
        %add3A_461 = arith.addi %mul3A_459, %add3A_460 : i32
        %get3A_462 = arith.index_cast %add3A_461 : i32 to index
        %get3A_463 = tpu.vector_load %arg8[%get3A_462] {strides = array<i32>} : memref<2048xf32, #tpu.memory_space<vmem>>, vector<16xf32>,
        %exp3A_464 = math.exp %get3A_463 : vector<16xf32>
        %get3A_465 = arith.index_cast %mul3A_245 : i32 to index
        %get3A_466 = arith.constant 48 : index
        %get3A_467 = tpu.vector_load %arg9[%get3A_465, %get3A_466] {strides = array<i32>} : memref<32x64xi32, #tpu.memory_space<vmem>>, vector<16xi32>,
        %get3A_468 = arith.index_cast %add3A_461 : i32 to index
        %get3A_469 = tpu.vector_load %arg7[%get3A_468] {strides = array<i32>} : memref<2048xi32, #tpu.memory_space<vmem>>, vector<16xi32>,
        %shift_right_arithmetic3A_470 = arith.constant 7 : i32
        %shift_right_arithmetic3A_471 = vector.broadcast %shift_right_arithmetic3A_470 : i32 to vector<16xi32>
        %shift_right_arithmetic3A_472 = arith.shrsi %get3A_467, %shift_right_arithmetic3A_471 : vector<16xi32>
        %and3A_473 = arith.constant 127 : i32
        %and3A_474 = vector.broadcast %and3A_473 : i32 to vector<16xi32>
        %and3A_475 = arith.andi %get3A_467, %and3A_474 : vector<16xi32>
        %gather3A_476 = tpu.vector_load_idx %arg10[%shift_right_arithmetic3A_472, %and3A_475] : memref<80x128xf32, #tpu.memory_space<vmem>>[vector<16xi32>, vector<16xi32>], vector<16xf32>,
        %shift_right_arithmetic3A_477 = arith.constant 7 : i32
        %shift_right_arithmetic3A_478 = vector.broadcast %shift_right_arithmetic3A_477 : i32 to vector<16xi32>
        %shift_right_arithmetic3A_479 = arith.shrsi %get3A_469, %shift_right_arithmetic3A_478 : vector<16xi32>
        %and3A_480 = arith.constant 127 : i32
        %and3A_481 = vector.broadcast %and3A_480 : i32 to vector<16xi32>
        %and3A_482 = arith.andi %get3A_469, %and3A_481 : vector<16xi32>
        %gather3A_483 = tpu.vector_load_idx %arg11[%shift_right_arithmetic3A_479, %and3A_482] : memref<80x128xf32, #tpu.memory_space<vmem>>[vector<16xi32>, vector<16xi32>], vector<16xf32>,
        %mul3A_484 = arith.mulf %exp3A_464, %exp3A_464 : vector<16xf32>
        %mul3A_485 = arith.mulf %gather3A_476, %gather3A_483 : vector<16xf32>
        %div3A_486 = arith.divf %mul3A_484, %mul3A_485 : vector<16xf32>
        %add3A_487 = arith.constant 1.000000e-10 : f32
        %add3A_488 = vector.broadcast %add3A_487 : f32 to vector<16xf32>
        %add3A_489 = arith.addf %div3A_486, %add3A_488 : vector<16xf32>
        %bitcast3A_490 = vector.bitcast %add3A_489 : vector<16xf32> to vector<16xi32>
        %shift_right_arithmetic3A_491 = arith.constant 1 : i32
        %shift_right_arithmetic3A_492 = vector.broadcast %shift_right_arithmetic3A_491 : i32 to vector<16xi32>
        %shift_right_arithmetic3A_493 = arith.shrsi %bitcast3A_490, %shift_right_arithmetic3A_492 : vector<16xi32>
        %sub3A_494 = arith.constant 1597463007 : i32
        %sub3A_495 = vector.broadcast %sub3A_494 : i32 to vector<16xi32>
        %sub3A_496 = arith.subi %sub3A_495, %shift_right_arithmetic3A_493 : vector<16xi32>
        %bitcast3A_497 = vector.bitcast %sub3A_496 : vector<16xi32> to vector<16xf32>
        %mul3A_498 = arith.constant 5.000000e-01 : f32
        %mul3A_499 = vector.broadcast %mul3A_498 : f32 to vector<16xf32>
        %mul3A_500 = arith.mulf %mul3A_499, %add3A_489 : vector<16xf32>
        %mul3A_501 = arith.mulf %mul3A_500, %bitcast3A_497 : vector<16xf32>
        %mul3A_502 = arith.mulf %mul3A_501, %bitcast3A_497 : vector<16xf32>
        %sub3A_503 = arith.constant 1.500000e+00 : f32
        %sub3A_504 = vector.broadcast %sub3A_503 : f32 to vector<16xf32>
        %sub3A_505 = arith.subf %sub3A_504, %mul3A_502 : vector<16xf32>
        %mul3A_506 = arith.mulf %bitcast3A_497, %sub3A_505 : vector<16xf32>
        %mul3A_507 = arith.constant 5.000000e-01 : f32
        %mul3A_508 = vector.broadcast %mul3A_507 : f32 to vector<16xf32>
        %mul3A_509 = arith.mulf %mul3A_508, %add3A_489 : vector<16xf32>
        %mul3A_510 = arith.mulf %mul3A_509, %mul3A_506 : vector<16xf32>
        %mul3A_511 = arith.mulf %mul3A_510, %mul3A_506 : vector<16xf32>
        %sub3A_512 = arith.constant 1.500000e+00 : f32
        %sub3A_513 = vector.broadcast %sub3A_512 : f32 to vector<16xf32>
        %sub3A_514 = arith.subf %sub3A_513, %mul3A_511 : vector<16xf32>
        %mul3A_515 = arith.mulf %mul3A_506, %sub3A_514 : vector<16xf32>
        %mul3A_516 = arith.constant 5.000000e-01 : f32
        %mul3A_517 = vector.broadcast %mul3A_516 : f32 to vector<16xf32>
        %mul3A_518 = arith.mulf %mul3A_517, %add3A_489 : vector<16xf32>
        %mul3A_519 = arith.mulf %mul3A_518, %mul3A_515 : vector<16xf32>
        %mul3A_520 = arith.mulf %mul3A_519, %mul3A_515 : vector<16xf32>
        %sub3A_521 = arith.constant 1.500000e+00 : f32
        %sub3A_522 = vector.broadcast %sub3A_521 : f32 to vector<16xf32>
        %sub3A_523 = arith.subf %sub3A_522, %mul3A_520 : vector<16xf32>
        %mul3A_524 = arith.mulf %mul3A_515, %sub3A_523 : vector<16xf32>
        %mul3A_525 = arith.mulf %add3A_489, %mul3A_524 : vector<16xf32>
        %swap3A_526 = arith.constant 48 : index
        %swap3A_527 = tpu.vector_load %arg13[%swap3A_526] {strides = array<i32>} : memref<64xf32, #tpu.memory_space<vmem>>, vector<16xf32>,
        tpu.vector_store %arg13[%swap3A_526], %mul3A_525 {strides = array<i32>} : memref<64xf32, #tpu.memory_space<vmem>>, vector<16xf32>,
        %dma_wait3A_528 = arith.constant 0 : i32
        %dma_wait3A_529 = arith.constant 0 : i32
        %dma_wait3A_530 = tpu.memref_slice %arg5[%dma_wait3A_528, %dma_wait3A_529] : memref<10240x128xf32, #tpu.memory_space<hbm>> -> memref<64x128xf32, #tpu.memory_space<hbm>>
        %dma_wait3A_531 = arith.constant 0 : i32
        %dma_wait3A_532 = arith.constant 0 : i32
        %dma_wait3A_533 = tpu.memref_slice %arg5[%dma_wait3A_531, %dma_wait3A_532] : memref<10240x128xf32, #tpu.memory_space<hbm>> -> memref<64x128xf32, #tpu.memory_space<hbm>>
        tpu.wait_dma2 semaphore(%arg16 : memref<!tpu.dma_semaphore, #tpu.memory_space<semaphore_mem>>) src(%dma_wait3A_533 : memref<64x128xf32, #tpu.memory_space<hbm>>) dst(%arg14 : memref<64x128xf32, #tpu.memory_space<vmem>>)
        %parallel_loop3A = arith.constant 0 : i32
        %parallel_loop3A_534 = arith.constant 64 : i32
        %parallel_loop3A_535 = arith.constant 1 : i32
        scf.for %parallel_loop3A_853 = %parallel_loop3A to %parallel_loop3A_534 step %parallel_loop3A_535  : i32 {
          %parallel_loop3A_854 = vector.broadcast %parallel_loop3A_853 : i32 to vector<16xi32>
          %parallel_loop3A_855 = tpu.vector_load_idx %arg13[%parallel_loop3A_854] : memref<64xf32, #tpu.memory_space<vmem>>[vector<16xi32>], vector<16xf32>,
          %parallel_loop3A_856 = arith.index_cast %parallel_loop3A_853 : i32 to index
          %parallel_loop3A_857 = arith.constant 0 : index
          %parallel_loop3A_858 = tpu.vector_load %arg14[%parallel_loop3A_856, %parallel_loop3A_857] {strides = array<i32>} : memref<64x128xf32, #tpu.memory_space<vmem>>, vector<16xf32>,
          %parallel_loop3A_859 = arith.mulf %parallel_loop3A_858, %parallel_loop3A_855 : vector<16xf32>
          %parallel_loop3A_860 = arith.index_cast %parallel_loop3A_853 : i32 to index
          %parallel_loop3A_861 = arith.constant 0 : index
          %parallel_loop3A_862 = tpu.vector_load %arg14[%parallel_loop3A_860, %parallel_loop3A_861] {strides = array<i32>} : memref<64x128xf32, #tpu.memory_space<vmem>>, vector<16xf32>,
          tpu.vector_store %arg14[%parallel_loop3A_860, %parallel_loop3A_861], %parallel_loop3A_859 {strides = array<i32>} : memref<64x128xf32, #tpu.memory_space<vmem>>, vector<16xf32>,
          %parallel_loop3A_863 = arith.index_cast %parallel_loop3A_853 : i32 to index
          %parallel_loop3A_864 = arith.constant 16 : index
          %parallel_loop3A_865 = tpu.vector_load %arg14[%parallel_loop3A_863, %parallel_loop3A_864] {strides = array<i32>} : memref<64x128xf32, #tpu.memory_space<vmem>>, vector<16xf32>,
          %parallel_loop3A_866 = arith.mulf %parallel_loop3A_865, %parallel_loop3A_855 : vector<16xf32>
          %parallel_loop3A_867 = arith.index_cast %parallel_loop3A_853 : i32 to index
          %parallel_loop3A_868 = arith.constant 16 : index
          %parallel_loop3A_869 = tpu.vector_load %arg14[%parallel_loop3A_867, %parallel_loop3A_868] {strides = array<i32>} : memref<64x128xf32, #tpu.memory_space<vmem>>, vector<16xf32>,
          tpu.vector_store %arg14[%parallel_loop3A_867, %parallel_loop3A_868], %parallel_loop3A_866 {strides = array<i32>} : memref<64x128xf32, #tpu.memory_space<vmem>>, vector<16xf32>,
          %parallel_loop3A_870 = arith.index_cast %parallel_loop3A_853 : i32 to index
          %parallel_loop3A_871 = arith.constant 32 : index
          %parallel_loop3A_872 = tpu.vector_load %arg14[%parallel_loop3A_870, %parallel_loop3A_871] {strides = array<i32>} : memref<64x128xf32, #tpu.memory_space<vmem>>, vector<16xf32>,
          %parallel_loop3A_873 = arith.mulf %parallel_loop3A_872, %parallel_loop3A_855 : vector<16xf32>
          %parallel_loop3A_874 = arith.index_cast %parallel_loop3A_853 : i32 to index
          %parallel_loop3A_875 = arith.constant 32 : index
          %parallel_loop3A_876 = tpu.vector_load %arg14[%parallel_loop3A_874, %parallel_loop3A_875] {strides = array<i32>} : memref<64x128xf32, #tpu.memory_space<vmem>>, vector<16xf32>,
          tpu.vector_store %arg14[%parallel_loop3A_874, %parallel_loop3A_875], %parallel_loop3A_873 {strides = array<i32>} : memref<64x128xf32, #tpu.memory_space<vmem>>, vector<16xf32>,
          %parallel_loop3A_877 = arith.index_cast %parallel_loop3A_853 : i32 to index
          %parallel_loop3A_878 = arith.constant 48 : index
          %parallel_loop3A_879 = tpu.vector_load %arg14[%parallel_loop3A_877, %parallel_loop3A_878] {strides = array<i32>} : memref<64x128xf32, #tpu.memory_space<vmem>>, vector<16xf32>,
          %parallel_loop3A_880 = arith.mulf %parallel_loop3A_879, %parallel_loop3A_855 : vector<16xf32>
          %parallel_loop3A_881 = arith.index_cast %parallel_loop3A_853 : i32 to index
          %parallel_loop3A_882 = arith.constant 48 : index
          %parallel_loop3A_883 = tpu.vector_load %arg14[%parallel_loop3A_881, %parallel_loop3A_882] {strides = array<i32>} : memref<64x128xf32, #tpu.memory_space<vmem>>, vector<16xf32>,
          tpu.vector_store %arg14[%parallel_loop3A_881, %parallel_loop3A_882], %parallel_loop3A_880 {strides = array<i32>} : memref<64x128xf32, #tpu.memory_space<vmem>>, vector<16xf32>,
          %parallel_loop3A_884 = arith.index_cast %parallel_loop3A_853 : i32 to index
          %parallel_loop3A_885 = arith.constant 64 : index
          %parallel_loop3A_886 = tpu.vector_load %arg14[%parallel_loop3A_884, %parallel_loop3A_885] {strides = array<i32>} : memref<64x128xf32, #tpu.memory_space<vmem>>, vector<16xf32>,
          %parallel_loop3A_887 = arith.mulf %parallel_loop3A_886, %parallel_loop3A_855 : vector<16xf32>
          %parallel_loop3A_888 = arith.index_cast %parallel_loop3A_853 : i32 to index
          %parallel_loop3A_889 = arith.constant 64 : index
          %parallel_loop3A_890 = tpu.vector_load %arg14[%parallel_loop3A_888, %parallel_loop3A_889] {strides = array<i32>} : memref<64x128xf32, #tpu.memory_space<vmem>>, vector<16xf32>,
          tpu.vector_store %arg14[%parallel_loop3A_888, %parallel_loop3A_889], %parallel_loop3A_887 {strides = array<i32>} : memref<64x128xf32, #tpu.memory_space<vmem>>, vector<16xf32>,
          %parallel_loop3A_891 = arith.index_cast %parallel_loop3A_853 : i32 to index
          %parallel_loop3A_892 = arith.constant 80 : index
          %parallel_loop3A_893 = tpu.vector_load %arg14[%parallel_loop3A_891, %parallel_loop3A_892] {strides = array<i32>} : memref<64x128xf32, #tpu.memory_space<vmem>>, vector<16xf32>,
          %parallel_loop3A_894 = arith.mulf %parallel_loop3A_893, %parallel_loop3A_855 : vector<16xf32>
          %parallel_loop3A_895 = arith.index_cast %parallel_loop3A_853 : i32 to index
          %parallel_loop3A_896 = arith.constant 80 : index
          %parallel_loop3A_897 = tpu.vector_load %arg14[%parallel_loop3A_895, %parallel_loop3A_896] {strides = array<i32>} : memref<64x128xf32, #tpu.memory_space<vmem>>, vector<16xf32>,
          tpu.vector_store %arg14[%parallel_loop3A_895, %parallel_loop3A_896], %parallel_loop3A_894 {strides = array<i32>} : memref<64x128xf32, #tpu.memory_space<vmem>>, vector<16xf32>,
          %parallel_loop3A_898 = arith.index_cast %parallel_loop3A_853 : i32 to index
          %parallel_loop3A_899 = arith.constant 96 : index
          %parallel_loop3A_900 = tpu.vector_load %arg14[%parallel_loop3A_898, %parallel_loop3A_899] {strides = array<i32>} : memref<64x128xf32, #tpu.memory_space<vmem>>, vector<16xf32>,
          %parallel_loop3A_901 = arith.mulf %parallel_loop3A_900, %parallel_loop3A_855 : vector<16xf32>
          %parallel_loop3A_902 = arith.index_cast %parallel_loop3A_853 : i32 to index
          %parallel_loop3A_903 = arith.constant 96 : index
          %parallel_loop3A_904 = tpu.vector_load %arg14[%parallel_loop3A_902, %parallel_loop3A_903] {strides = array<i32>} : memref<64x128xf32, #tpu.memory_space<vmem>>, vector<16xf32>,
          tpu.vector_store %arg14[%parallel_loop3A_902, %parallel_loop3A_903], %parallel_loop3A_901 {strides = array<i32>} : memref<64x128xf32, #tpu.memory_space<vmem>>, vector<16xf32>,
          %parallel_loop3A_905 = arith.index_cast %parallel_loop3A_853 : i32 to index
          %parallel_loop3A_906 = arith.constant 112 : index
          %parallel_loop3A_907 = tpu.vector_load %arg14[%parallel_loop3A_905, %parallel_loop3A_906] {strides = array<i32>} : memref<64x128xf32, #tpu.memory_space<vmem>>, vector<16xf32>,
          %parallel_loop3A_908 = arith.mulf %parallel_loop3A_907, %parallel_loop3A_855 : vector<16xf32>
          %parallel_loop3A_909 = arith.index_cast %parallel_loop3A_853 : i32 to index
          %parallel_loop3A_910 = arith.constant 112 : index
          %parallel_loop3A_911 = tpu.vector_load %arg14[%parallel_loop3A_909, %parallel_loop3A_910] {strides = array<i32>} : memref<64x128xf32, #tpu.memory_space<vmem>>, vector<16xf32>,
          tpu.vector_store %arg14[%parallel_loop3A_909, %parallel_loop3A_910], %parallel_loop3A_908 {strides = array<i32>} : memref<64x128xf32, #tpu.memory_space<vmem>>, vector<16xf32>,
        } {sc.loop_unroll_factor = 8 : i64, sc.parallel_access}
        %dma_start3A_536 = arith.constant 0 : i32
        %dma_start3A_537 = tpu.memref_slice %arg9[%mul3A_245, %dma_start3A_536] : memref<32x64xi32, #tpu.memory_space<vmem>> -> memref<1x64xi32, #tpu.memory_space<vmem>>
        %dma_start3A_538 = tpu.memref_squeeze %dma_start3A_537 : memref<1x64xi32, #tpu.memory_space<vmem>> -> memref<64xi32, #tpu.memory_space<vmem>>
        %dma_start3A_539 = arith.constant 0 : i32
        %dma_start3A_540 = arith.constant 0 : i32
        %dma_start3A_541 = tpu.memref_slice %arg22[%dma_start3A_539, %dma_start3A_540] : memref<10240x128xf32, #tpu.memory_space<vmem_shared>> -> memref<10240x128xf32, #tpu.memory_space<vmem_shared>>
        tpu.enqueue_indirect_dma source(%arg14 : memref<64x128xf32, #tpu.memory_space<vmem>>) target(%dma_start3A_541 : memref<10240x128xf32, #tpu.memory_space<vmem_shared>>) offsets(%dma_start3A_538 : memref<64xi32, #tpu.memory_space<vmem>>) semaphore(%arg18 : memref<!tpu.dma_semaphore, #tpu.memory_space<semaphore_mem>>) {add = true}
        %mul3A_542 = arith.constant 2 : i32
        %mul3A_543 = arith.muli %mul3A_542, %scan3A_243 : i32
        %add3A_544 = arith.constant 1 : i32
        %add3A_545 = arith.addi %mul3A_543, %add3A_544 : i32
        %ge3A_546 = arith.constant 1 : i32
        %ge3A_547 = arith.cmpi sge, %add3A_545, %ge3A_546 : i32
        %convert_element_type3A_548 = arith.extui %ge3A_547 : i1 to i32
        %cond3A_549 = arith.constant 0 : i32
        %cond3A_550 = arith.cmpi ne, %convert_element_type3A_548, %cond3A_549 : i32
        scf.if %cond3A_550 {
          %dma_wait3A_853 = arith.constant 0 : i32
          %dma_wait3A_854 = arith.constant 0 : i32
          %dma_wait3A_855 = tpu.memref_slice %arg5[%dma_wait3A_853, %dma_wait3A_854] : memref<10240x128xf32, #tpu.memory_space<hbm>> -> memref<64x128xf32, #tpu.memory_space<hbm>>
          %dma_wait3A_856 = arith.constant 0 : i32
          %dma_wait3A_857 = arith.constant 0 : i32
          %dma_wait3A_858 = tpu.memref_slice %arg5[%dma_wait3A_856, %dma_wait3A_857] : memref<10240x128xf32, #tpu.memory_space<hbm>> -> memref<64x128xf32, #tpu.memory_space<hbm>>
          tpu.wait_dma2 semaphore(%arg18 : memref<!tpu.dma_semaphore, #tpu.memory_space<semaphore_mem>>) src(%dma_wait3A_858 : memref<64x128xf32, #tpu.memory_space<hbm>>) dst(%arg14 : memref<64x128xf32, #tpu.memory_space<vmem>>)
        } else {
        }
        %add3A_551 = arith.constant 1 : i32
        %add3A_552 = arith.addi %add3A_545, %add3A_551 : i32
        %lt3A_553 = arith.constant 32 : i32
        %lt3A_554 = arith.cmpi slt, %add3A_552, %lt3A_553 : i32
        %convert_element_type3A_555 = arith.extui %lt3A_554 : i1 to i32
        %cond3A_556 = arith.constant 0 : i32
        %cond3A_557 = arith.cmpi ne, %convert_element_type3A_555, %cond3A_556 : i32
        scf.if %cond3A_557 {
          %add3A_853 = arith.constant 1 : i32
          %add3A_854 = arith.addi %add3A_545, %add3A_853 : i32
          %mul3A_855 = arith.constant 64 : i32
          %mul3A_856 = arith.muli %add3A_854, %mul3A_855 : i32
          %dma_start3A_857 = tpu.memref_slice %arg7[%mul3A_856] : memref<2048xi32, #tpu.memory_space<vmem>> -> memref<64xi32, #tpu.memory_space<vmem>>
          %dma_start3A_858 = arith.constant 0 : i32
          %dma_start3A_859 = arith.constant 0 : i32
          %dma_start3A_860 = tpu.memref_slice %arg5[%dma_start3A_858, %dma_start3A_859] : memref<10240x128xf32, #tpu.memory_space<hbm>> -> memref<10240x128xf32, #tpu.memory_space<hbm>>
          tpu.enqueue_indirect_dma source(%dma_start3A_860 : memref<10240x128xf32, #tpu.memory_space<hbm>>) target(%arg14 : memref<64x128xf32, #tpu.memory_space<vmem>>) offsets(%dma_start3A_857 : memref<64xi32, #tpu.memory_space<vmem>>) semaphore(%arg16 : memref<!tpu.dma_semaphore, #tpu.memory_space<semaphore_mem>>)
        } else {
        }
        %mul3A_558 = arith.constant 64 : i32
        %mul3A_559 = arith.muli %add3A_545, %mul3A_558 : i32
        %add3A_560 = arith.constant 0 : i32
        %add3A_561 = arith.addi %mul3A_559, %add3A_560 : i32
        %get3A_562 = arith.index_cast %add3A_561 : i32 to index
        %get3A_563 = tpu.vector_load %arg8[%get3A_562] {strides = array<i32>} : memref<2048xf32, #tpu.memory_space<vmem>>, vector<16xf32>,
        %exp3A_564 = math.exp %get3A_563 : vector<16xf32>
        %get3A_565 = arith.index_cast %add3A_545 : i32 to index
        %get3A_566 = arith.constant 0 : index
        %get3A_567 = tpu.vector_load %arg9[%get3A_565, %get3A_566] {strides = array<i32>} : memref<32x64xi32, #tpu.memory_space<vmem>>, vector<16xi32>,
        %get3A_568 = arith.index_cast %add3A_561 : i32 to index
        %get3A_569 = tpu.vector_load %arg7[%get3A_568] {strides = array<i32>} : memref<2048xi32, #tpu.memory_space<vmem>>, vector<16xi32>,
        %shift_right_arithmetic3A_570 = arith.constant 7 : i32
        %shift_right_arithmetic3A_571 = vector.broadcast %shift_right_arithmetic3A_570 : i32 to vector<16xi32>
        %shift_right_arithmetic3A_572 = arith.shrsi %get3A_567, %shift_right_arithmetic3A_571 : vector<16xi32>
        %and3A_573 = arith.constant 127 : i32
        %and3A_574 = vector.broadcast %and3A_573 : i32 to vector<16xi32>
        %and3A_575 = arith.andi %get3A_567, %and3A_574 : vector<16xi32>
        %gather3A_576 = tpu.vector_load_idx %arg10[%shift_right_arithmetic3A_572, %and3A_575] : memref<80x128xf32, #tpu.memory_space<vmem>>[vector<16xi32>, vector<16xi32>], vector<16xf32>,
        %shift_right_arithmetic3A_577 = arith.constant 7 : i32
        %shift_right_arithmetic3A_578 = vector.broadcast %shift_right_arithmetic3A_577 : i32 to vector<16xi32>
        %shift_right_arithmetic3A_579 = arith.shrsi %get3A_569, %shift_right_arithmetic3A_578 : vector<16xi32>
        %and3A_580 = arith.constant 127 : i32
        %and3A_581 = vector.broadcast %and3A_580 : i32 to vector<16xi32>
        %and3A_582 = arith.andi %get3A_569, %and3A_581 : vector<16xi32>
        %gather3A_583 = tpu.vector_load_idx %arg11[%shift_right_arithmetic3A_579, %and3A_582] : memref<80x128xf32, #tpu.memory_space<vmem>>[vector<16xi32>, vector<16xi32>], vector<16xf32>,
        %mul3A_584 = arith.mulf %exp3A_564, %exp3A_564 : vector<16xf32>
        %mul3A_585 = arith.mulf %gather3A_576, %gather3A_583 : vector<16xf32>
        %div3A_586 = arith.divf %mul3A_584, %mul3A_585 : vector<16xf32>
        %add3A_587 = arith.constant 1.000000e-10 : f32
        %add3A_588 = vector.broadcast %add3A_587 : f32 to vector<16xf32>
        %add3A_589 = arith.addf %div3A_586, %add3A_588 : vector<16xf32>
        %bitcast3A_590 = vector.bitcast %add3A_589 : vector<16xf32> to vector<16xi32>
        %shift_right_arithmetic3A_591 = arith.constant 1 : i32
        %shift_right_arithmetic3A_592 = vector.broadcast %shift_right_arithmetic3A_591 : i32 to vector<16xi32>
        %shift_right_arithmetic3A_593 = arith.shrsi %bitcast3A_590, %shift_right_arithmetic3A_592 : vector<16xi32>
        %sub3A_594 = arith.constant 1597463007 : i32
        %sub3A_595 = vector.broadcast %sub3A_594 : i32 to vector<16xi32>
        %sub3A_596 = arith.subi %sub3A_595, %shift_right_arithmetic3A_593 : vector<16xi32>
        %bitcast3A_597 = vector.bitcast %sub3A_596 : vector<16xi32> to vector<16xf32>
        %mul3A_598 = arith.constant 5.000000e-01 : f32
        %mul3A_599 = vector.broadcast %mul3A_598 : f32 to vector<16xf32>
        %mul3A_600 = arith.mulf %mul3A_599, %add3A_589 : vector<16xf32>
        %mul3A_601 = arith.mulf %mul3A_600, %bitcast3A_597 : vector<16xf32>
        %mul3A_602 = arith.mulf %mul3A_601, %bitcast3A_597 : vector<16xf32>
        %sub3A_603 = arith.constant 1.500000e+00 : f32
        %sub3A_604 = vector.broadcast %sub3A_603 : f32 to vector<16xf32>
        %sub3A_605 = arith.subf %sub3A_604, %mul3A_602 : vector<16xf32>
        %mul3A_606 = arith.mulf %bitcast3A_597, %sub3A_605 : vector<16xf32>
        %mul3A_607 = arith.constant 5.000000e-01 : f32
        %mul3A_608 = vector.broadcast %mul3A_607 : f32 to vector<16xf32>
        %mul3A_609 = arith.mulf %mul3A_608, %add3A_589 : vector<16xf32>
        %mul3A_610 = arith.mulf %mul3A_609, %mul3A_606 : vector<16xf32>
        %mul3A_611 = arith.mulf %mul3A_610, %mul3A_606 : vector<16xf32>
        %sub3A_612 = arith.constant 1.500000e+00 : f32
        %sub3A_613 = vector.broadcast %sub3A_612 : f32 to vector<16xf32>
        %sub3A_614 = arith.subf %sub3A_613, %mul3A_611 : vector<16xf32>
        %mul3A_615 = arith.mulf %mul3A_606, %sub3A_614 : vector<16xf32>
        %mul3A_616 = arith.constant 5.000000e-01 : f32
        %mul3A_617 = vector.broadcast %mul3A_616 : f32 to vector<16xf32>
        %mul3A_618 = arith.mulf %mul3A_617, %add3A_589 : vector<16xf32>
        %mul3A_619 = arith.mulf %mul3A_618, %mul3A_615 : vector<16xf32>
        %mul3A_620 = arith.mulf %mul3A_619, %mul3A_615 : vector<16xf32>
        %sub3A_621 = arith.constant 1.500000e+00 : f32
        %sub3A_622 = vector.broadcast %sub3A_621 : f32 to vector<16xf32>
        %sub3A_623 = arith.subf %sub3A_622, %mul3A_620 : vector<16xf32>
        %mul3A_624 = arith.mulf %mul3A_615, %sub3A_623 : vector<16xf32>
        %mul3A_625 = arith.mulf %add3A_589, %mul3A_624 : vector<16xf32>
        %swap3A_626 = arith.constant 0 : index
        %swap3A_627 = tpu.vector_load %arg13[%swap3A_626] {strides = array<i32>} : memref<64xf32, #tpu.memory_space<vmem>>, vector<16xf32>,
        tpu.vector_store %arg13[%swap3A_626], %mul3A_625 {strides = array<i32>} : memref<64xf32, #tpu.memory_space<vmem>>, vector<16xf32>,
        %mul3A_628 = arith.constant 64 : i32
        %mul3A_629 = arith.muli %add3A_545, %mul3A_628 : i32
        %add3A_630 = arith.constant 16 : i32
        %add3A_631 = arith.addi %mul3A_629, %add3A_630 : i32
        %get3A_632 = arith.index_cast %add3A_631 : i32 to index
        %get3A_633 = tpu.vector_load %arg8[%get3A_632] {strides = array<i32>} : memref<2048xf32, #tpu.memory_space<vmem>>, vector<16xf32>,
        %exp3A_634 = math.exp %get3A_633 : vector<16xf32>
        %get3A_635 = arith.index_cast %add3A_545 : i32 to index
        %get3A_636 = arith.constant 16 : index
        %get3A_637 = tpu.vector_load %arg9[%get3A_635, %get3A_636] {strides = array<i32>} : memref<32x64xi32, #tpu.memory_space<vmem>>, vector<16xi32>,
        %get3A_638 = arith.index_cast %add3A_631 : i32 to index
        %get3A_639 = tpu.vector_load %arg7[%get3A_638] {strides = array<i32>} : memref<2048xi32, #tpu.memory_space<vmem>>, vector<16xi32>,
        %shift_right_arithmetic3A_640 = arith.constant 7 : i32
        %shift_right_arithmetic3A_641 = vector.broadcast %shift_right_arithmetic3A_640 : i32 to vector<16xi32>
        %shift_right_arithmetic3A_642 = arith.shrsi %get3A_637, %shift_right_arithmetic3A_641 : vector<16xi32>
        %and3A_643 = arith.constant 127 : i32
        %and3A_644 = vector.broadcast %and3A_643 : i32 to vector<16xi32>
        %and3A_645 = arith.andi %get3A_637, %and3A_644 : vector<16xi32>
        %gather3A_646 = tpu.vector_load_idx %arg10[%shift_right_arithmetic3A_642, %and3A_645] : memref<80x128xf32, #tpu.memory_space<vmem>>[vector<16xi32>, vector<16xi32>], vector<16xf32>,
        %shift_right_arithmetic3A_647 = arith.constant 7 : i32
        %shift_right_arithmetic3A_648 = vector.broadcast %shift_right_arithmetic3A_647 : i32 to vector<16xi32>
        %shift_right_arithmetic3A_649 = arith.shrsi %get3A_639, %shift_right_arithmetic3A_648 : vector<16xi32>
        %and3A_650 = arith.constant 127 : i32
        %and3A_651 = vector.broadcast %and3A_650 : i32 to vector<16xi32>
        %and3A_652 = arith.andi %get3A_639, %and3A_651 : vector<16xi32>
        %gather3A_653 = tpu.vector_load_idx %arg11[%shift_right_arithmetic3A_649, %and3A_652] : memref<80x128xf32, #tpu.memory_space<vmem>>[vector<16xi32>, vector<16xi32>], vector<16xf32>,
        %mul3A_654 = arith.mulf %exp3A_634, %exp3A_634 : vector<16xf32>
        %mul3A_655 = arith.mulf %gather3A_646, %gather3A_653 : vector<16xf32>
        %div3A_656 = arith.divf %mul3A_654, %mul3A_655 : vector<16xf32>
        %add3A_657 = arith.constant 1.000000e-10 : f32
        %add3A_658 = vector.broadcast %add3A_657 : f32 to vector<16xf32>
        %add3A_659 = arith.addf %div3A_656, %add3A_658 : vector<16xf32>
        %bitcast3A_660 = vector.bitcast %add3A_659 : vector<16xf32> to vector<16xi32>
        %shift_right_arithmetic3A_661 = arith.constant 1 : i32
        %shift_right_arithmetic3A_662 = vector.broadcast %shift_right_arithmetic3A_661 : i32 to vector<16xi32>
        %shift_right_arithmetic3A_663 = arith.shrsi %bitcast3A_660, %shift_right_arithmetic3A_662 : vector<16xi32>
        %sub3A_664 = arith.constant 1597463007 : i32
        %sub3A_665 = vector.broadcast %sub3A_664 : i32 to vector<16xi32>
        %sub3A_666 = arith.subi %sub3A_665, %shift_right_arithmetic3A_663 : vector<16xi32>
        %bitcast3A_667 = vector.bitcast %sub3A_666 : vector<16xi32> to vector<16xf32>
        %mul3A_668 = arith.constant 5.000000e-01 : f32
        %mul3A_669 = vector.broadcast %mul3A_668 : f32 to vector<16xf32>
        %mul3A_670 = arith.mulf %mul3A_669, %add3A_659 : vector<16xf32>
        %mul3A_671 = arith.mulf %mul3A_670, %bitcast3A_667 : vector<16xf32>
        %mul3A_672 = arith.mulf %mul3A_671, %bitcast3A_667 : vector<16xf32>
        %sub3A_673 = arith.constant 1.500000e+00 : f32
        %sub3A_674 = vector.broadcast %sub3A_673 : f32 to vector<16xf32>
        %sub3A_675 = arith.subf %sub3A_674, %mul3A_672 : vector<16xf32>
        %mul3A_676 = arith.mulf %bitcast3A_667, %sub3A_675 : vector<16xf32>
        %mul3A_677 = arith.constant 5.000000e-01 : f32
        %mul3A_678 = vector.broadcast %mul3A_677 : f32 to vector<16xf32>
        %mul3A_679 = arith.mulf %mul3A_678, %add3A_659 : vector<16xf32>
        %mul3A_680 = arith.mulf %mul3A_679, %mul3A_676 : vector<16xf32>
        %mul3A_681 = arith.mulf %mul3A_680, %mul3A_676 : vector<16xf32>
        %sub3A_682 = arith.constant 1.500000e+00 : f32
        %sub3A_683 = vector.broadcast %sub3A_682 : f32 to vector<16xf32>
        %sub3A_684 = arith.subf %sub3A_683, %mul3A_681 : vector<16xf32>
        %mul3A_685 = arith.mulf %mul3A_676, %sub3A_684 : vector<16xf32>
        %mul3A_686 = arith.constant 5.000000e-01 : f32
        %mul3A_687 = vector.broadcast %mul3A_686 : f32 to vector<16xf32>
        %mul3A_688 = arith.mulf %mul3A_687, %add3A_659 : vector<16xf32>
        %mul3A_689 = arith.mulf %mul3A_688, %mul3A_685 : vector<16xf32>
        %mul3A_690 = arith.mulf %mul3A_689, %mul3A_685 : vector<16xf32>
        %sub3A_691 = arith.constant 1.500000e+00 : f32
        %sub3A_692 = vector.broadcast %sub3A_691 : f32 to vector<16xf32>
        %sub3A_693 = arith.subf %sub3A_692, %mul3A_690 : vector<16xf32>
        %mul3A_694 = arith.mulf %mul3A_685, %sub3A_693 : vector<16xf32>
        %mul3A_695 = arith.mulf %add3A_659, %mul3A_694 : vector<16xf32>
        %swap3A_696 = arith.constant 16 : index
        %swap3A_697 = tpu.vector_load %arg13[%swap3A_696] {strides = array<i32>} : memref<64xf32, #tpu.memory_space<vmem>>, vector<16xf32>,
        tpu.vector_store %arg13[%swap3A_696], %mul3A_695 {strides = array<i32>} : memref<64xf32, #tpu.memory_space<vmem>>, vector<16xf32>,
        %mul3A_698 = arith.constant 64 : i32
        %mul3A_699 = arith.muli %add3A_545, %mul3A_698 : i32
        %add3A_700 = arith.constant 32 : i32
        %add3A_701 = arith.addi %mul3A_699, %add3A_700 : i32
        %get3A_702 = arith.index_cast %add3A_701 : i32 to index
        %get3A_703 = tpu.vector_load %arg8[%get3A_702] {strides = array<i32>} : memref<2048xf32, #tpu.memory_space<vmem>>, vector<16xf32>,
        %exp3A_704 = math.exp %get3A_703 : vector<16xf32>
        %get3A_705 = arith.index_cast %add3A_545 : i32 to index
        %get3A_706 = arith.constant 32 : index
        %get3A_707 = tpu.vector_load %arg9[%get3A_705, %get3A_706] {strides = array<i32>} : memref<32x64xi32, #tpu.memory_space<vmem>>, vector<16xi32>,
        %get3A_708 = arith.index_cast %add3A_701 : i32 to index
        %get3A_709 = tpu.vector_load %arg7[%get3A_708] {strides = array<i32>} : memref<2048xi32, #tpu.memory_space<vmem>>, vector<16xi32>,
        %shift_right_arithmetic3A_710 = arith.constant 7 : i32
        %shift_right_arithmetic3A_711 = vector.broadcast %shift_right_arithmetic3A_710 : i32 to vector<16xi32>
        %shift_right_arithmetic3A_712 = arith.shrsi %get3A_707, %shift_right_arithmetic3A_711 : vector<16xi32>
        %and3A_713 = arith.constant 127 : i32
        %and3A_714 = vector.broadcast %and3A_713 : i32 to vector<16xi32>
        %and3A_715 = arith.andi %get3A_707, %and3A_714 : vector<16xi32>
        %gather3A_716 = tpu.vector_load_idx %arg10[%shift_right_arithmetic3A_712, %and3A_715] : memref<80x128xf32, #tpu.memory_space<vmem>>[vector<16xi32>, vector<16xi32>], vector<16xf32>,
        %shift_right_arithmetic3A_717 = arith.constant 7 : i32
        %shift_right_arithmetic3A_718 = vector.broadcast %shift_right_arithmetic3A_717 : i32 to vector<16xi32>
        %shift_right_arithmetic3A_719 = arith.shrsi %get3A_709, %shift_right_arithmetic3A_718 : vector<16xi32>
        %and3A_720 = arith.constant 127 : i32
        %and3A_721 = vector.broadcast %and3A_720 : i32 to vector<16xi32>
        %and3A_722 = arith.andi %get3A_709, %and3A_721 : vector<16xi32>
        %gather3A_723 = tpu.vector_load_idx %arg11[%shift_right_arithmetic3A_719, %and3A_722] : memref<80x128xf32, #tpu.memory_space<vmem>>[vector<16xi32>, vector<16xi32>], vector<16xf32>,
        %mul3A_724 = arith.mulf %exp3A_704, %exp3A_704 : vector<16xf32>
        %mul3A_725 = arith.mulf %gather3A_716, %gather3A_723 : vector<16xf32>
        %div3A_726 = arith.divf %mul3A_724, %mul3A_725 : vector<16xf32>
        %add3A_727 = arith.constant 1.000000e-10 : f32
        %add3A_728 = vector.broadcast %add3A_727 : f32 to vector<16xf32>
        %add3A_729 = arith.addf %div3A_726, %add3A_728 : vector<16xf32>
        %bitcast3A_730 = vector.bitcast %add3A_729 : vector<16xf32> to vector<16xi32>
        %shift_right_arithmetic3A_731 = arith.constant 1 : i32
        %shift_right_arithmetic3A_732 = vector.broadcast %shift_right_arithmetic3A_731 : i32 to vector<16xi32>
        %shift_right_arithmetic3A_733 = arith.shrsi %bitcast3A_730, %shift_right_arithmetic3A_732 : vector<16xi32>
        %sub3A_734 = arith.constant 1597463007 : i32
        %sub3A_735 = vector.broadcast %sub3A_734 : i32 to vector<16xi32>
        %sub3A_736 = arith.subi %sub3A_735, %shift_right_arithmetic3A_733 : vector<16xi32>
        %bitcast3A_737 = vector.bitcast %sub3A_736 : vector<16xi32> to vector<16xf32>
        %mul3A_738 = arith.constant 5.000000e-01 : f32
        %mul3A_739 = vector.broadcast %mul3A_738 : f32 to vector<16xf32>
        %mul3A_740 = arith.mulf %mul3A_739, %add3A_729 : vector<16xf32>
        %mul3A_741 = arith.mulf %mul3A_740, %bitcast3A_737 : vector<16xf32>
        %mul3A_742 = arith.mulf %mul3A_741, %bitcast3A_737 : vector<16xf32>
        %sub3A_743 = arith.constant 1.500000e+00 : f32
        %sub3A_744 = vector.broadcast %sub3A_743 : f32 to vector<16xf32>
        %sub3A_745 = arith.subf %sub3A_744, %mul3A_742 : vector<16xf32>
        %mul3A_746 = arith.mulf %bitcast3A_737, %sub3A_745 : vector<16xf32>
        %mul3A_747 = arith.constant 5.000000e-01 : f32
        %mul3A_748 = vector.broadcast %mul3A_747 : f32 to vector<16xf32>
        %mul3A_749 = arith.mulf %mul3A_748, %add3A_729 : vector<16xf32>
        %mul3A_750 = arith.mulf %mul3A_749, %mul3A_746 : vector<16xf32>
        %mul3A_751 = arith.mulf %mul3A_750, %mul3A_746 : vector<16xf32>
        %sub3A_752 = arith.constant 1.500000e+00 : f32
        %sub3A_753 = vector.broadcast %sub3A_752 : f32 to vector<16xf32>
        %sub3A_754 = arith.subf %sub3A_753, %mul3A_751 : vector<16xf32>
        %mul3A_755 = arith.mulf %mul3A_746, %sub3A_754 : vector<16xf32>
        %mul3A_756 = arith.constant 5.000000e-01 : f32
        %mul3A_757 = vector.broadcast %mul3A_756 : f32 to vector<16xf32>
        %mul3A_758 = arith.mulf %mul3A_757, %add3A_729 : vector<16xf32>
        %mul3A_759 = arith.mulf %mul3A_758, %mul3A_755 : vector<16xf32>
        %mul3A_760 = arith.mulf %mul3A_759, %mul3A_755 : vector<16xf32>
        %sub3A_761 = arith.constant 1.500000e+00 : f32
        %sub3A_762 = vector.broadcast %sub3A_761 : f32 to vector<16xf32>
        %sub3A_763 = arith.subf %sub3A_762, %mul3A_760 : vector<16xf32>
        %mul3A_764 = arith.mulf %mul3A_755, %sub3A_763 : vector<16xf32>
        %mul3A_765 = arith.mulf %add3A_729, %mul3A_764 : vector<16xf32>
        %swap3A_766 = arith.constant 32 : index
        %swap3A_767 = tpu.vector_load %arg13[%swap3A_766] {strides = array<i32>} : memref<64xf32, #tpu.memory_space<vmem>>, vector<16xf32>,
        tpu.vector_store %arg13[%swap3A_766], %mul3A_765 {strides = array<i32>} : memref<64xf32, #tpu.memory_space<vmem>>, vector<16xf32>,
        %mul3A_768 = arith.constant 64 : i32
        %mul3A_769 = arith.muli %add3A_545, %mul3A_768 : i32
        %add3A_770 = arith.constant 48 : i32
        %add3A_771 = arith.addi %mul3A_769, %add3A_770 : i32
        %get3A_772 = arith.index_cast %add3A_771 : i32 to index
        %get3A_773 = tpu.vector_load %arg8[%get3A_772] {strides = array<i32>} : memref<2048xf32, #tpu.memory_space<vmem>>, vector<16xf32>,
        %exp3A_774 = math.exp %get3A_773 : vector<16xf32>
        %get3A_775 = arith.index_cast %add3A_545 : i32 to index
        %get3A_776 = arith.constant 48 : index
        %get3A_777 = tpu.vector_load %arg9[%get3A_775, %get3A_776] {strides = array<i32>} : memref<32x64xi32, #tpu.memory_space<vmem>>, vector<16xi32>,
        %get3A_778 = arith.index_cast %add3A_771 : i32 to index
        %get3A_779 = tpu.vector_load %arg7[%get3A_778] {strides = array<i32>} : memref<2048xi32, #tpu.memory_space<vmem>>, vector<16xi32>,
        %shift_right_arithmetic3A_780 = arith.constant 7 : i32
        %shift_right_arithmetic3A_781 = vector.broadcast %shift_right_arithmetic3A_780 : i32 to vector<16xi32>
        %shift_right_arithmetic3A_782 = arith.shrsi %get3A_777, %shift_right_arithmetic3A_781 : vector<16xi32>
        %and3A_783 = arith.constant 127 : i32
        %and3A_784 = vector.broadcast %and3A_783 : i32 to vector<16xi32>
        %and3A_785 = arith.andi %get3A_777, %and3A_784 : vector<16xi32>
        %gather3A_786 = tpu.vector_load_idx %arg10[%shift_right_arithmetic3A_782, %and3A_785] : memref<80x128xf32, #tpu.memory_space<vmem>>[vector<16xi32>, vector<16xi32>], vector<16xf32>,
        %shift_right_arithmetic3A_787 = arith.constant 7 : i32
        %shift_right_arithmetic3A_788 = vector.broadcast %shift_right_arithmetic3A_787 : i32 to vector<16xi32>
        %shift_right_arithmetic3A_789 = arith.shrsi %get3A_779, %shift_right_arithmetic3A_788 : vector<16xi32>
        %and3A_790 = arith.constant 127 : i32
        %and3A_791 = vector.broadcast %and3A_790 : i32 to vector<16xi32>
        %and3A_792 = arith.andi %get3A_779, %and3A_791 : vector<16xi32>
        %gather3A_793 = tpu.vector_load_idx %arg11[%shift_right_arithmetic3A_789, %and3A_792] : memref<80x128xf32, #tpu.memory_space<vmem>>[vector<16xi32>, vector<16xi32>], vector<16xf32>,
        %mul3A_794 = arith.mulf %exp3A_774, %exp3A_774 : vector<16xf32>
        %mul3A_795 = arith.mulf %gather3A_786, %gather3A_793 : vector<16xf32>
        %div3A_796 = arith.divf %mul3A_794, %mul3A_795 : vector<16xf32>
        %add3A_797 = arith.constant 1.000000e-10 : f32
        %add3A_798 = vector.broadcast %add3A_797 : f32 to vector<16xf32>
        %add3A_799 = arith.addf %div3A_796, %add3A_798 : vector<16xf32>
        %bitcast3A_800 = vector.bitcast %add3A_799 : vector<16xf32> to vector<16xi32>
        %shift_right_arithmetic3A_801 = arith.constant 1 : i32
        %shift_right_arithmetic3A_802 = vector.broadcast %shift_right_arithmetic3A_801 : i32 to vector<16xi32>
        %shift_right_arithmetic3A_803 = arith.shrsi %bitcast3A_800, %shift_right_arithmetic3A_802 : vector<16xi32>
        %sub3A_804 = arith.constant 1597463007 : i32
        %sub3A_805 = vector.broadcast %sub3A_804 : i32 to vector<16xi32>
        %sub3A_806 = arith.subi %sub3A_805, %shift_right_arithmetic3A_803 : vector<16xi32>
        %bitcast3A_807 = vector.bitcast %sub3A_806 : vector<16xi32> to vector<16xf32>
        %mul3A_808 = arith.constant 5.000000e-01 : f32
        %mul3A_809 = vector.broadcast %mul3A_808 : f32 to vector<16xf32>
        %mul3A_810 = arith.mulf %mul3A_809, %add3A_799 : vector<16xf32>
        %mul3A_811 = arith.mulf %mul3A_810, %bitcast3A_807 : vector<16xf32>
        %mul3A_812 = arith.mulf %mul3A_811, %bitcast3A_807 : vector<16xf32>
        %sub3A_813 = arith.constant 1.500000e+00 : f32
        %sub3A_814 = vector.broadcast %sub3A_813 : f32 to vector<16xf32>
        %sub3A_815 = arith.subf %sub3A_814, %mul3A_812 : vector<16xf32>
        %mul3A_816 = arith.mulf %bitcast3A_807, %sub3A_815 : vector<16xf32>
        %mul3A_817 = arith.constant 5.000000e-01 : f32
        %mul3A_818 = vector.broadcast %mul3A_817 : f32 to vector<16xf32>
        %mul3A_819 = arith.mulf %mul3A_818, %add3A_799 : vector<16xf32>
        %mul3A_820 = arith.mulf %mul3A_819, %mul3A_816 : vector<16xf32>
        %mul3A_821 = arith.mulf %mul3A_820, %mul3A_816 : vector<16xf32>
        %sub3A_822 = arith.constant 1.500000e+00 : f32
        %sub3A_823 = vector.broadcast %sub3A_822 : f32 to vector<16xf32>
        %sub3A_824 = arith.subf %sub3A_823, %mul3A_821 : vector<16xf32>
        %mul3A_825 = arith.mulf %mul3A_816, %sub3A_824 : vector<16xf32>
        %mul3A_826 = arith.constant 5.000000e-01 : f32
        %mul3A_827 = vector.broadcast %mul3A_826 : f32 to vector<16xf32>
        %mul3A_828 = arith.mulf %mul3A_827, %add3A_799 : vector<16xf32>
        %mul3A_829 = arith.mulf %mul3A_828, %mul3A_825 : vector<16xf32>
        %mul3A_830 = arith.mulf %mul3A_829, %mul3A_825 : vector<16xf32>
        %sub3A_831 = arith.constant 1.500000e+00 : f32
        %sub3A_832 = vector.broadcast %sub3A_831 : f32 to vector<16xf32>
        %sub3A_833 = arith.subf %sub3A_832, %mul3A_830 : vector<16xf32>
        %mul3A_834 = arith.mulf %mul3A_825, %sub3A_833 : vector<16xf32>
        %mul3A_835 = arith.mulf %add3A_799, %mul3A_834 : vector<16xf32>
        %swap3A_836 = arith.constant 48 : index
        %swap3A_837 = tpu.vector_load %arg13[%swap3A_836] {strides = array<i32>} : memref<64xf32, #tpu.memory_space<vmem>>, vector<16xf32>,
        tpu.vector_store %arg13[%swap3A_836], %mul3A_835 {strides = array<i32>} : memref<64xf32, #tpu.memory_space<vmem>>, vector<16xf32>,
        %dma_wait3A_838 = arith.constant 0 : i32
        %dma_wait3A_839 = arith.constant 0 : i32
        %dma_wait3A_840 = tpu.memref_slice %arg5[%dma_wait3A_838, %dma_wait3A_839] : memref<10240x128xf32, #tpu.memory_space<hbm>> -> memref<64x128xf32, #tpu.memory_space<hbm>>
        %dma_wait3A_841 = arith.constant 0 : i32
        %dma_wait3A_842 = arith.constant 0 : i32
        %dma_wait3A_843 = tpu.memref_slice %arg5[%dma_wait3A_841, %dma_wait3A_842] : memref<10240x128xf32, #tpu.memory_space<hbm>> -> memref<64x128xf32, #tpu.memory_space<hbm>>
        tpu.wait_dma2 semaphore(%arg17 : memref<!tpu.dma_semaphore, #tpu.memory_space<semaphore_mem>>) src(%dma_wait3A_843 : memref<64x128xf32, #tpu.memory_space<hbm>>) dst(%arg15 : memref<64x128xf32, #tpu.memory_space<vmem>>)
        %parallel_loop3A_844 = arith.constant 0 : i32
        %parallel_loop3A_845 = arith.constant 64 : i32
        %parallel_loop3A_846 = arith.constant 1 : i32
        scf.for %parallel_loop3A_853 = %parallel_loop3A_844 to %parallel_loop3A_845 step %parallel_loop3A_846  : i32 {
          %parallel_loop3A_854 = vector.broadcast %parallel_loop3A_853 : i32 to vector<16xi32>
          %parallel_loop3A_855 = tpu.vector_load_idx %arg13[%parallel_loop3A_854] : memref<64xf32, #tpu.memory_space<vmem>>[vector<16xi32>], vector<16xf32>,
          %parallel_loop3A_856 = arith.index_cast %parallel_loop3A_853 : i32 to index
          %parallel_loop3A_857 = arith.constant 0 : index
          %parallel_loop3A_858 = tpu.vector_load %arg15[%parallel_loop3A_856, %parallel_loop3A_857] {strides = array<i32>} : memref<64x128xf32, #tpu.memory_space<vmem>>, vector<16xf32>,
          %parallel_loop3A_859 = arith.mulf %parallel_loop3A_858, %parallel_loop3A_855 : vector<16xf32>
          %parallel_loop3A_860 = arith.index_cast %parallel_loop3A_853 : i32 to index
          %parallel_loop3A_861 = arith.constant 0 : index
          %parallel_loop3A_862 = tpu.vector_load %arg15[%parallel_loop3A_860, %parallel_loop3A_861] {strides = array<i32>} : memref<64x128xf32, #tpu.memory_space<vmem>>, vector<16xf32>,
          tpu.vector_store %arg15[%parallel_loop3A_860, %parallel_loop3A_861], %parallel_loop3A_859 {strides = array<i32>} : memref<64x128xf32, #tpu.memory_space<vmem>>, vector<16xf32>,
          %parallel_loop3A_863 = arith.index_cast %parallel_loop3A_853 : i32 to index
          %parallel_loop3A_864 = arith.constant 16 : index
          %parallel_loop3A_865 = tpu.vector_load %arg15[%parallel_loop3A_863, %parallel_loop3A_864] {strides = array<i32>} : memref<64x128xf32, #tpu.memory_space<vmem>>, vector<16xf32>,
          %parallel_loop3A_866 = arith.mulf %parallel_loop3A_865, %parallel_loop3A_855 : vector<16xf32>
          %parallel_loop3A_867 = arith.index_cast %parallel_loop3A_853 : i32 to index
          %parallel_loop3A_868 = arith.constant 16 : index
          %parallel_loop3A_869 = tpu.vector_load %arg15[%parallel_loop3A_867, %parallel_loop3A_868] {strides = array<i32>} : memref<64x128xf32, #tpu.memory_space<vmem>>, vector<16xf32>,
          tpu.vector_store %arg15[%parallel_loop3A_867, %parallel_loop3A_868], %parallel_loop3A_866 {strides = array<i32>} : memref<64x128xf32, #tpu.memory_space<vmem>>, vector<16xf32>,
          %parallel_loop3A_870 = arith.index_cast %parallel_loop3A_853 : i32 to index
          %parallel_loop3A_871 = arith.constant 32 : index
          %parallel_loop3A_872 = tpu.vector_load %arg15[%parallel_loop3A_870, %parallel_loop3A_871] {strides = array<i32>} : memref<64x128xf32, #tpu.memory_space<vmem>>, vector<16xf32>,
          %parallel_loop3A_873 = arith.mulf %parallel_loop3A_872, %parallel_loop3A_855 : vector<16xf32>
          %parallel_loop3A_874 = arith.index_cast %parallel_loop3A_853 : i32 to index
          %parallel_loop3A_875 = arith.constant 32 : index
          %parallel_loop3A_876 = tpu.vector_load %arg15[%parallel_loop3A_874, %parallel_loop3A_875] {strides = array<i32>} : memref<64x128xf32, #tpu.memory_space<vmem>>, vector<16xf32>,
          tpu.vector_store %arg15[%parallel_loop3A_874, %parallel_loop3A_875], %parallel_loop3A_873 {strides = array<i32>} : memref<64x128xf32, #tpu.memory_space<vmem>>, vector<16xf32>,
          %parallel_loop3A_877 = arith.index_cast %parallel_loop3A_853 : i32 to index
          %parallel_loop3A_878 = arith.constant 48 : index
          %parallel_loop3A_879 = tpu.vector_load %arg15[%parallel_loop3A_877, %parallel_loop3A_878] {strides = array<i32>} : memref<64x128xf32, #tpu.memory_space<vmem>>, vector<16xf32>,
          %parallel_loop3A_880 = arith.mulf %parallel_loop3A_879, %parallel_loop3A_855 : vector<16xf32>
          %parallel_loop3A_881 = arith.index_cast %parallel_loop3A_853 : i32 to index
          %parallel_loop3A_882 = arith.constant 48 : index
          %parallel_loop3A_883 = tpu.vector_load %arg15[%parallel_loop3A_881, %parallel_loop3A_882] {strides = array<i32>} : memref<64x128xf32, #tpu.memory_space<vmem>>, vector<16xf32>,
          tpu.vector_store %arg15[%parallel_loop3A_881, %parallel_loop3A_882], %parallel_loop3A_880 {strides = array<i32>} : memref<64x128xf32, #tpu.memory_space<vmem>>, vector<16xf32>,
          %parallel_loop3A_884 = arith.index_cast %parallel_loop3A_853 : i32 to index
          %parallel_loop3A_885 = arith.constant 64 : index
          %parallel_loop3A_886 = tpu.vector_load %arg15[%parallel_loop3A_884, %parallel_loop3A_885] {strides = array<i32>} : memref<64x128xf32, #tpu.memory_space<vmem>>, vector<16xf32>,
          %parallel_loop3A_887 = arith.mulf %parallel_loop3A_886, %parallel_loop3A_855 : vector<16xf32>
          %parallel_loop3A_888 = arith.index_cast %parallel_loop3A_853 : i32 to index
          %parallel_loop3A_889 = arith.constant 64 : index
          %parallel_loop3A_890 = tpu.vector_load %arg15[%parallel_loop3A_888, %parallel_loop3A_889] {strides = array<i32>} : memref<64x128xf32, #tpu.memory_space<vmem>>, vector<16xf32>,
          tpu.vector_store %arg15[%parallel_loop3A_888, %parallel_loop3A_889], %parallel_loop3A_887 {strides = array<i32>} : memref<64x128xf32, #tpu.memory_space<vmem>>, vector<16xf32>,
          %parallel_loop3A_891 = arith.index_cast %parallel_loop3A_853 : i32 to index
          %parallel_loop3A_892 = arith.constant 80 : index
          %parallel_loop3A_893 = tpu.vector_load %arg15[%parallel_loop3A_891, %parallel_loop3A_892] {strides = array<i32>} : memref<64x128xf32, #tpu.memory_space<vmem>>, vector<16xf32>,
          %parallel_loop3A_894 = arith.mulf %parallel_loop3A_893, %parallel_loop3A_855 : vector<16xf32>
          %parallel_loop3A_895 = arith.index_cast %parallel_loop3A_853 : i32 to index
          %parallel_loop3A_896 = arith.constant 80 : index
          %parallel_loop3A_897 = tpu.vector_load %arg15[%parallel_loop3A_895, %parallel_loop3A_896] {strides = array<i32>} : memref<64x128xf32, #tpu.memory_space<vmem>>, vector<16xf32>,
          tpu.vector_store %arg15[%parallel_loop3A_895, %parallel_loop3A_896], %parallel_loop3A_894 {strides = array<i32>} : memref<64x128xf32, #tpu.memory_space<vmem>>, vector<16xf32>,
          %parallel_loop3A_898 = arith.index_cast %parallel_loop3A_853 : i32 to index
          %parallel_loop3A_899 = arith.constant 96 : index
          %parallel_loop3A_900 = tpu.vector_load %arg15[%parallel_loop3A_898, %parallel_loop3A_899] {strides = array<i32>} : memref<64x128xf32, #tpu.memory_space<vmem>>, vector<16xf32>,
          %parallel_loop3A_901 = arith.mulf %parallel_loop3A_900, %parallel_loop3A_855 : vector<16xf32>
          %parallel_loop3A_902 = arith.index_cast %parallel_loop3A_853 : i32 to index
          %parallel_loop3A_903 = arith.constant 96 : index
          %parallel_loop3A_904 = tpu.vector_load %arg15[%parallel_loop3A_902, %parallel_loop3A_903] {strides = array<i32>} : memref<64x128xf32, #tpu.memory_space<vmem>>, vector<16xf32>,
          tpu.vector_store %arg15[%parallel_loop3A_902, %parallel_loop3A_903], %parallel_loop3A_901 {strides = array<i32>} : memref<64x128xf32, #tpu.memory_space<vmem>>, vector<16xf32>,
          %parallel_loop3A_905 = arith.index_cast %parallel_loop3A_853 : i32 to index
          %parallel_loop3A_906 = arith.constant 112 : index
          %parallel_loop3A_907 = tpu.vector_load %arg15[%parallel_loop3A_905, %parallel_loop3A_906] {strides = array<i32>} : memref<64x128xf32, #tpu.memory_space<vmem>>, vector<16xf32>,
          %parallel_loop3A_908 = arith.mulf %parallel_loop3A_907, %parallel_loop3A_855 : vector<16xf32>
          %parallel_loop3A_909 = arith.index_cast %parallel_loop3A_853 : i32 to index
          %parallel_loop3A_910 = arith.constant 112 : index
          %parallel_loop3A_911 = tpu.vector_load %arg15[%parallel_loop3A_909, %parallel_loop3A_910] {strides = array<i32>} : memref<64x128xf32, #tpu.memory_space<vmem>>, vector<16xf32>,
          tpu.vector_store %arg15[%parallel_loop3A_909, %parallel_loop3A_910], %parallel_loop3A_908 {strides = array<i32>} : memref<64x128xf32, #tpu.memory_space<vmem>>, vector<16xf32>,
        } {sc.loop_unroll_factor = 8 : i64, sc.parallel_access}
        %dma_start3A_847 = arith.constant 0 : i32
        %dma_start3A_848 = tpu.memref_slice %arg9[%add3A_545, %dma_start3A_847] : memref<32x64xi32, #tpu.memory_space<vmem>> -> memref<1x64xi32, #tpu.memory_space<vmem>>
        %dma_start3A_849 = tpu.memref_squeeze %dma_start3A_848 : memref<1x64xi32, #tpu.memory_space<vmem>> -> memref<64xi32, #tpu.memory_space<vmem>>
        %dma_start3A_850 = arith.constant 0 : i32
        %dma_start3A_851 = arith.constant 0 : i32
        %dma_start3A_852 = tpu.memref_slice %arg22[%dma_start3A_850, %dma_start3A_851] : memref<10240x128xf32, #tpu.memory_space<vmem_shared>> -> memref<10240x128xf32, #tpu.memory_space<vmem_shared>>
        tpu.enqueue_indirect_dma source(%arg15 : memref<64x128xf32, #tpu.memory_space<vmem>>) target(%dma_start3A_852 : memref<10240x128xf32, #tpu.memory_space<vmem_shared>>) offsets(%dma_start3A_849 : memref<64xi32, #tpu.memory_space<vmem>>) semaphore(%arg19 : memref<!tpu.dma_semaphore, #tpu.memory_space<semaphore_mem>>) {add = true}
      }
      %scan3A_236 = arith.constant 16 : i32
      %dma_wait3A_237 = arith.constant 0 : i32
      %dma_wait3A_238 = arith.constant 0 : i32
      %dma_wait3A_239 = tpu.memref_slice %arg5[%dma_wait3A_237, %dma_wait3A_238] : memref<10240x128xf32, #tpu.memory_space<hbm>> -> memref<64x128xf32, #tpu.memory_space<hbm>>
      %dma_wait3A_240 = arith.constant 0 : i32
      %dma_wait3A_241 = arith.constant 0 : i32
      %dma_wait3A_242 = tpu.memref_slice %arg5[%dma_wait3A_240, %dma_wait3A_241] : memref<10240x128xf32, #tpu.memory_space<hbm>> -> memref<64x128xf32, #tpu.memory_space<hbm>>
      tpu.wait_dma2 semaphore(%arg19 : memref<!tpu.dma_semaphore, #tpu.memory_space<semaphore_mem>>) src(%dma_wait3A_242 : memref<64x128xf32, #tpu.memory_space<hbm>>) dst(%arg15 : memref<64x128xf32, #tpu.memory_space<vmem>>)
    }
    %scan3A_202 = arith.constant 5 : i32
    %barrier3A_203 = arith.constant 0 : index
    tpu.barrier barrier_id(%barrier3A_203)
    %mul3A_204 = arith.constant 640 : i32
    %mul3A_205 = arith.muli %arg1, %mul3A_204 : i32
    %multiple_of3A_206 = tpu.assume_multiple %mul3A_205, 8 : i32
    "tpu.region"() ({
      %run_scoped3A = tpu.sem_alloc : memref<!tpu.dma_semaphore, #tpu.memory_space<semaphore_mem>>
      %dma_start3A_207 = arith.constant 0 : i32
      %dma_start3A_208 = tpu.memref_slice %arg6[%arg0, %multiple_of3A_206, %dma_start3A_207] : memref<2x10240x128xf32, #tpu.memory_space<hbm>> -> memref<1x640x128xf32, #tpu.memory_space<hbm>>
      %dma_start3A_209 = tpu.memref_squeeze %dma_start3A_208 : memref<1x640x128xf32, #tpu.memory_space<hbm>> -> memref<640x128xf32, #tpu.memory_space<hbm>>
      %dma_start3A_210 = arith.constant 0 : i32
      %dma_start3A_211 = tpu.memref_slice %arg22[%multiple_of3A_206, %dma_start3A_210] : memref<10240x128xf32, #tpu.memory_space<vmem_shared>> -> memref<640x128xf32, #tpu.memory_space<vmem_shared>>
      tpu.enqueue_dma source(%dma_start3A_211 : memref<640x128xf32, #tpu.memory_space<vmem_shared>>) target(%dma_start3A_209 : memref<640x128xf32, #tpu.memory_space<hbm>>) target_semaphore(%run_scoped3A : memref<!tpu.dma_semaphore, #tpu.memory_space<semaphore_mem>>)
      %dma_wait3A_212 = arith.constant 0 : i32
      %dma_wait3A_213 = tpu.memref_slice %arg6[%arg0, %multiple_of3A_206, %dma_wait3A_212] : memref<2x10240x128xf32, #tpu.memory_space<hbm>> -> memref<1x640x128xf32, #tpu.memory_space<hbm>>
      %dma_wait3A_214 = tpu.memref_squeeze %dma_wait3A_213 : memref<1x640x128xf32, #tpu.memory_space<hbm>> -> memref<640x128xf32, #tpu.memory_space<hbm>>
      %dma_wait3A_215 = arith.constant 0 : i32
      %dma_wait3A_216 = tpu.memref_slice %arg22[%multiple_of3A_206, %dma_wait3A_215] : memref<10240x128xf32, #tpu.memory_space<vmem_shared>> -> memref<640x128xf32, #tpu.memory_space<vmem_shared>>
      tpu.wait_dma2 semaphore(%run_scoped3A : memref<!tpu.dma_semaphore, #tpu.memory_space<semaphore_mem>>) src(%dma_wait3A_216 : memref<640x128xf32, #tpu.memory_space<vmem_shared>>) dst(%dma_wait3A_214 : memref<640x128xf32, #tpu.memory_space<hbm>>)
      tpu.yield
    }) : () -> ()
    return
  }
}

</mosaic_0001>

<sc_bundles>
// kernel: _sc_spmm.3.cloned.1.call-start
scs
__scs_entry_jumppad:
0x0: {  	(pc) =	sbr.rel $0x88, $3  }
0x1: {  	(tag) =	ssettag $0x0;
	lr =	simm.s32 $0x1  }
0x2: {  	[smem:$0x3F9D] =	sst lr;
	_ =	strace $0xD0000000  }
0x3: {  	_ = 	snop  }
0x4: {  	_ = 	snop  }
0x5: {  	_ = 	snop  }
0x6: {  	_ = 	snop  }
0x7: {  	_ = 	snop  }
__scs_overlays_trampoline_lowered:
0x8: {  	[smem:$0x3FAC] =	sst s0  }
0x9: {  	[smem:$0x3FAD] =	sst s1  }
0xa: {  	[smem:$0x3FAE] =	sst s2  }
0xb: {  	[smem:$0x3FAF] =	sst s3  }
0xc: {  	[smem:$0x3FB0] =	sst s4  }
0xd: {  	[smem:$0x3FB1] =	sst s5  }
0xe: {  	[smem:$0x3FB2] =	sst s6  }
0xf: {  	[smem:$0x3FB3] =	sst s7  }
0x10: {  	[smem:$0x3FB4] =	sst s8  }
0x11: {  	[smem:$0x3FB5] =	sst s9;
	s0 =	simm.s32 @!p0 $0x0  }
0x12: {  	s1 =	sld [smem:$0x3F9B];
	s0 =	simm.s32 @p0 $0x1  }
0x13: {  	[smem:$0x3FB6] =	sst s0;
	s0 =	simm.s32 @!p1 $0x0  }
0x14: {  	s2 =	sld [smem:$0x3F9A];
	s0 =	simm.s32 @p1 $0x1  }
0x15: {  	[smem:$0x3FB7] =	sst s0;
	s0 =	simm.s32 @!p2 $0x0  }
0x16: {  	s3 =	sld [smem:$0x3FDB];
	s0 =	simm.s32 @p2 $0x1  }
0x17: {  	s4 =	simm.s32 $0x1BF5;
	[smem:$0x3FB9] =	sst s0  }
0x18: {  	s0 =	sld [smem:$0x3F9C];
	_ =	swait.ge [sflag:s4], $0x0  }
0x19: {  	s7 =	sld [smem:$0x3F9D]  }
0x1a: {  	s8 =	sadd.s32 $0xFFFFE003, lr  }
0x1b: {  	s9 =	sadd.s32 $0xFFFFFEF7, lr;
	s5 =	simm.s32 $0xFFFFFFFF;
	p2 =	slt.u32 s8, $0xFFFFF086  }
0x1c: {  	p1 =	slt.u32 s9, $0xF7A;
	s5 =	simm.s32 @!p2 $0x0  }
0x1d: {  	s5 =	simm.s32 @p1 $0x1;
	p0 =	seq.s32 s7, s2  }
0x1e: {  	s7 =	smul.u32 @!p0 $0xF7A, s2;
	p2 =	seq.s32 @!p0 s5, $0x0  }
0x1f: {  	s9 =	smul.u32 $0xF7A, s1;
	s8 =	simm.s32 @!p0 $0x1BF5;
	p2 =	por !p2, p0  }
0x20: {  	[sflag:s8] =	ssyncset.s32 @!p0 $0xFFFFF086;
	s6 =	sadd.s32 @!p0 s3, s7;
	s7 =	simm.s32 @!p0 $0x108  }
0x21: {  	s3 =	sadd.s32 s3, s9;
	s6 =	sadd.s32 @!p0 $0x88, s6;
	s7 =	simm.s32 @p2 $0x1082  }
0x22: {  	[simem:s7], [sflag:s8] =	dma.local @!p0 [hbm:s6], $0xF7A  }
0x23: {  	s9 =	sor.u32 $0xD0000000, s2;
	s6 =	simm.s32 $0x108;
	_ =	swait.ge @!p0 [sflag:s8], $0x0  }
0x24: {  	s3 =	sadd.s32 $0x88, s3;
	s6 =	simm.s32 @!p1 $0x1082;
	[sflag:s4] =	ssyncset.s32 $0xFFFFF086  }
0x25: {  	[simem:s6], [sflag:s4] =	dma.local [hbm:s3], $0xF7A  }
0x26: {  	[smem:$0x3F9D] =	sst s1;
	(tag) =	ssettag s2;
	_ =	strace s9  }
0x27: {  	s1 =	sld [smem:$0x3FAD]  }
0x28: {  	s2 =	sld [smem:$0x3FAE]  }
0x29: {  	s4 =	sld [smem:$0x3FB0]  }
0x2a: {  	p0 =	seq.s32 s5, $0x0;
	s5 =	sld [smem:$0x3FB1]  }
0x2b: {  	s6 =	sld [smem:$0x3FB2]  }
0x2c: {  	s7 =	sld [smem:$0x3FB3]  }
0x2d: {  	s3 =	simm.s32 $0x108;
	s8 =	sld [smem:$0x3FB4]  }
0x2e: {  	s3 =	simm.s32 @!p0 $0x1082;
	s9 =	sld [smem:$0x3FB5]  }
0x2f: {  	lr =	sadd.s32 s0, s3;
	s0 =	sld [smem:$0x3FAC]  }
0x30: {  	s3 =	sld [smem:$0x3FAF]  }
0x31: {  	[smem:$0x3FB8] =	sst s10  }
0x32: {  	s10 =	sld [smem:$0x3FB6];
	_ =	sdelay $0x3  }
0x33: {  	p0 =	seq.s32 s10, $0x1;
	s10 =	sld [smem:$0x3FB8];
	_ =	sdelay $0x3  }
0x34: {  	[smem:$0x3FB8] =	sst s10  }
0x35: {  	s10 =	sld [smem:$0x3FB7];
	_ =	sdelay $0x3  }
0x36: {  	p1 =	seq.s32 s10, $0x1;
	s10 =	sld [smem:$0x3FB8];
	_ =	sdelay $0x3  }
0x37: {  	[smem:$0x3FB8] =	sst s10  }
0x38: {  	s10 =	sld [smem:$0x3FB9]  }
0x39: {  	_ = 	snop;
	(pc) =	sbr.ind lr, $3  }
0x3a: {  	_ = 	snop  }
0x3b: {  	_ = 	snop  }
0x3c: {  	p2 =	seq.s32 s10, $0x1;
	s10 =	sld [smem:$0x3FB8]  }
0x3d: {  	_ =	shalt  }
0x3e: {  	_ =	shalt  }
0x3f: {  	_ =	shalt  }
0x40: {  	_ =	shalt  }
0x41: {  	_ =	shalt  }
0x42: {  	_ =	shalt  }
0x43: {  	_ =	shalt  }
0x44: {  	_ =	shalt  }
0x45: {  	_ =	shalt  }
0x46: {  	_ =	shalt  }
0x47: {  	_ =	shalt  }
0x48: {  	_ =	shalt  }
0x49: {  	_ =	shalt  }
0x4a: {  	_ =	shalt  }
0x4b: {  	_ =	shalt  }
0x4c: {  	_ =	shalt  }
0x4d: {  	_ =	shalt  }
0x4e: {  	_ =	shalt  }
0x4f: {  	_ =	shalt  }
0x50: {  	_ =	shalt  }
0x51: {  	_ =	shalt  }
0x52: {  	_ =	shalt  }
0x53: {  	_ =	shalt  }
0x54: {  	_ =	shalt  }
0x55: {  	_ =	shalt  }
0x56: {  	_ =	shalt  }
0x57: {  	_ =	shalt  }
0x58: {  	_ =	shalt  }
0x59: {  	_ =	shalt  }
0x5a: {  	_ =	shalt  }
0x5b: {  	_ =	shalt  }
0x5c: {  	_ =	shalt  }
0x5d: {  	_ =	shalt  }
0x5e: {  	_ =	shalt  }
0x5f: {  	_ =	shalt  }
0x60: {  	_ =	shalt  }
0x61: {  	_ =	shalt  }
0x62: {  	_ =	shalt  }
0x63: {  	_ =	shalt  }
0x64: {  	_ =	shalt  }
0x65: {  	_ =	shalt  }
0x66: {  	_ =	shalt  }
0x67: {  	_ =	shalt  }
0x68: {  	_ =	shalt  }
0x69: {  	_ =	shalt  }
0x6a: {  	_ =	shalt  }
0x6b: {  	_ =	shalt  }
0x6c: {  	_ =	shalt  }
0x6d: {  	_ =	shalt  }
0x6e: {  	_ =	shalt  }
0x6f: {  	_ =	shalt  }
0x70: {  	_ =	shalt  }
0x71: {  	_ =	shalt  }
0x72: {  	_ =	shalt  }
0x73: {  	_ =	shalt  }
0x74: {  	_ =	shalt  }
0x75: {  	_ =	shalt  }
0x76: {  	_ =	shalt  }
0x77: {  	_ =	shalt  }
0x78: {  	_ =	shalt  }
0x79: {  	_ =	shalt  }
0x7a: {  	_ =	shalt  }
0x7b: {  	_ =	shalt  }
0x7c: {  	_ =	shalt  }
0x7d: {  	_ =	shalt  }
0x7e: {  	_ =	shalt  }
0x7f: {  	_ =	shalt  }
0x80: {  	_ =	shalt  }
0x81: {  	_ =	shalt  }
0x82: {  	_ =	shalt  }
0x83: {  	_ =	shalt  }
0x84: {  	_ =	shalt  }
0x85: {  	_ =	shalt  }
0x86: {  	_ =	shalt  }
0x87: {  	_ =	shalt  }
.Lfunc_end0:
.L_simem_size_0:
called_computation_lowered:
.L_overlay_start_0:
0x88: {  	s2 =	sld [smem:$0x3FD9]  }
0x89: {  	s3 =	sld [smem:$0x3FFE];
	_ =	sdelay $0x1  }
0x8a: {  	s1 =	srdreg.scid  }
0x8b: {  	s0 =	sand.u32 $0x1, s1  }
0x8c: {  	s17 =	sshll.u32 s0, $0xA;
	s2 =	sadd.s32 s3, s2  }
0x8d: {  	s2 =	sadd.s32 s2, s17  }
0x8e: {  	[smem:$0x3FC4] =	sst s2  }
0x8f: {  	_ = 	snop  }
0x90: {  	s2 =	sld [smem:$0x3FC9]  }
0x91: {  	s18 =	sld [smem:$0x3FC8]  }
0x92: {  	s4 =	sld [smem:$0x3FC6]  }
0x93: {  	s5 =	sld [smem:$0x3FD0];
	(tm) =	ssettm $0x1  }
0x94: {  	s6 =	sld [smem:$0x3FFB];
	_ =	sdelay $0x3  }
0x95: {  	_ =	strace s6  }
0x96: {  	s6 =	sld [smem:$0x3FFC];
	_ =	sdelay $0x3  }
0x97: {  	_ =	strace s6  }
0x98: {  	s6 =	sld [smem:$0x3FFD];
	_ =	sdelay $0x3  }
0x99: {  	_ =	strace s6  }
0x9a: {  	_ =	strace $0x8FFFFFFF  }
0x9b: {  	s19 =	sld [smem:$0x3FDB];
	_ =	sdelay $0x1  }
0x9c: {  	s7 =	simm.s32 $_scs_section_size  }
0x9d: {  	s8 =	simm.s32 $_size__tile_overlayer_lowered;
	s9 =	simm.s32 $_tile_overlayer_lowered  }
0x9e: {  	s22 =	simm.s32 $0x1BFF;
	s21 =	sshll.u32 s9, $0x1;
	s6 =	sadd.s32 s7, s19  }
0x9f: {  	s10 =	simm.s32 $0x0;
	s20 =	sshll.u32 s8, $0x1;
	s8 =	sadd.s32 s21, s6  }
0xa0: {  	[timem:s10], [sflag:s22] =	dma.local [hbm:s8], s20  }
0xa1: {  	_ =	swait.ge [sflag:s22], s20  }
0xa2: {  	s7 =	ssub.s32 $0x0, s20;
	[sflag:s22] =	ssyncset.done $0x0  }
0xa3: {  	[sflag:s22] =	ssyncadd.s32 s7;
	_ =	sdelay $0x1  }
0xa4: {  	s23 =	simm.s32 $0x1B8B  }
0xa5: {  	_ =	swait.ge [sflag:s23], $0x1  }
0xa6: {  	[sflag:s23] =	ssyncset.done $0x0  }
0xa7: {  	s25 =	simm.s32 $0x1B8E;
	s24 =	sld [smem:$0x3FFE];
	[sflag:s23] =	ssyncadd.s32 $0xFFFFFFFF  }
0xa8: {  	s26 =	simm.s32 $execute0_lowered;
	[smem:$0x3FD2] =	sst s25  }
0xa9: {  	s8 =	sshll.u32 s26, $0x1;
	_ =	strace $0x80000046;
	[dreg:$0x1] =	wrdreg $0xFFFFFFFF  }
0xaa: {  	s28 =	simm.s32 $_size_execute0_lowered;
	s6 =	sadd.s32 s6, s8;
	[dreg:$0x0] =	wrdreg $0x0  }
0xab: {  	s8 =	sshll.u32 s28, $0x1;
	[dreg:$0x2] =	wrdreg s6  }
0xac: {  	[dreg:$0x3] =	wrdreg s8  }
0xad: {  	[dreg:$0x4] =	wrdreg $0xC0  }
0xae: {  	_ =	task [dreg:s10], $0x5FFFF  }
0xaf: {  	[dreg:$0x1] =	wrdreg $0xFFFFFFFF  }
0xb0: {  	[dreg:$0x0] =	wrdreg $0x60  }
0xb1: {  	[dreg:$0x2] =	wrdreg s2  }
0xb2: {  	[dreg:$0x3] =	wrdreg s18  }
0xb3: {  	[dreg:$0x4] =	wrdreg s24  }
0xb4: {  	[dreg:$0x5] =	wrdreg s4  }
0xb5: {  	[dreg:$0x6] =	wrdreg s5  }
0xb6: {  	[dreg:$0x7] =	wrdreg $0xB1000  }
0xb7: {  	[dreg:$0x8] =	wrdreg $0xB3800  }
0xb8: {  	[dreg:$0x9] =	wrdreg $0xB6000  }
0xb9: {  	[dreg:$0xa] =	wrdreg $0x9  }
0xba: {  	_ =	task.clear_ibuf [dreg:s10], $0xBFFFF;
	_ =	strace $0x90000046  }
0xbb: {  	s29 =	simm.s32 $0x9;
	_ =	strace $0x80000048  }
0xbc: {  	_ =	swait.ge [sflag:s29], $0x1  }
0xbd: {  	[sflag:s29] =	ssyncadd.s32 $0xFFFFFFFF  }
0xbe: {  	_ =	strace $0x90000048  }
0xbf: {  	_ =	sfence  }
0xc0: {  	s30 =	sld [smem:$0x0];
	_ =	sdelay $0x2  }
0xc1: {  	s31 =	sshll.u32 s1, $0xD;
	s1 =	sshrl.u32 s1, $0x2  }
0xc2: {  	s3 =	sand.u32 $0x4000, s31;
	s1 =	sadd.s32 s1, s30  }
0xc3: {  	s0 =	sor.u32 s3, s0;
	s1 =	sshll.u32 s1, $0x11  }
0xc4: {  	s0 =	sor.u32 s1, s0  }
0xc5: {  	s0 =	sadd.s32 $0x8F2B, s0  }
0xc6: {  	[sflag:s0] =	ssyncadd.remote.s32 $0x1  }
0xc7: {  	_ =	sfence.sel $0xFFFF  }
0xc8: {  	[dreg:$0x0] =	wrdreg $0xFFFFFFFF;
	(pc) =	sbr.abs _section_cstart, $3  }
0xc9: {  	[dreg:$0x1] =	wrdreg $0xFFFFFFFF  }
0xca: {  	_ =	task.clear_ibuf [dreg:s10], $0x2FFFF;
	_ =	strace $0x9FFFFFFF  }
0xcb: {  	(tm) =	ssettm $0x7FFFFFFF  }
tec
execute0_lowered:
.L_overlay_start_1:
0x0: {  	(tag) =	ssettag $0x1  }
0x1: {  	s9 =	rddreg [dreg:$0x0]  }
0x2: {  	s23 =	rddreg [dreg:$0x1]  }
0x3: {  	s0 =	rddreg [dreg:$0x2]  }
0x4: {  	s3 =	rddreg [dreg:$0x3];
	s1 =	stileid.u32  }
0x5: {  	s2 =	rddreg [dreg:$0x4];
	s10 =	smul.u32 $0x5000, s1  }
0x6: {  	s6 =	rddreg [dreg:$0x7];
	s7 =	simm.s32 $0x0;
	s5 =	smul.u32 $0x50000, s1  }
0x7: {  	s4 =	srdreg.scid;
	s28 =	simm.s32 $0x5;
	s22 =	smul.u32 $0xA000, s1  }
0x8: {  	s29 =	simm.s32 $0x800;
	s30 =	simm.s32 $0x2000;
	s19 =	smul.u32 $0x2800, s1  }
0x9: {  	s31 =	simm.s32 $0x4800;
	[smem:$0x7FF] =	sst s7;
	s26 =	smul.u32 $0x14000, s1  }
0xa: {  	s11 =	sadd.s32 $0x400, s0;
	s18 =	sand.u32 $0x1, s4;
	s17 =	smul.u32 $0xA00, s1  }
0xb: {  	p0 =	sne.s32 s1, $0x0;
	s1 =	simm.s32 $0x0;
	_ =	strace $0x80000047  }
0xc: {  	s4 =	ssub.s32 $0x2, s18;
	s8 =	smul.u32 $0x28000, s18;
	[dreg:$0xa] =	wrdreg s11  }
0xd: {  	s21 =	smul.u32 $0x140000, s18;
	s5 =	sshrl.u32 s5, $0x2;
	[dreg:$0x9] =	wrdreg s10  }
0xe: {  	s0 =	smul.u32 $0xA000, s18;
	[dreg:$0xb] =	wrdreg s22;
	s25 =	sadd.s32 s5, s6  }
0xf: {  	s12 =	sshrl.u32 s4, $0x1;
	s20 =	sadd.s32 $0x2000, s25;
	[dreg:$0xc] =	wrdreg s25  }
0x10: {  	s4 =	ssub.s32 s4, s12;
	s13 =	sadd.s32 $0x4000, s25;
	[dreg:$0xd] =	wrdreg s20  }
0x11: {  	s12 =	sadd.s32 s26, s21;
	s24 =	sadd.s32 $0x6000, s25;
	[dreg:$0xe] =	wrdreg s13  }
0x12: {  	s19 =	sadd.s32 s19, s8;
	s14 =	sadd.s32 $0x8000, s25;
	[dreg:$0xf] =	wrdreg s24  }
0x13: {  	s0 =	sadd.s32 s17, s0;
	s15 =	sadd.s32 $0xA000, s25;
	[dreg:$0x10] =	wrdreg s14  }
0x14: {  	s8 =	simm.s32 $0x3;
	s16 =	sadd.s32 $0xC000, s25;
	[dreg:$0x11] =	wrdreg s15  }
0x15: {  	s17 =	simm.s32 $0x2;
	s18 =	sadd.s32 $0xE000, s25;
	[dreg:$0x12] =	wrdreg s16  }
0x16: {  	s21 =	sadd.s32 $0x10000, s25;
	s26 =	smax.u32 s4, $0x1;
	[dreg:$0x13] =	wrdreg s18  }
0x17: {  	s20 =	sshrl.u32 s12, $0x3;
	[dreg:$0x14] =	wrdreg s21;
	s24 =	sadd.s32 $0x12000, s25  }
0x18: {  	[dreg:$0x17] =	wrdreg s26;
	s26 =	simm.s32 $0x1000;
	s13 =	simm.s32 $0x40  }
0x19: {  	v0 =	vlaneseq.u32;
	s14 =	simm.s32 $0x9100;
	s15 =	simm.s32 $0x1;
	s16 =	simm.s32 $0x7080  }
0x1a: {  	v1 =	vimm.f32 $0.0e+00;
	v2 =	vor.u32 $0x10, v0;
	s18 =	simm.s32 $0x4;
	s2 =	sadd.s32 s2, s20;
	[dreg:$0x16] =	wrdreg s24  }
0x1b: {  	v3 =	vor.u32 $0x20, v0;
	v4 =	vor.u32 $0x30, v0;
	v5 =	vor.u32 $0x40, v0;
	s24 =	sadd.s32 s11, s0;
	[dreg:$0x15] =	wrdreg s2;
	s2 =	simm.s32 $0x7100  }
.LBB2_1:
0x1c: {  	s4 =	simm.s32 $0x0;
	s5 =	simm.s32 $0x200  }
.LBB2_2:
0x1d: {  	p1 =	sne.s32 s5, $0x9E00;
	[tilespmem:s4+$0x4870] =	vst v1  }
0x1e: {  	[tilespmem:s4+$0x2000] =	vst v1  }
0x1f: {  	[tilespmem:s4+$0x4800] =	vst v1  }
0x20: {  	[tilespmem:s4+$0x2010] =	vst v1  }
0x21: {  	[tilespmem:s4+$0x4810] =	vst v1  }
0x22: {  	[tilespmem:s4+$0x2020] =	vst v1  }
0x23: {  	[tilespmem:s4+$0x4820] =	vst v1  }
0x24: {  	[tilespmem:s4+$0x2030] =	vst v1  }
0x25: {  	[tilespmem:s4+$0x4830] =	vst v1  }
0x26: {  	[tilespmem:s4+$0x2040] =	vst v1  }
0x27: {  	[tilespmem:s4+$0x4840] =	vst v1  }
.Ltmp0:
0x28: {  	[tilespmem:s4+$0x2050] =	vst v1;
	(pc) =	sbr.rel @p1 .LBB2_2-.Ltmp0, $4  }
0x29: {  	[tilespmem:s4+$0x4850] =	vst v1  }
0x2a: {  	[tilespmem:s4+$0x2060] =	vst v1  }
0x2b: {  	[tilespmem:s4+$0x4860] =	vst v1  }
0x2c: {  	[tilespmem:s4+$0x2070] =	vst v1;
	s4 =	sshra.s32 s5, $0x2;
	s5 =	sadd.s32 $0x200, s5  }
0x2d: {  	[tilespmem:s4+$0x4870] =	vst v1  }
0x2e: {  	[tilespmem:s4+$0x2000] =	vst v1  }
0x2f: {  	[tilespmem:s4+$0x4800] =	vst v1  }
0x30: {  	[tilespmem:s4+$0x2010] =	vst v1  }
0x31: {  	[tilespmem:s4+$0x4810] =	vst v1  }
0x32: {  	[tilespmem:s4+$0x2020] =	vst v1  }
0x33: {  	[tilespmem:s4+$0x4820] =	vst v1  }
0x34: {  	[tilespmem:s4+$0x2030] =	vst v1  }
0x35: {  	[tilespmem:s4+$0x4830] =	vst v1  }
0x36: {  	[tilespmem:s4+$0x2040] =	vst v1  }
0x37: {  	[tilespmem:s4+$0x4840] =	vst v1  }
0x38: {  	[tilespmem:s4+$0x2050] =	vst v1  }
0x39: {  	[tilespmem:s4+$0x4850] =	vst v1  }
0x3a: {  	[tilespmem:s4+$0x2060] =	vst v1  }
0x3b: {  	[tilespmem:s4+$0x4860] =	vst v1  }
0x3c: {  	[tilespmem:s4+$0x2070] =	vst v1;
	s4 =	simm.s32 $0x0;
	s5 =	simm.s32 $0x200  }
.LBB2_4:
0x3d: {  	p1 =	sne.s32 s5, $0x7E00;
	[tilespmem:s4+$0x7170] =	vst v1  }
0x3e: {  	[tilespmem:s4+$0x7100] =	vst v1  }
0x3f: {  	[tilespmem:s4+$0x7110] =	vst v1  }
.Ltmp1:
0x40: {  	[tilespmem:s4+$0x7120] =	vst v1;
	(pc) =	sbr.rel @p1 .LBB2_4-.Ltmp1, $4  }
0x41: {  	[tilespmem:s4+$0x7130] =	vst v1  }
0x42: {  	[tilespmem:s4+$0x7140] =	vst v1  }
0x43: {  	[tilespmem:s4+$0x7150] =	vst v1  }
0x44: {  	[tilespmem:s4+$0x7160] =	vst v1;
	s4 =	sshra.s32 s5, $0x2;
	s5 =	sadd.s32 $0x200, s5  }
0x45: {  	[tilespmem:s4+$0x7170] =	vst v1  }
0x46: {  	[tilespmem:s4+$0x7100] =	vst v1  }
0x47: {  	[tilespmem:s4+$0x7110] =	vst v1  }
0x48: {  	[tilespmem:s4+$0x7120] =	vst v1  }
0x49: {  	[tilespmem:s4+$0x7130] =	vst v1  }
0x4a: {  	[tilespmem:s4+$0x7140] =	vst v1  }
0x4b: {  	[tilespmem:s4+$0x7150] =	vst v1  }
0x4c: {  	[tilespmem:s4+$0x7160] =	vst v1  }
0x4d: {  	[tilespmem:$0x7000] =	vst v0  }
0x4e: {  	[tilespmem:$0x7010] =	vst v2  }
0x4f: {  	[tilespmem:$0x7020] =	vst v3  }
0x50: {  	[tilespmem:$0x7030] =	vst v4  }
0x51: {  	s4 =	simm.s32 $0x0;
	[tilespmem:$0x7040] =	vst v5  }
.LBB2_6:
0x52: {  	s0 =	sshll.u32 s4, $0xC  }
0x53: {  	s0 =	sadd.s32 s22, s0  }
0x54: {  	s0 =	sshrl.u32 s0, $0x3  }
0x55: {  	s5 =	sshll.u32 s4, $0xB;
	s0 =	sadd.s32 s11, s0  }
0x56: {  	[tilespmem:s26], [sflag:$0x5] =	stream.linear.gather [hbm4b:s0+s7], $0x1000, $0x38;
	[tilespmem:$0x1F600] =	vst v63  }
0x57: {  	s12 =	sadd.s32 s10, s5;
	_ =	swait.ge [sflag:s28], $0x1000  }
0x58: {  	s0 =	sshrl.u32 s12, $0x3;
	[sflag:s28] =	ssyncset.done $0x0  }
0x59: {  	s20 =	sadd.s32 s9, s0;
	[sflag:s28] =	ssyncadd.s32 $0xFFFFF000  }
0x5a: {  	[tilespmem:s7], [sflag:$0x5] =	stream.linear.gather [hbm4b:s20+s7], $0x800, $0x38;
	[tilespmem:$0x1F600] =	vst v63  }
0x5b: {  	_ =	swait.ge [sflag:s28], $0x800  }
0x5c: {  	[sflag:s28] =	ssyncset.done $0x0  }
0x5d: {  	s0 =	sadd.s32 s23, s0;
	[sflag:s28] =	ssyncadd.s32 $0xFFFFF800  }
0x5e: {  	[tilespmem:s29], [sflag:$0x5] =	stream.linear.gather [hbm4b:s0+s7], $0x800, $0x38;
	[tilespmem:$0x1F600] =	vst v63  }
0x5f: {  	_ =	swait.ge [sflag:s28], $0x800  }
0x60: {  	[sflag:s28] =	ssyncset.done $0x0  }
0x61: {  	s21 =	simm.s32 $0x820;
	[sflag:s28] =	ssyncadd.s32 $0xFFFFF800  }
0x62: {  	v6 =	vld [tilespmem:s21+$0x10];
	_ =	sdelay $0x3  }
0x63: {  	v7 =	vld [tilespmem:s21+$0xFFFFFFF0]  }
0x64: {  	v8 =	vld [tilespmem:s21+$0x0];
	v6 =	vmul.f32 $1.442695020e+00, v6  }
0x65: {  	v9 =	vld [tilespmem:s21+$0xFFFFFFE0]  }
0x66: {  	(erf) = vpow2.f32 v6  }
0x67: {  	s5 =	simm.s32 $0x1020  }
0x68: {  	s12 =	simm.s32 $0x20;
	v12 =	vld [tilespmem:s5+$0x10];
	v7 =	vmul.f32 $1.442695020e+00, v7  }
0x69: {  	v13 =	vld [tilespmem:s12+$0x10];
	v8 =	vmul.f32 $1.442695020e+00, v8  }
0x6a: {  	v6 =	vmul.f32 $1.442695020e+00, v9;
	(erf) = vpow2.f32 v7  }
0x6b: {  	(erf) = vpow2.f32 v8  }
0x6c: {  	(erf) = vpow2.f32 v6;
	_ =	sdelay $0x1  }
0x6d: {  	v11 =	vld [tilespmem:s5+$0xFFFFFFE0]  }
0x6e: {  	v10 =	vld [tilespmem:s12+$0xFFFFFFE0];
	v6 =	vpop (erf)  }
0x6f: {  	[tilespmem:v12+s30+$0x0] =	vst.idx.add.f32.msk $0xffff, v6  }
0x70: {  	[tilespmem:v13+s31+$0x0] =	vst.idx.add.f32.msk $0xffff, v6  }
0x71: {  	v13 =	vld [tilespmem:s12+$0x0]  }
0x72: {  	v9 =	vld [tilespmem:s5+$0xFFFFFFF0];
	v12 =	vpop (erf)  }
0x73: {  	v7 =	vld [tilespmem:s5+$0x0];
	v6 =	vpop (erf)  }
0x74: {  	s20 =	simm.s32 $0x0;
	s21 =	simm.s32 $0x860;
	v8 =	vld [tilespmem:s12+$0xFFFFFFF0];
	v14 =	vpop (erf)  }
.LBB2_7:
0x75: {  	v15 =	vld [tilespmem:s21+$0x10]  }
0x76: {  	s20 =	sadd.s32 $0x4, s20;
	v16 =	vld [tilespmem:s21+$0xFFFFFFF0];
	v17 =	vmov v13  }
0x77: {  	p1 =	slt.u32 s20, $0x7C;
	v13 =	vld [tilespmem:s21+$0x0]  }
0x78: {  	v18 =	vld [tilespmem:s21+$0xFFFFFFE0]  }
0x79: {  	[tilespmem:v11+s30+$0x0] =	vst.idx.add.f32.msk $0xffff, v14  }
0x7a: {  	v11 =	vmul.f32 $1.442695020e+00, v15;
	[tilespmem:v10+s31+$0x0] =	vst.idx.add.f32.msk $0xffff, v14  }
0x7b: {  	v10 =	vmul.f32 $1.442695020e+00, v16;
	[tilespmem:v9+s30+$0x0] =	vst.idx.add.f32.msk $0xffff, v12  }
0x7c: {  	v9 =	vmul.f32 $1.442695020e+00, v13;
	(erf) = vpow2.f32 v11;
	[tilespmem:v8+s31+$0x0] =	vst.idx.add.f32.msk $0xffff, v12  }
0x7d: {  	s5 =	sadd.s32 $0x80, s5;
	v8 =	vmul.f32 $1.442695020e+00, v18;
	(erf) = vpow2.f32 v10;
	[tilespmem:v7+s30+$0x0] =	vst.idx.add.f32.msk $0xffff, v6  }
0x7e: {  	s12 =	sadd.s32 $0x40, s12;
	v12 =	vld [tilespmem:s5+$0x10];
	(erf) = vpow2.f32 v9  }
0x7f: {  	v14 =	vld [tilespmem:s12+$0x10];
	(erf) = vpow2.f32 v8  }
0x80: {  	v11 =	vld [tilespmem:s5+$0xFFFFFFE0]  }
0x81: {  	v10 =	vld [tilespmem:s12+$0xFFFFFFE0]  }
0x82: {  	v9 =	vld [tilespmem:s5+$0xFFFFFFF0]  }
0x83: {  	v8 =	vld [tilespmem:s12+$0xFFFFFFF0]  }
.Ltmp2:
0x84: {  	v7 =	vld [tilespmem:s5+$0x0];
	(pc) =	sbr.rel @p1 .LBB2_7-.Ltmp2, $4  }
0x85: {  	v13 =	vld [tilespmem:s12+$0x0];
	v15 =	vpop (erf)  }
0x86: {  	[tilespmem:v12+s30+$0x0] =	vst.idx.add.f32.msk $0xffff, v15;
	v12 =	vpop (erf)  }
0x87: {  	[tilespmem:v14+s31+$0x0] =	vst.idx.add.f32.msk $0xffff, v15;
	v15 =	vpop (erf)  }
0x88: {  	s21 =	sadd.s32 $0x40, s21;
	v14 =	vpop (erf);
	[tilespmem:v17+s31+$0x0] =	vst.idx.add.f32.msk $0xffff, v6;
	v6 =	vmov v15  }
0x89: {  	_ =	sdelay $0x2  }
0x8a: {  	s4 =	sadd.s32 $0x1, s4  }
0x8b: {  	[tilespmem:v11+s30+$0x0] =	vst.idx.add.f32.msk $0xffff, v14;
	p1 =	sne.s32 s4, $0xA  }
.Ltmp3:
0x8c: {  	[tilespmem:v9+s30+$0x0] =	vst.idx.add.f32.msk $0xffff, v12;
	(pc) =	sbr.rel @p1 .LBB2_6-.Ltmp3, $4  }
0x8d: {  	[tilespmem:v7+s30+$0x0] =	vst.idx.add.f32.msk $0xffff, v6  }
0x8e: {  	[tilespmem:v10+s31+$0x0] =	vst.idx.add.f32.msk $0xffff, v14  }
0x8f: {  	[tilespmem:v8+s31+$0x0] =	vst.idx.add.f32.msk $0xffff, v12  }
0x90: {  	[tilespmem:v13+s31+$0x0] =	vst.idx.add.f32.msk $0xffff, v6  }
0x91: {  	[dreg:$0x18] =	wrdreg s1  }
0x92: {  	[spmem:s25] =	stream.linear.scatter [tilespmem:s2], [sflag:$0x3], $0x2000, $0x38;
	[tilespmem:$0x1F600] =	vst v63  }
0x93: {  	s0 =	rddreg [dreg:$0xd]  }
0x94: {  	[spmem:s0] =	stream.linear.scatter [tilespmem:s2], [sflag:$0x3], $0x2000, $0x38;
	[tilespmem:$0x1F600] =	vst v63  }
0x95: {  	s5 =	rddreg [dreg:$0xe]  }
0x96: {  	[spmem:s5] =	stream.linear.scatter [tilespmem:s2], [sflag:$0x3], $0x2000, $0x38;
	[tilespmem:$0x1F600] =	vst v63  }
0x97: {  	s10 =	rddreg [dreg:$0xf]  }
0x98: {  	[spmem:s10] =	stream.linear.scatter [tilespmem:s2], [sflag:$0x3], $0x2000, $0x38;
	[tilespmem:$0x1F600] =	vst v63  }
0x99: {  	s11 =	rddreg [dreg:$0x10]  }
0x9a: {  	[spmem:s11] =	stream.linear.scatter [tilespmem:s2], [sflag:$0x3], $0x2000, $0x38;
	[tilespmem:$0x1F600] =	vst v63  }
0x9b: {  	s12 =	rddreg [dreg:$0x11]  }
0x9c: {  	[spmem:s12] =	stream.linear.scatter [tilespmem:s2], [sflag:$0x3], $0x2000, $0x38;
	[tilespmem:$0x1F600] =	vst v63  }
0x9d: {  	s20 =	rddreg [dreg:$0x12]  }
0x9e: {  	[spmem:s20] =	stream.linear.scatter [tilespmem:s2], [sflag:$0x3], $0x2000, $0x38;
	[tilespmem:$0x1F600] =	vst v63  }
0x9f: {  	s21 =	rddreg [dreg:$0x13]  }
0xa0: {  	[spmem:s21] =	stream.linear.scatter [tilespmem:s2], [sflag:$0x3], $0x2000, $0x38;
	[tilespmem:$0x1F600] =	vst v63  }
0xa1: {  	s22 =	rddreg [dreg:$0x14]  }
0xa2: {  	[spmem:s22] =	stream.linear.scatter [tilespmem:s2], [sflag:$0x3], $0x2000, $0x38;
	[tilespmem:$0x1F600] =	vst v63  }
0xa3: {  	s25 =	rddreg [dreg:$0x16]  }
0xa4: {  	[spmem:s25] =	stream.linear.scatter [tilespmem:s2], [sflag:$0x3], $0x2000, $0x38;
	[tilespmem:$0x1F600] =	vst v63  }
0xa5: {  	s4 =	simm.s32 @p0 $0x7000;
	[bflag:$0x0] =	sbarrier.arrive @p0 $0xFFFF  }
0xa6: {  	s0 =	simm.s32 @p0 $0x50;
	s5 =	simm.s32 @p0 $0x2000;
	s1 =	rddreg [dreg:$0x5]  }
0xa7: {  	[spmem:s1] =	stream.indirect.scatter.add.f32 @p0 [tilespmem:s5], [sflag:$0x5], $0x80, s4, s0, $0xb8;
	[tilespmem:$0x1F600] =	vst v63  }
0xa8: {  	s5 =	simm.s32 @p0 $0x5  }
0xa9: {  	_ =	swait.ge @p0 [sflag:s5], $0x2800  }
0xaa: {  	[sflag:s5] =	ssyncset.done @p0 $0x0  }
0xab: {  	[sflag:s5] =	ssyncadd.s32 @p0 $0xFFFFD800  }
0xac: {  	s12 =	simm.s32 @p0 $0x4800;
	s10 =	rddreg [dreg:$0x6]  }
0xad: {  	[spmem:s10] =	stream.indirect.scatter.add.f32 @p0 [tilespmem:s12], [sflag:$0x5], $0x80, s4, s0, $0xb8;
	[tilespmem:$0x1F600] =	vst v63  }
0xae: {  	_ =	swait.ge @p0 [sflag:s5], $0x2800  }
0xaf: {  	[sflag:s5] =	ssyncset.done @p0 $0x0  }
0xb0: {  	s0 =	simm.s32 @!p0 $0x2000;
	[sflag:s5] =	ssyncadd.s32 @p0 $0xFFFFD800  }
0xb1: {  	[spmem:s1] =	stream.linear.scatter @!p0 [tilespmem:s0], [sflag:$0x5], $0x2800, $0x38;
	[tilespmem:$0x1F600] =	vst v63  }
0xb2: {  	s0 =	simm.s32 @!p0 $0x5  }
0xb3: {  	_ =	swait.ge @!p0 [sflag:s0], $0x2800  }
0xb4: {  	[sflag:s0] =	ssyncset.done @!p0 $0x0  }
0xb5: {  	s4 =	simm.s32 @!p0 $0x4800;
	[sflag:s0] =	ssyncadd.s32 @!p0 $0xFFFFD800  }
0xb6: {  	[spmem:s10] =	stream.linear.scatter @!p0 [tilespmem:s4], [sflag:$0x5], $0x2800, $0x38;
	[tilespmem:$0x1F600] =	vst v63  }
0xb7: {  	_ =	swait.ge @!p0 [sflag:s0], $0x2800  }
0xb8: {  	[sflag:s0] =	ssyncset.done @!p0 $0x0  }
0xb9: {  	[sflag:s0] =	ssyncadd.s32 @!p0 $0xFFFFD800  }
0xba: {  	[bflag:$0x0] =	sbarrier.arrive @!p0 $0xFFFF  }
0xbb: {  	_ =	swait.ge [sflag:s8], $0x2000  }
0xbc: {  	[sflag:s8] =	ssyncset.done $0x0  }
0xbd: {  	[sflag:s8] =	ssyncadd.s32 $0xFFFFE000  }
0xbe: {  	_ =	swait.ge [sflag:s8], $0x2000  }
0xbf: {  	[sflag:s8] =	ssyncset.done $0x0  }
0xc0: {  	[sflag:s8] =	ssyncadd.s32 $0xFFFFE000  }
0xc1: {  	_ =	swait.ge [sflag:s8], $0x2000  }
0xc2: {  	[sflag:s8] =	ssyncset.done $0x0  }
0xc3: {  	[sflag:s8] =	ssyncadd.s32 $0xFFFFE000  }
0xc4: {  	_ =	swait.ge [sflag:s8], $0x2000  }
0xc5: {  	[sflag:s8] =	ssyncset.done $0x0  }
0xc6: {  	[sflag:s8] =	ssyncadd.s32 $0xFFFFE000  }
0xc7: {  	_ =	swait.ge [sflag:s8], $0x2000  }
0xc8: {  	[sflag:s8] =	ssyncset.done $0x0  }
0xc9: {  	[sflag:s8] =	ssyncadd.s32 $0xFFFFE000  }
0xca: {  	_ =	swait.ge [sflag:s8], $0x2000  }
0xcb: {  	[sflag:s8] =	ssyncset.done $0x0  }
0xcc: {  	[sflag:s8] =	ssyncadd.s32 $0xFFFFE000  }
0xcd: {  	_ =	swait.ge [sflag:s8], $0x2000  }
0xce: {  	[sflag:s8] =	ssyncset.done $0x0  }
0xcf: {  	[sflag:s8] =	ssyncadd.s32 $0xFFFFE000  }
0xd0: {  	_ =	swait.ge [sflag:s8], $0x2000  }
0xd1: {  	[sflag:s8] =	ssyncset.done $0x0  }
0xd2: {  	[sflag:s8] =	ssyncadd.s32 $0xFFFFE000  }
0xd3: {  	_ =	swait.ge [sflag:s8], $0x2000  }
0xd4: {  	[sflag:s8] =	ssyncset.done $0x0  }
0xd5: {  	[sflag:s8] =	ssyncadd.s32 $0xFFFFE000  }
0xd6: {  	_ =	swait.ge [sflag:s8], $0x2000  }
0xd7: {  	[sflag:s8] =	ssyncset.done $0x0  }
0xd8: {  	[sflag:s8] =	ssyncadd.s32 $0xFFFFE000  }
0xd9: {  	[bflag:$0x0] =	sbarrier.arrive $0xFFFF  }
0xda: {  	[tilespmem:s30], [sflag:$0x5] =	stream.linear.gather [spmem:s1], $0x2800, $0x38;
	[tilespmem:$0x1F600] =	vst v63  }
0xdb: {  	_ =	swait.ge [sflag:s28], $0x2800  }
0xdc: {  	[sflag:s28] =	ssyncset.done $0x0  }
0xdd: {  	[sflag:s28] =	ssyncadd.s32 $0xFFFFD800  }
0xde: {  	[tilespmem:s31], [sflag:$0x5] =	stream.linear.gather [spmem:s10], $0x2800, $0x38;
	[tilespmem:$0x1F600] =	vst v63  }
0xdf: {  	_ =	swait.ge [sflag:s28], $0x2800  }
0xe0: {  	[sflag:s28] =	ssyncset.done $0x0  }
0xe1: {  	s21 =	simm.s32 $0x0;
	s22 =	simm.s32 $0x0;
	[sflag:s28] =	ssyncadd.s32 $0xFFFFD800  }
.LBB2_10:
0xe2: {  	s0 =	sshll.u32 s22, $0x9  }
0xe3: {  	s4 =	sshll.u32 s22, $0xB;
	s0 =	sadd.s32 s0, s24  }
0xe4: {  	[tilespmem:s26], [sflag:$0x5] =	stream.linear.gather [hbm4b:s0+s21], $0x1000, $0x38;
	[tilespmem:$0x1F600] =	vst v63  }
0xe5: {  	s20 =	sadd.s32 s4, s19;
	_ =	swait.ge [sflag:s28], $0x1000  }
0xe6: {  	s0 =	sshrl.u32 s20, $0x3;
	[sflag:s28] =	ssyncset.done $0x0  }
0xe7: {  	s25 =	sadd.s32 s9, s0;
	[sflag:s28] =	ssyncadd.s32 $0xFFFFF000  }
0xe8: {  	[tilespmem:s21], [sflag:$0x5] =	stream.linear.gather [hbm4b:s25+s21], $0x800, $0x38;
	[tilespmem:$0x1F600] =	vst v63  }
0xe9: {  	_ =	swait.ge [sflag:s28], $0x800  }
0xea: {  	[sflag:s28] =	ssyncset.done $0x0  }
0xeb: {  	s0 =	sadd.s32 s23, s0;
	[sflag:s28] =	ssyncadd.s32 $0xFFFFF800  }
0xec: {  	[tilespmem:s29], [sflag:$0x5] =	stream.linear.gather [hbm4b:s0+s21], $0x800, $0x38;
	[tilespmem:$0x1F600] =	vst v63  }
0xed: {  	_ =	swait.ge [sflag:s28], $0x800  }
0xee: {  	s11 =	smov.u32 s9;
	[sflag:s28] =	ssyncset.done $0x0  }
0xef: {  	s10 =	smov.u32 s23;
	s23 =	simm.s32 $0x0;
	[sflag:s28] =	ssyncadd.s32 $0xFFFFF800  }
0xf0: {  	[tilespmem:s2], [sflag:$0x1] =	stream.indirect.gather [hbm4b:s3+s13], $0x80, s21, s13, $0xb8;
	[tilespmem:$0x1F600] =	vst v63  }
.LBB2_11:
0xf1: {  	p1 =	seq.s32 s23, $0x0  }
0xf2: {  	s0 =	sshll.u32 s23, $0x1;
	s5 =	simm.s32 @!p1 $0x4  }
0xf3: {  	s4 =	sor.u32 $0x1, s0;
	_ =	swait.ge @!p1 [sflag:s5], $0x2000  }
0xf4: {  	s25 =	sshll.u32 s4, $0x6;
	[sflag:s5] =	ssyncset.done @!p1 $0x0  }
0xf5: {  	s20 =	sshll.u32 s23, $0x8;
	s12 =	sand.u32 $0x3FFFFFC0, s25;
	[sflag:s5] =	ssyncadd.s32 @!p1 $0xFFFFE000  }
0xf6: {  	[tilespmem:s14], [sflag:$0x2] =	stream.indirect.gather [hbm4b:s3+s13], $0x80, s12, s13, $0xb8;
	[tilespmem:$0x1F600] =	vst v63  }
0xf7: {  	s12 =	sand.u32 $0x3FFFFF00, s20  }
0xf8: {  	s1 =	sshll.u32 s23, $0x7;
	v6 =	vld [tilespmem:s12+$0x1000]  }
0xf9: {  	v7 =	vld [tilespmem:s1+$0x0];
	_ =	sdelay $0x5  }
0xfa: {  	v8 =	vld [tilespmem:s1+$0x800]  }
0xfb: {  	v6 =	vld.idx.msk [tilespmem:v6+s30+$0x0], $0xffff  }
0xfc: {  	v7 =	vld.idx.msk [tilespmem:v7+s31+$0x0], $0xffff;
	_ =	sdelay $0x2  }
0xfd: {  	v8 =	vmul.f32 $1.442695020e+00, v8;
	_ =	sdelay $0x1  }
0xfe: {  	(erf) = vpow2.f32 v8;
	v6 =	vmul.f32 v7, v6;
	_ =	sdelay $0x1  }
0xff: {  	(erf) = vrcp.f32 v6;
	_ =	sdelay $0x6  }
0x100: {  	v6 =	vpop (erf)  }
0x101: {  	v6 =	vmul.f32 v6, v6  }
0x102: {  	v7 =	vpop (erf)  }
0x103: {  	v6 =	vmul.f32 v7, v6;
	_ =	sdelay $0x1  }
0x104: {  	v6 =	vadd.f32 $1.000000010e-10, v6;
	_ =	sdelay $0x1  }
0x105: {  	v7 =	vshra.s32 v6, $0x1;
	v8 =	vmul.f32 $5.000000000e-01, v6  }
0x106: {  	v7 =	vsub.s32 $0x5F3759DF, v7  }
0x107: {  	v9 =	vmul.f32 v7, v8;
	_ =	sdelay $0x1  }
0x108: {  	v9 =	vmul.f32 v7, v9;
	_ =	sdelay $0x1  }
0x109: {  	v9 =	vsub.f32 $1.500000000e+00, v9;
	_ =	sdelay $0x1  }
0x10a: {  	v7 =	vmul.f32 v7, v9;
	_ =	sdelay $0x1  }
0x10b: {  	v9 =	vmul.f32 v7, v8;
	_ =	sdelay $0x1  }
0x10c: {  	v9 =	vmul.f32 v9, v7;
	_ =	sdelay $0x1  }
0x10d: {  	v9 =	vsub.f32 $1.500000000e+00, v9;
	_ =	sdelay $0x1  }
0x10e: {  	v7 =	vmul.f32 v9, v7;
	_ =	sdelay $0x1  }
0x10f: {  	v8 =	vmul.f32 v7, v8;
	_ =	sdelay $0x1  }
0x110: {  	v8 =	vmul.f32 v8, v7;
	_ =	sdelay $0x1  }
0x111: {  	v8 =	vsub.f32 $1.500000000e+00, v8;
	_ =	sdelay $0x1  }
0x112: {  	v7 =	vmul.f32 v8, v7;
	_ =	sdelay $0x1  }
0x113: {  	v6 =	vmul.f32 v7, v6;
	_ =	sdelay $0x1  }
0x114: {  	[tilespmem:$0x7080] =	vst v6  }
0x115: {  	v6 =	vld [tilespmem:s12+$0x1010]  }
0x116: {  	v7 =	vld [tilespmem:s1+$0x10];
	_ =	sdelay $0x5  }
0x117: {  	v8 =	vld [tilespmem:s1+$0x810]  }
0x118: {  	v6 =	vld.idx.msk [tilespmem:v6+s30+$0x0], $0xffff  }
0x119: {  	v7 =	vld.idx.msk [tilespmem:v7+s31+$0x0], $0xffff;
	_ =	sdelay $0x2  }
0x11a: {  	v8 =	vmul.f32 $1.442695020e+00, v8;
	_ =	sdelay $0x1  }
0x11b: {  	(erf) = vpow2.f32 v8;
	v6 =	vmul.f32 v7, v6;
	_ =	sdelay $0x1  }
0x11c: {  	(erf) = vrcp.f32 v6;
	_ =	sdelay $0x6  }
0x11d: {  	v6 =	vpop (erf)  }
0x11e: {  	v6 =	vmul.f32 v6, v6  }
0x11f: {  	v7 =	vpop (erf)  }
0x120: {  	v6 =	vmul.f32 v7, v6;
	_ =	sdelay $0x1  }
0x121: {  	v6 =	vadd.f32 $1.000000010e-10, v6;
	_ =	sdelay $0x1  }
0x122: {  	v7 =	vshra.s32 v6, $0x1;
	v8 =	vmul.f32 $5.000000000e-01, v6  }
0x123: {  	v7 =	vsub.s32 $0x5F3759DF, v7  }
0x124: {  	v9 =	vmul.f32 v7, v8;
	_ =	sdelay $0x1  }
0x125: {  	v9 =	vmul.f32 v7, v9;
	_ =	sdelay $0x1  }
0x126: {  	v9 =	vsub.f32 $1.500000000e+00, v9;
	_ =	sdelay $0x1  }
0x127: {  	v7 =	vmul.f32 v7, v9;
	_ =	sdelay $0x1  }
0x128: {  	v9 =	vmul.f32 v7, v8;
	_ =	sdelay $0x1  }
0x129: {  	v9 =	vmul.f32 v9, v7;
	_ =	sdelay $0x1  }
0x12a: {  	v9 =	vsub.f32 $1.500000000e+00, v9;
	_ =	sdelay $0x1  }
0x12b: {  	v7 =	vmul.f32 v9, v7;
	_ =	sdelay $0x1  }
0x12c: {  	v8 =	vmul.f32 v7, v8;
	_ =	sdelay $0x1  }
0x12d: {  	v8 =	vmul.f32 v8, v7;
	_ =	sdelay $0x1  }
0x12e: {  	v8 =	vsub.f32 $1.500000000e+00, v8;
	_ =	sdelay $0x1  }
0x12f: {  	v7 =	vmul.f32 v8, v7;
	_ =	sdelay $0x1  }
0x130: {  	v6 =	vmul.f32 v7, v6;
	_ =	sdelay $0x1  }
0x131: {  	[tilespmem:$0x7090] =	vst v6  }
0x132: {  	v6 =	vld [tilespmem:s12+$0x1020]  }
0x133: {  	v7 =	vld [tilespmem:s1+$0x20];
	_ =	sdelay $0x5  }
0x134: {  	v8 =	vld [tilespmem:s1+$0x820]  }
0x135: {  	v6 =	vld.idx.msk [tilespmem:v6+s30+$0x0], $0xffff  }
0x136: {  	v7 =	vld.idx.msk [tilespmem:v7+s31+$0x0], $0xffff;
	_ =	sdelay $0x2  }
0x137: {  	v8 =	vmul.f32 $1.442695020e+00, v8;
	_ =	sdelay $0x1  }
0x138: {  	(erf) = vpow2.f32 v8;
	v6 =	vmul.f32 v7, v6;
	_ =	sdelay $0x1  }
0x139: {  	(erf) = vrcp.f32 v6;
	_ =	sdelay $0x6  }
0x13a: {  	v6 =	vpop (erf)  }
0x13b: {  	v6 =	vmul.f32 v6, v6  }
0x13c: {  	v7 =	vpop (erf)  }
0x13d: {  	v6 =	vmul.f32 v7, v6;
	_ =	sdelay $0x1  }
0x13e: {  	v6 =	vadd.f32 $1.000000010e-10, v6;
	_ =	sdelay $0x1  }
0x13f: {  	v7 =	vshra.s32 v6, $0x1;
	v8 =	vmul.f32 $5.000000000e-01, v6  }
0x140: {  	v7 =	vsub.s32 $0x5F3759DF, v7  }
0x141: {  	v9 =	vmul.f32 v7, v8;
	_ =	sdelay $0x1  }
0x142: {  	v9 =	vmul.f32 v7, v9;
	_ =	sdelay $0x1  }
0x143: {  	v9 =	vsub.f32 $1.500000000e+00, v9;
	_ =	sdelay $0x1  }
0x144: {  	v7 =	vmul.f32 v7, v9;
	_ =	sdelay $0x1  }
0x145: {  	v9 =	vmul.f32 v7, v8;
	_ =	sdelay $0x1  }
0x146: {  	v9 =	vmul.f32 v9, v7;
	_ =	sdelay $0x1  }
0x147: {  	v9 =	vsub.f32 $1.500000000e+00, v9;
	_ =	sdelay $0x1  }
0x148: {  	v7 =	vmul.f32 v9, v7;
	_ =	sdelay $0x1  }
0x149: {  	v8 =	vmul.f32 v7, v8;
	_ =	sdelay $0x1  }
0x14a: {  	v8 =	vmul.f32 v8, v7;
	_ =	sdelay $0x1  }
0x14b: {  	v8 =	vsub.f32 $1.500000000e+00, v8;
	_ =	sdelay $0x1  }
0x14c: {  	v7 =	vmul.f32 v8, v7;
	_ =	sdelay $0x1  }
0x14d: {  	v6 =	vmul.f32 v7, v6;
	_ =	sdelay $0x1  }
0x14e: {  	[tilespmem:$0x70A0] =	vst v6  }
0x14f: {  	v6 =	vld [tilespmem:s12+$0x1030]  }
0x150: {  	v7 =	vld [tilespmem:s1+$0x30];
	_ =	sdelay $0x5  }
0x151: {  	v8 =	vld [tilespmem:s1+$0x830]  }
0x152: {  	v6 =	vld.idx.msk [tilespmem:v6+s30+$0x0], $0xffff  }
0x153: {  	v7 =	vld.idx.msk [tilespmem:v7+s31+$0x0], $0xffff;
	_ =	sdelay $0x2  }
0x154: {  	v8 =	vmul.f32 $1.442695020e+00, v8;
	_ =	sdelay $0x1  }
0x155: {  	(erf) = vpow2.f32 v8;
	v6 =	vmul.f32 v7, v6;
	_ =	sdelay $0x1  }
0x156: {  	(erf) = vrcp.f32 v6;
	_ =	sdelay $0x6  }
0x157: {  	v6 =	vpop (erf)  }
0x158: {  	v6 =	vmul.f32 v6, v6  }
0x159: {  	v7 =	vpop (erf)  }
0x15a: {  	v6 =	vmul.f32 v7, v6;
	_ =	sdelay $0x1  }
0x15b: {  	v6 =	vadd.f32 $1.000000010e-10, v6;
	_ =	sdelay $0x1  }
0x15c: {  	v7 =	vshra.s32 v6, $0x1;
	v8 =	vmul.f32 $5.000000000e-01, v6  }
0x15d: {  	v7 =	vsub.s32 $0x5F3759DF, v7  }
0x15e: {  	v9 =	vmul.f32 v7, v8;
	_ =	sdelay $0x1  }
0x15f: {  	v9 =	vmul.f32 v7, v9;
	_ =	sdelay $0x1  }
0x160: {  	v9 =	vsub.f32 $1.500000000e+00, v9;
	_ =	sdelay $0x1  }
0x161: {  	v7 =	vmul.f32 v7, v9;
	_ =	sdelay $0x1  }
0x162: {  	v9 =	vmul.f32 v7, v8;
	_ =	sdelay $0x1  }
0x163: {  	v9 =	vmul.f32 v9, v7;
	_ =	sdelay $0x1  }
0x164: {  	v9 =	vsub.f32 $1.500000000e+00, v9;
	_ =	sdelay $0x1  }
0x165: {  	v7 =	vmul.f32 v9, v7;
	_ =	sdelay $0x1  }
0x166: {  	v8 =	vmul.f32 v7, v8;
	_ =	sdelay $0x1  }
0x167: {  	v8 =	vmul.f32 v8, v7;
	_ =	sdelay $0x1  }
0x168: {  	v8 =	vsub.f32 $1.500000000e+00, v8  }
0x169: {  	s9 =	simm.s32 $0x0  }
0x16a: {  	v7 =	vmul.f32 v8, v7;
	v8 =	vmov s9  }
0x16b: {  	v8 =	vand.u32 $0xFFFFFFF8, v8  }
0x16c: {  	v6 =	vmul.f32 v7, v6;
	v7 =	vbroadcast v8, $0x0;
	_ =	sdelay $0x1  }
0x16d: {  	[tilespmem:$0x70B0] =	vst v6  }
0x16e: {  	_ =	swait.ge [sflag:s15], $0x2000  }
0x16f: {  	[sflag:s15] =	ssyncset.done $0x0  }
0x170: {  	s20 =	simm.s32 $0x6;
	[sflag:s15] =	ssyncadd.s32 $0xFFFFE000  }
0x171: {  	s5 =	simm.s32 $0x7300;
	v9 =	vmov s20;
	v6 =	vld.idx.msk [tilespmem:v7+s16+$0x0], $0xffff  }
0x172: {  	v8 =	vand.u32 $0xFFFFFFFE, v9;
	v9 =	vld [tilespmem:s5+$0x170]  }
0x173: {  	v10 =	vld [tilespmem:s5+$0xFFFFFE00]  }
0x174: {  	v8 =	vbroadcast v8, $0x0;
	v11 =	vld [tilespmem:s5+$0xFFFFFE10]  }
0x175: {  	v12 =	vld [tilespmem:s5+$0xFFFFFE20]  }
0x176: {  	v13 =	vld [tilespmem:s5+$0xFFFFFE30]  }
0x177: {  	v14 =	vld [tilespmem:s5+$0xFFFFFE40]  }
0x178: {  	v15 =	vld [tilespmem:s5+$0xFFFFFE50]  }
0x179: {  	s1 =	simm.s32 $0x1;
	v16 =	vld [tilespmem:s5+$0xFFFFFE60]  }
0x17a: {  	v7 =	vld.idx.msk [tilespmem:v8+s16+$0x0], $0xffff;
	v8 =	vmov s1  }
0x17b: {  	v17 =	vld [tilespmem:s5+$0xFFFFFE70];
	v8 =	vand.u32 $0xFFFFFFF9, v8  }
0x17c: {  	v18 =	vld [tilespmem:s5+$0xFFFFFE80];
	v8 =	vbroadcast v8, $0x0  }
0x17d: {  	v19 =	vld [tilespmem:s5+$0xFFFFFE90];
	v10 =	vmul.f32 v10, v6  }
0x17e: {  	v20 =	vld [tilespmem:s5+$0xFFFFFEA0];
	v13 =	vmul.f32 v13, v6  }
0x17f: {  	v21 =	vld [tilespmem:s5+$0xFFFFFEB0];
	v14 =	vmul.f32 v14, v6;
	[tilespmem:s5+$0xFFFFFE00] =	vst v10  }
0x180: {  	s9 =	simm.s32 $0x2;
	[tilespmem:s5+$0xFFFFFE30] =	vst v13;
	v13 =	vmul.f32 v15, v6;
	v15 =	vld [tilespmem:s5+$0xFFFFFEF0]  }
0x181: {  	v9 =	vmul.f32 v9, v7;
	v10 =	vmov s9;
	[tilespmem:s5+$0xFFFFFE40] =	vst v14;
	v14 =	vmul.f32 v16, v6;
	v16 =	vld [tilespmem:s5+$0xFFFFFF00]  }
0x182: {  	v11 =	vmul.f32 v11, v6;
	v10 =	vand.u32 $0xFFFFFFFA, v10;
	v8 =	vld.idx.msk [tilespmem:v8+s16+$0x0], $0xffff  }
0x183: {  	[tilespmem:s5+$0x170] =	vst v9;
	v9 =	vmul.f32 v12, v6;
	v12 =	vld [tilespmem:s5+$0xFFFFFEC0];
	v10 =	vbroadcast v10, $0x0  }
0x184: {  	[tilespmem:s5+$0xFFFFFE10] =	vst v11;
	v6 =	vmul.f32 v17, v6;
	v17 =	vld [tilespmem:s5+$0xFFFFFF20]  }
0x185: {  	[tilespmem:s5+$0xFFFFFE50] =	vst v13;
	v13 =	vld [tilespmem:s5+$0xFFFFFF10]  }
0x186: {  	[tilespmem:s5+$0xFFFFFE20] =	vst v9;
	v9 =	vld [tilespmem:s5+$0xFFFFFEE0]  }
0x187: {  	[tilespmem:s5+$0xFFFFFE60] =	vst v14;
	v11 =	vmul.f32 v18, v8;
	v18 =	vld [tilespmem:s5+$0xFFFFFED0]  }
0x188: {  	[tilespmem:s5+$0xFFFFFE70] =	vst v6;
	v14 =	vmul.f32 v19, v8;
	v19 =	vld [tilespmem:s5+$0xFFFFFF30]  }
0x189: {  	s20 =	simm.s32 $0x3;
	v12 =	vmul.f32 v12, v8;
	v10 =	vld.idx.msk [tilespmem:v10+s16+$0x0], $0xffff;
	[tilespmem:s5+$0xFFFFFE80] =	vst v11  }
0x18a: {  	v6 =	vmul.f32 v20, v8;
	v20 =	vld [tilespmem:s5+$0xFFFFFF40];
	v11 =	vmov s20;
	[tilespmem:s5+$0xFFFFFE90] =	vst v14;
	v14 =	vmul.f32 v21, v8  }
0x18b: {  	[tilespmem:s5+$0xFFFFFEC0] =	vst v12;
	v12 =	vld [tilespmem:s5+$0xFFFFFF70];
	v11 =	vand.u32 $0xFFFFFFFB, v11  }
0x18c: {  	v9 =	vmul.f32 v9, v8;
	v11 =	vbroadcast v11, $0x0;
	[tilespmem:s5+$0xFFFFFEB0] =	vst v14;
	v14 =	vld [tilespmem:s5+$0xFFFFFF60]  }
0x18d: {  	[tilespmem:s5+$0xFFFFFEA0] =	vst v6;
	v18 =	vmul.f32 v18, v8;
	v8 =	vmul.f32 v15, v8;
	v15 =	vld [tilespmem:s5+$0xFFFFFF80]  }
0x18e: {  	[tilespmem:s5+$0xFFFFFEE0] =	vst v9;
	v6 =	vmul.f32 v16, v10;
	v16 =	vld [tilespmem:s5+$0xFFFFFF50]  }
0x18f: {  	v9 =	vmul.f32 v13, v10;
	v13 =	vld [tilespmem:s5+$0xFFFFFF90];
	[tilespmem:s5+$0xFFFFFED0] =	vst v18  }
0x190: {  	[tilespmem:s5+$0xFFFFFEF0] =	vst v8;
	v8 =	vmul.f32 v17, v10;
	v17 =	vld [tilespmem:s5+$0xFFFFFFA0]  }
0x191: {  	s1 =	simm.s32 $0x4;
	v18 =	vld [tilespmem:s5+$0xFFFFFFB0];
	[tilespmem:s5+$0xFFFFFF00] =	vst v6  }
0x192: {  	v6 =	vmov s1;
	[tilespmem:s5+$0xFFFFFF20] =	vst v8;
	v8 =	vmul.f32 v20, v10;
	v11 =	vld.idx.msk [tilespmem:v11+s16+$0x0], $0xffff  }
0x193: {  	[tilespmem:s5+$0xFFFFFF10] =	vst v9;
	v9 =	vmul.f32 v19, v10;
	v19 =	vld [tilespmem:s5+$0xFFFFFFC0];
	v6 =	vand.u32 $0xFFFFFFFC, v6  }
0x194: {  	v14 =	vmul.f32 v14, v10;
	v6 =	vbroadcast v6, $0x0;
	[tilespmem:s5+$0xFFFFFF40] =	vst v8;
	v8 =	vld [tilespmem:s5+$0xFFFFFFE0]  }
0x195: {  	[tilespmem:s5+$0xFFFFFF30] =	vst v9;
	v16 =	vmul.f32 v16, v10;
	v10 =	vmul.f32 v12, v10;
	v12 =	vld [tilespmem:s5+$0xFFFFFFF0]  }
0x196: {  	[tilespmem:s5+$0xFFFFFF60] =	vst v14;
	v14 =	vld [tilespmem:s5+$0x0]  }
0x197: {  	[tilespmem:s5+$0xFFFFFF50] =	vst v16;
	v16 =	vld [tilespmem:s5+$0x10];
	v9 =	vmul.f32 v15, v11  }
0x198: {  	[tilespmem:s5+$0xFFFFFF70] =	vst v10;
	v15 =	vld [tilespmem:s5+$0xFFFFFFD0];
	v13 =	vmul.f32 v13, v11  }
0x199: {  	v10 =	vmul.f32 v17, v11;
	v17 =	vld [tilespmem:s5+$0x20];
	[tilespmem:s5+$0xFFFFFF80] =	vst v9  }
0x19a: {  	s9 =	simm.s32 $0x5;
	v6 =	vld.idx.msk [tilespmem:v6+s16+$0x0], $0xffff;
	v8 =	vmul.f32 v8, v11;
	[tilespmem:s5+$0xFFFFFF90] =	vst v13  }
0x19b: {  	v9 =	vmov s9;
	v13 =	vmul.f32 v18, v11;
	[tilespmem:s5+$0xFFFFFFA0] =	vst v10;
	v18 =	vld [tilespmem:s5+$0x30]  }
0x19c: {  	v10 =	vmul.f32 v19, v11;
	v19 =	vld [tilespmem:s5+$0x180];
	v9 =	vand.u32 $0xFFFFFFFD, v9;
	[tilespmem:s5+$0xFFFFFFE0] =	vst v8  }
0x19d: {  	v9 =	vbroadcast v9, $0x0;
	[tilespmem:s5+$0xFFFFFFB0] =	vst v13;
	v13 =	vmul.f32 v15, v11;
	v15 =	vld [tilespmem:s5+$0x40]  }
0x19e: {  	[tilespmem:s5+$0xFFFFFFC0] =	vst v10;
	v11 =	vmul.f32 v12, v11;
	v12 =	vld [tilespmem:s5+$0x80]  }
0x19f: {  	v10 =	vmul.f32 v14, v6;
	v14 =	vld [tilespmem:s5+$0x50];
	[tilespmem:s5+$0xFFFFFFD0] =	vst v13  }
0x1a0: {  	v8 =	vmul.f32 v16, v6;
	v13 =	vld [tilespmem:s5+$0x60];
	[tilespmem:s5+$0xFFFFFFF0] =	vst v11  }
0x1a1: {  	v16 =	vld [tilespmem:s5+$0x90];
	v11 =	vmul.f32 v17, v6;
	[tilespmem:s5+$0x0] =	vst v10  }
0x1a2: {  	v10 =	vld [tilespmem:s5+$0x70];
	[tilespmem:s5+$0x10] =	vst v8;
	v8 =	vmul.f32 v18, v6  }
0x1a3: {  	[tilespmem:s5+$0x20] =	vst v11;
	v9 =	vld.idx.msk [tilespmem:v9+s16+$0x0], $0xffff;
	v11 =	vmul.f32 v15, v6  }
0x1a4: {  	v15 =	vld [tilespmem:s5+$0xA0];
	[tilespmem:s5+$0x30] =	vst v8  }
0x1a5: {  	v8 =	vmul.f32 v14, v6;
	v14 =	vld [tilespmem:s5+$0xB0];
	[tilespmem:s5+$0x40] =	vst v11;
	v11 =	vmul.f32 v13, v6  }
0x1a6: {  	v13 =	vld [tilespmem:s5+$0xC0]  }
0x1a7: {  	s20 =	simm.s32 $0x7;
	v10 =	vmul.f32 v10, v6;
	[tilespmem:s5+$0x60] =	vst v11;
	v11 =	vld [tilespmem:s5+$0xE0]  }
0x1a8: {  	v17 =	vmov s20;
	[tilespmem:s5+$0x50] =	vst v8;
	v8 =	vmul.f32 v12, v9;
	v12 =	vld [tilespmem:s5+$0xD0]  }
0x1a9: {  	v16 =	vmul.f32 v16, v9;
	[tilespmem:s5+$0x70] =	vst v10;
	v10 =	vld [tilespmem:s5+$0xF0]  }
0x1aa: {  	[tilespmem:s5+$0x80] =	vst v8;
	v8 =	vmul.f32 v15, v9;
	v15 =	vld [tilespmem:s5+$0x100]  }
0x1ab: {  	v14 =	vmul.f32 v14, v9;
	[tilespmem:s5+$0x90] =	vst v16;
	v16 =	vld [tilespmem:s5+$0x150]  }
0x1ac: {  	[tilespmem:s5+$0xA0] =	vst v8;
	v8 =	vmul.f32 v13, v9;
	v13 =	vld [tilespmem:s5+$0x110]  }
0x1ad: {  	v6 =	vld.idx.msk [tilespmem:v17+s16+$0x0], $0xffff;
	[tilespmem:s5+$0xB0] =	vst v14;
	v12 =	vmul.f32 v12, v9  }
0x1ae: {  	v14 =	vld [tilespmem:s5+$0x120];
	[tilespmem:s5+$0xC0] =	vst v8;
	v8 =	vmul.f32 v11, v9  }
0x1af: {  	s20 =	simm.s32 $0x9;
	v11 =	vld [tilespmem:s5+$0x130];
	v9 =	vmul.f32 v10, v9;
	[tilespmem:s5+$0xD0] =	vst v12  }
0x1b0: {  	s1 =	simm.s32 $0x8;
	v17 =	vmov s20;
	v10 =	vld [tilespmem:s5+$0x140];
	v15 =	vmul.f32 v15, v7;
	[tilespmem:s5+$0xE0] =	vst v8  }
0x1b1: {  	s20 =	simm.s32 $0xD;
	v12 =	vmov s1;
	v16 =	vmul.f32 v16, v7;
	[tilespmem:s5+$0xF0] =	vst v9;
	v9 =	vmul.f32 v13, v7;
	v13 =	vld [tilespmem:s5+$0x160]  }
0x1b2: {  	s9 =	simm.s32 $0xF;
	v23 =	vmov s20;
	v19 =	vmul.f32 v19, v6;
	s1 =	simm.s32 $0xA;
	v12 =	vand.u32 $0xFFFFFFF8, v12;
	[tilespmem:s5+$0x100] =	vst v15  }
0x1b3: {  	v22 =	vld [tilespmem:s5+$0x190];
	v8 =	vmov s9;
	v18 =	vmov s1;
	s1 =	simm.s32 $0xB;
	v14 =	vmul.f32 v14, v7;
	[tilespmem:s5+$0x150] =	vst v16  }
0x1b4: {  	v15 =	vmov s1;
	[tilespmem:s5+$0x110] =	vst v9;
	v21 =	vmul.f32 v11, v7;
	v9 =	vbroadcast v12, $0x0;
	v11 =	vld [tilespmem:s5+$0x1A0]  }
0x1b5: {  	[tilespmem:s5+$0x120] =	vst v14;
	v14 =	vmul.f32 v10, v7;
	v10 =	vand.u32 $0xFFFFFFF9, v17;
	v17 =	vand.u32 $0xFFFFFFFA, v18;
	v12 =	vld [tilespmem:s5+$0x1B0]  }
0x1b6: {  	s9 =	simm.s32 $0xC;
	v18 =	vand.u32 $0xFFFFFFFB, v15;
	v10 =	vbroadcast v10, $0x0;
	[tilespmem:s5+$0x130] =	vst v21;
	v21 =	vmul.f32 v13, v7;
	v13 =	vld [tilespmem:s5+$0x1C0]  }
0x1b7: {  	v20 =	vmov s9;
	v15 =	vbroadcast v17, $0x0;
	v17 =	vbroadcast v18, $0x0;
	[tilespmem:s5+$0x140] =	vst v14;
	v14 =	vld [tilespmem:s5+$0x1D0]  }
0x1b8: {  	s0 =	simm.s32 $0xE;
	s12 =	sadd.s32 $0x1000, s12;
	s20 =	simm.s32 $0x10;
	v16 =	vld [tilespmem:s5+$0x1E0];
	v18 =	vmul.f32 v22, v6;
	v7 =	vand.u32 $0xFFFFFFFC, v20;
	v20 =	vand.u32 $0xFFFFFFFD, v23;
	[tilespmem:s5+$0x160] =	vst v21  }
.LBB2_12:
0x1b9: {  	p1 =	slt.u32 s20, $0x38;
	v7 =	vbroadcast v7, $0x0;
	v21 =	vmov s0;
	[tilespmem:s5+$0x180] =	vst v19;
	v11 =	vmul.f32 v11, v6;
	v19 =	vld [tilespmem:s5+$0x1F0]  }
0x1ba: {  	v20 =	vbroadcast v20, $0x0;
	v21 =	vand.u32 $0xFFFFFFFE, v21;
	v22 =	vld.idx.msk [tilespmem:v8+s16+$0x0], $0xffff;
	[tilespmem:s5+$0x190] =	vst v18;
	v8 =	vmul.f32 v12, v6  }
0x1bb: {  	v12 =	vld.idx.msk [tilespmem:v9+s16+$0x0], $0xffff;
	v18 =	vbroadcast v21, $0x0;
	[tilespmem:s5+$0x1A0] =	vst v11;
	v9 =	vmul.f32 v13, v6  }
0x1bc: {  	v11 =	vld.idx.msk [tilespmem:v10+s16+$0x0], $0xffff;
	[tilespmem:s5+$0x1B0] =	vst v8;
	v8 =	vmul.f32 v14, v6  }
0x1bd: {  	v13 =	vld.idx.msk [tilespmem:v15+s16+$0x0], $0xffff;
	[tilespmem:s5+$0x1C0] =	vst v9;
	v14 =	vmul.f32 v16, v6  }
0x1be: {  	v10 =	vld.idx.msk [tilespmem:v17+s16+$0x0], $0xffff;
	[tilespmem:s5+$0x1D0] =	vst v8;
	v15 =	vmul.f32 v19, v6  }
0x1bf: {  	v9 =	vld.idx.msk [tilespmem:v7+s16+$0x0], $0xffff;
	[tilespmem:s5+$0x1E0] =	vst v14  }
0x1c0: {  	v6 =	vmov v22;
	v8 =	vld.idx.msk [tilespmem:v20+s16+$0x0], $0xffff;
	[tilespmem:s5+$0x1F0] =	vst v15  }
0x1c1: {  	s5 =	sadd.s32 $0x400, s5;
	v7 =	vld.idx.msk [tilespmem:v18+s16+$0x0], $0xffff  }
0x1c2: {  	v14 =	vld [tilespmem:s5+$0x170]  }
0x1c3: {  	v15 =	vld [tilespmem:s5+$0xFFFFFE00]  }
0x1c4: {  	v16 =	vld [tilespmem:s5+$0xFFFFFE10]  }
0x1c5: {  	v17 =	vld [tilespmem:s5+$0xFFFFFE20]  }
0x1c6: {  	v18 =	vld [tilespmem:s5+$0xFFFFFE30]  }
0x1c7: {  	v19 =	vld [tilespmem:s5+$0xFFFFFE40];
	v14 =	vmul.f32 v14, v7  }
0x1c8: {  	v15 =	vmul.f32 v15, v12;
	v20 =	vld [tilespmem:s5+$0xFFFFFE50]  }
0x1c9: {  	v16 =	vmul.f32 v16, v12;
	v21 =	vld [tilespmem:s5+$0xFFFFFE60];
	[tilespmem:s5+$0x170] =	vst v14  }
0x1ca: {  	[tilespmem:s5+$0xFFFFFE00] =	vst v15;
	v14 =	vmul.f32 v17, v12;
	v15 =	vld [tilespmem:s5+$0xFFFFFE70]  }
0x1cb: {  	[tilespmem:s5+$0xFFFFFE10] =	vst v16;
	v16 =	vmul.f32 v18, v12;
	v17 =	vld [tilespmem:s5+$0xFFFFFE80]  }
0x1cc: {  	[tilespmem:s5+$0xFFFFFE20] =	vst v14;
	v14 =	vmul.f32 v19, v12;
	v18 =	vld [tilespmem:s5+$0xFFFFFE90]  }
0x1cd: {  	[tilespmem:s5+$0xFFFFFE30] =	vst v16;
	v16 =	vmul.f32 v20, v12;
	v19 =	vld [tilespmem:s5+$0xFFFFFEA0]  }
0x1ce: {  	[tilespmem:s5+$0xFFFFFE40] =	vst v14;
	v14 =	vmul.f32 v21, v12;
	v20 =	vld [tilespmem:s5+$0xFFFFFEB0]  }
0x1cf: {  	[tilespmem:s5+$0xFFFFFE50] =	vst v16;
	v12 =	vmul.f32 v15, v12;
	v15 =	vld [tilespmem:s5+$0xFFFFFEC0]  }
0x1d0: {  	[tilespmem:s5+$0xFFFFFE60] =	vst v14;
	v14 =	vmul.f32 v17, v11;
	v16 =	vld [tilespmem:s5+$0xFFFFFED0]  }
0x1d1: {  	[tilespmem:s5+$0xFFFFFE70] =	vst v12;
	v12 =	vmul.f32 v18, v11;
	v17 =	vld [tilespmem:s5+$0xFFFFFEE0]  }
0x1d2: {  	[tilespmem:s5+$0xFFFFFE80] =	vst v14;
	v14 =	vmul.f32 v19, v11;
	v18 =	vld [tilespmem:s5+$0xFFFFFEF0]  }
0x1d3: {  	[tilespmem:s5+$0xFFFFFE90] =	vst v12;
	v12 =	vmul.f32 v20, v11;
	v19 =	vld [tilespmem:s5+$0xFFFFFF00]  }
0x1d4: {  	[tilespmem:s5+$0xFFFFFEA0] =	vst v14;
	v14 =	vmul.f32 v15, v11;
	v15 =	vld [tilespmem:s5+$0xFFFFFF10]  }
0x1d5: {  	[tilespmem:s5+$0xFFFFFEB0] =	vst v12;
	v12 =	vmul.f32 v16, v11;
	v16 =	vld [tilespmem:s5+$0xFFFFFF20]  }
0x1d6: {  	[tilespmem:s5+$0xFFFFFEC0] =	vst v14;
	v14 =	vmul.f32 v17, v11;
	v17 =	vld [tilespmem:s5+$0xFFFFFF30]  }
0x1d7: {  	[tilespmem:s5+$0xFFFFFED0] =	vst v12;
	v11 =	vmul.f32 v18, v11;
	v12 =	vld [tilespmem:s5+$0xFFFFFF40]  }
0x1d8: {  	[tilespmem:s5+$0xFFFFFEE0] =	vst v14;
	v14 =	vmul.f32 v19, v13;
	v18 =	vld [tilespmem:s5+$0xFFFFFF50]  }
0x1d9: {  	[tilespmem:s5+$0xFFFFFEF0] =	vst v11;
	v11 =	vmul.f32 v15, v13;
	v15 =	vld [tilespmem:s5+$0xFFFFFF60]  }
0x1da: {  	[tilespmem:s5+$0xFFFFFF00] =	vst v14;
	v14 =	vmul.f32 v16, v13;
	v16 =	vld [tilespmem:s5+$0xFFFFFF70]  }
0x1db: {  	[tilespmem:s5+$0xFFFFFF10] =	vst v11;
	v11 =	vmul.f32 v17, v13;
	v17 =	vld [tilespmem:s5+$0xFFFFFF80]  }
0x1dc: {  	[tilespmem:s5+$0xFFFFFF20] =	vst v14;
	v12 =	vmul.f32 v12, v13;
	v14 =	vld [tilespmem:s5+$0xFFFFFF90]  }
0x1dd: {  	[tilespmem:s5+$0xFFFFFF30] =	vst v11;
	v11 =	vmul.f32 v18, v13;
	v18 =	vld [tilespmem:s5+$0xFFFFFFA0]  }
0x1de: {  	[tilespmem:s5+$0xFFFFFF40] =	vst v12;
	v12 =	vmul.f32 v15, v13;
	v15 =	vld [tilespmem:s5+$0xFFFFFFB0]  }
0x1df: {  	[tilespmem:s5+$0xFFFFFF50] =	vst v11;
	v11 =	vmul.f32 v16, v13;
	v13 =	vld [tilespmem:s5+$0xFFFFFFC0]  }
0x1e0: {  	[tilespmem:s5+$0xFFFFFF60] =	vst v12;
	v12 =	vmul.f32 v17, v10;
	v16 =	vld [tilespmem:s5+$0xFFFFFFD0]  }
0x1e1: {  	[tilespmem:s5+$0xFFFFFF70] =	vst v11;
	v11 =	vmul.f32 v14, v10;
	v14 =	vld [tilespmem:s5+$0xFFFFFFE0]  }
0x1e2: {  	[tilespmem:s5+$0xFFFFFF80] =	vst v12;
	v12 =	vmul.f32 v18, v10;
	v17 =	vld [tilespmem:s5+$0xFFFFFFF0]  }
0x1e3: {  	[tilespmem:s5+$0xFFFFFF90] =	vst v11;
	v11 =	vmul.f32 v15, v10;
	v15 =	vld [tilespmem:s5+$0x0]  }
0x1e4: {  	[tilespmem:s5+$0xFFFFFFA0] =	vst v12;
	v12 =	vmul.f32 v13, v10;
	v13 =	vld [tilespmem:s5+$0x10]  }
0x1e5: {  	[tilespmem:s5+$0xFFFFFFB0] =	vst v11;
	v11 =	vmul.f32 v16, v10;
	v16 =	vld [tilespmem:s5+$0x20]  }
0x1e6: {  	[tilespmem:s5+$0xFFFFFFC0] =	vst v12;
	v12 =	vmul.f32 v14, v10;
	v14 =	vld [tilespmem:s5+$0x30]  }
0x1e7: {  	[tilespmem:s5+$0xFFFFFFD0] =	vst v11;
	v10 =	vmul.f32 v17, v10;
	v11 =	vld [tilespmem:s5+$0x40]  }
0x1e8: {  	[tilespmem:s5+$0xFFFFFFE0] =	vst v12;
	v12 =	vmul.f32 v15, v9;
	v15 =	vld [tilespmem:s5+$0x50]  }
0x1e9: {  	[tilespmem:s5+$0xFFFFFFF0] =	vst v10;
	v10 =	vmul.f32 v13, v9;
	v13 =	vld [tilespmem:s5+$0x60]  }
0x1ea: {  	[tilespmem:s5+$0x0] =	vst v12;
	v12 =	vmul.f32 v16, v9;
	v16 =	vld [tilespmem:s5+$0x70]  }
0x1eb: {  	[tilespmem:s5+$0x10] =	vst v10;
	v10 =	vmul.f32 v14, v9;
	v14 =	vld [tilespmem:s5+$0x80]  }
0x1ec: {  	[tilespmem:s5+$0x20] =	vst v12;
	v11 =	vmul.f32 v11, v9;
	v12 =	vld [tilespmem:s5+$0x90]  }
0x1ed: {  	[tilespmem:s5+$0x30] =	vst v10;
	v10 =	vmul.f32 v15, v9;
	v15 =	vld [tilespmem:s5+$0xA0]  }
0x1ee: {  	[tilespmem:s5+$0x40] =	vst v11;
	v11 =	vmul.f32 v13, v9;
	v13 =	vld [tilespmem:s5+$0xB0]  }
0x1ef: {  	[tilespmem:s5+$0x50] =	vst v10;
	v9 =	vmul.f32 v16, v9;
	v10 =	vld [tilespmem:s5+$0xC0]  }
0x1f0: {  	[tilespmem:s5+$0x60] =	vst v11;
	v11 =	vmul.f32 v14, v8;
	v14 =	vld [tilespmem:s5+$0xD0]  }
0x1f1: {  	[tilespmem:s5+$0x70] =	vst v9;
	v9 =	vmul.f32 v12, v8;
	v12 =	vld [tilespmem:s5+$0xE0]  }
0x1f2: {  	[tilespmem:s5+$0x80] =	vst v11;
	v11 =	vmul.f32 v15, v8;
	v15 =	vld [tilespmem:s5+$0xF0]  }
0x1f3: {  	[tilespmem:s5+$0x90] =	vst v9;
	v9 =	vmul.f32 v13, v8;
	v13 =	vld [tilespmem:s5+$0x100]  }
0x1f4: {  	[tilespmem:s5+$0xA0] =	vst v11;
	v10 =	vmul.f32 v10, v8;
	v11 =	vld [tilespmem:s5+$0x110]  }
0x1f5: {  	[tilespmem:s5+$0xB0] =	vst v9;
	v9 =	vmul.f32 v14, v8;
	v14 =	vld [tilespmem:s5+$0x120]  }
0x1f6: {  	[tilespmem:s5+$0xC0] =	vst v10;
	v10 =	vmul.f32 v12, v8;
	v12 =	vld [tilespmem:s5+$0x130]  }
0x1f7: {  	[tilespmem:s5+$0xD0] =	vst v9;
	v9 =	vmul.f32 v15, v8;
	v15 =	vld [tilespmem:s5+$0x140]  }
0x1f8: {  	s0 =	sadd.s32 $0x7, s20;
	v8 =	vmov s20;
	[tilespmem:s5+$0xE0] =	vst v10;
	v10 =	vmul.f32 v13, v7;
	v13 =	vld [tilespmem:s5+$0x150]  }
0x1f9: {  	s1 =	sadd.s32 $0x1, s20;
	s9 =	sadd.s32 $0x2, s20;
	v16 =	vand.u32 $0xFFFFFFF8, v8;
	v8 =	vmov s0;
	[tilespmem:s5+$0xF0] =	vst v9;
	v9 =	vmul.f32 v11, v7;
	v17 =	vld [tilespmem:s5+$0x160]  }
0x1fa: {  	v19 =	vmov s9;
	v18 =	vmov s1;
	s1 =	sadd.s32 $0x4, s20;
	s0 =	sadd.s32 $0x3, s20;
	[tilespmem:s5+$0x100] =	vst v10;
	v10 =	vmul.f32 v14, v7;
	v14 =	vld [tilespmem:s5+$0x180]  }
0x1fb: {  	v21 =	vmov s1;
	v20 =	vmov s0;
	s0 =	sadd.s32 $0x5, s20;
	[tilespmem:s5+$0x110] =	vst v9;
	v12 =	vmul.f32 v12, v7;
	v22 =	vld [tilespmem:s5+$0x190]  }
.Ltmp4:
0x1fc: {  	v9 =	vbroadcast v16, $0x0;
	v16 =	vmov s0;
	[tilespmem:s5+$0x120] =	vst v10;
	v15 =	vmul.f32 v15, v7;
	v11 =	vld [tilespmem:s5+$0x1A0];
	(pc) =	sbr.rel @p1 .LBB2_12-.Ltmp4, $4  }
0x1fd: {  	v10 =	vand.u32 $0xFFFFFFF9, v18;
	v18 =	vand.u32 $0xFFFFFFFA, v19;
	[tilespmem:s5+$0x130] =	vst v12;
	v19 =	vmul.f32 v13, v7;
	v12 =	vld [tilespmem:s5+$0x1B0]  }
0x1fe: {  	v20 =	vand.u32 $0xFFFFFFFB, v20;
	v10 =	vbroadcast v10, $0x0;
	[tilespmem:s5+$0x140] =	vst v15;
	v23 =	vmul.f32 v17, v7;
	v13 =	vld [tilespmem:s5+$0x1C0]  }
0x1ff: {  	v15 =	vbroadcast v18, $0x0;
	v7 =	vand.u32 $0xFFFFFFFC, v21;
	[tilespmem:s5+$0x150] =	vst v19;
	v19 =	vmul.f32 v14, v6;
	v14 =	vld [tilespmem:s5+$0x1D0]  }
0x200: {  	s0 =	sadd.s32 $0x6, s20;
	s20 =	sadd.s32 $0x8, s20;
	v17 =	vbroadcast v20, $0x0;
	v20 =	vand.u32 $0xFFFFFFFD, v16;
	[tilespmem:s5+$0x160] =	vst v23;
	v18 =	vmul.f32 v22, v6;
	v16 =	vld [tilespmem:s5+$0x1E0]  }
0x201: {  	_ =	sdelay $0x2  }
0x202: {  	v21 =	vld [tilespmem:s5+$0x1F0]  }
0x203: {  	v23 =	vld.idx.msk [tilespmem:v9+s16+$0x0], $0xffff  }
0x204: {  	[tilespmem:s5+$0x180] =	vst v19;
	v19 =	vbroadcast v7, $0x0;
	v7 =	vmov s0;
	v15 =	vld.idx.msk [tilespmem:v15+s16+$0x0], $0xffff  }
0x205: {  	v22 =	vand.u32 $0xFFFFFFFE, v7;
	v7 =	vld.idx.msk [tilespmem:v8+s16+$0x0], $0xffff  }
0x206: {  	s20 =	sadd.s32 $0x400, s5;
	v17 =	vld.idx.msk [tilespmem:v17+s16+$0x0], $0xffff  }
0x207: {  	v20 =	vbroadcast v20, $0x0;
	v11 =	vmul.f32 v11, v6;
	[tilespmem:s5+$0x190] =	vst v18;
	v18 =	vld [tilespmem:s20+$0x170]  }
0x208: {  	v12 =	vmul.f32 v12, v6;
	v8 =	vbroadcast v22, $0x0;
	v22 =	vld.idx.msk [tilespmem:v10+s16+$0x0], $0xffff  }
0x209: {  	[tilespmem:s5+$0x1A0] =	vst v11;
	v11 =	vmul.f32 v13, v6;
	v13 =	vld [tilespmem:s20+$0xFFFFFE00]  }
0x20a: {  	[tilespmem:s5+$0x1B0] =	vst v12;
	v12 =	vmul.f32 v14, v6;
	v14 =	vld [tilespmem:s20+$0xFFFFFE10]  }
0x20b: {  	[tilespmem:s5+$0x1C0] =	vst v11;
	v11 =	vmul.f32 v16, v6;
	v16 =	vld [tilespmem:s20+$0xFFFFFE20]  }
0x20c: {  	[tilespmem:s5+$0x1D0] =	vst v12;
	v12 =	vld [tilespmem:s20+$0xFFFFFE30]  }
0x20d: {  	v10 =	vld.idx.msk [tilespmem:v19+s16+$0x0], $0xffff  }
0x20e: {  	v6 =	vmul.f32 v21, v6;
	v9 =	vld.idx.msk [tilespmem:v20+s16+$0x0], $0xffff  }
0x20f: {  	[tilespmem:s5+$0x1E0] =	vst v11;
	v11 =	vld [tilespmem:s20+$0xFFFFFE40]  }
0x210: {  	[tilespmem:s5+$0x1F0] =	vst v6;
	v6 =	vmul.f32 v13, v23;
	v8 =	vld.idx.msk [tilespmem:v8+s16+$0x0], $0xffff  }
0x211: {  	v13 =	vld [tilespmem:s20+$0xFFFFFE50];
	v14 =	vmul.f32 v14, v23  }
0x212: {  	v19 =	vld [tilespmem:s20+$0xFFFFFE60];
	[tilespmem:s20+$0xFFFFFE00] =	vst v6;
	v6 =	vmul.f32 v16, v23  }
0x213: {  	v16 =	vld [tilespmem:s20+$0xFFFFFE70];
	[tilespmem:s20+$0xFFFFFE10] =	vst v14;
	v12 =	vmul.f32 v12, v23  }
0x214: {  	v14 =	vld [tilespmem:s20+$0xFFFFFE80];
	[tilespmem:s20+$0xFFFFFE20] =	vst v6;
	v6 =	vmul.f32 v11, v23  }
0x215: {  	v11 =	vld [tilespmem:s20+$0xFFFFFE90];
	[tilespmem:s20+$0xFFFFFE30] =	vst v12;
	v18 =	vmul.f32 v18, v8  }
0x216: {  	v12 =	vmul.f32 v13, v23;
	v13 =	vld [tilespmem:s20+$0xFFFFFEA0];
	[tilespmem:s20+$0xFFFFFE40] =	vst v6  }
0x217: {  	v6 =	vmul.f32 v19, v23;
	[tilespmem:s20+$0x170] =	vst v18;
	v18 =	vld [tilespmem:s20+$0xFFFFFEB0]  }
0x218: {  	[tilespmem:s20+$0xFFFFFE50] =	vst v12;
	v12 =	vmul.f32 v16, v23;
	v16 =	vld [tilespmem:s20+$0xFFFFFEC0]  }
0x219: {  	[tilespmem:s20+$0xFFFFFE60] =	vst v6;
	v6 =	vmul.f32 v14, v22;
	v14 =	vld [tilespmem:s20+$0xFFFFFED0]  }
0x21a: {  	[tilespmem:s20+$0xFFFFFE70] =	vst v12;
	v11 =	vmul.f32 v11, v22;
	v12 =	vld [tilespmem:s20+$0xFFFFFEE0]  }
0x21b: {  	[tilespmem:s20+$0xFFFFFE80] =	vst v6;
	v6 =	vmul.f32 v13, v22;
	v13 =	vld [tilespmem:s20+$0xFFFFFEF0]  }
0x21c: {  	[tilespmem:s20+$0xFFFFFE90] =	vst v11;
	v11 =	vmul.f32 v18, v22;
	v18 =	vld [tilespmem:s20+$0xFFFFFF00]  }
0x21d: {  	[tilespmem:s20+$0xFFFFFEA0] =	vst v6;
	v6 =	vmul.f32 v16, v22;
	v16 =	vld [tilespmem:s20+$0xFFFFFF10]  }
0x21e: {  	[tilespmem:s20+$0xFFFFFEB0] =	vst v11;
	v11 =	vmul.f32 v14, v22;
	v14 =	vld [tilespmem:s20+$0xFFFFFF20]  }
0x21f: {  	[tilespmem:s20+$0xFFFFFEC0] =	vst v6;
	v6 =	vmul.f32 v12, v22;
	v12 =	vld [tilespmem:s20+$0xFFFFFF30]  }
0x220: {  	[tilespmem:s20+$0xFFFFFED0] =	vst v11;
	v11 =	vmul.f32 v13, v22;
	v13 =	vld [tilespmem:s20+$0xFFFFFF40]  }
0x221: {  	[tilespmem:s20+$0xFFFFFEE0] =	vst v6;
	v6 =	vmul.f32 v18, v15;
	v18 =	vld [tilespmem:s20+$0xFFFFFF50]  }
0x222: {  	[tilespmem:s20+$0xFFFFFEF0] =	vst v11;
	v11 =	vmul.f32 v16, v15;
	v16 =	vld [tilespmem:s20+$0xFFFFFF60]  }
0x223: {  	[tilespmem:s20+$0xFFFFFF00] =	vst v6;
	v6 =	vmul.f32 v14, v15;
	v14 =	vld [tilespmem:s20+$0xFFFFFF70]  }
0x224: {  	[tilespmem:s20+$0xFFFFFF10] =	vst v11;
	v11 =	vmul.f32 v12, v15;
	v12 =	vld [tilespmem:s20+$0xFFFFFF80]  }
0x225: {  	[tilespmem:s20+$0xFFFFFF20] =	vst v6;
	v6 =	vmul.f32 v13, v15;
	v13 =	vld [tilespmem:s20+$0xFFFFFF90]  }
0x226: {  	[tilespmem:s20+$0xFFFFFF30] =	vst v11;
	v11 =	vmul.f32 v18, v15;
	v18 =	vld [tilespmem:s20+$0xFFFFFFA0]  }
0x227: {  	[tilespmem:s20+$0xFFFFFF40] =	vst v6;
	v6 =	vmul.f32 v16, v15;
	v16 =	vld [tilespmem:s20+$0xFFFFFFB0]  }
0x228: {  	[tilespmem:s20+$0xFFFFFF50] =	vst v11;
	v11 =	vmul.f32 v14, v15;
	v14 =	vld [tilespmem:s20+$0xFFFFFFC0]  }
0x229: {  	[tilespmem:s20+$0xFFFFFF60] =	vst v6;
	v6 =	vmul.f32 v12, v17;
	v12 =	vld [tilespmem:s20+$0xFFFFFFD0]  }
0x22a: {  	[tilespmem:s20+$0xFFFFFF70] =	vst v11;
	v11 =	vmul.f32 v13, v17;
	v13 =	vld [tilespmem:s20+$0xFFFFFFE0]  }
0x22b: {  	v15 =	vld [tilespmem:s20+$0xFFFFFFF0];
	[tilespmem:s20+$0xFFFFFF80] =	vst v6;
	v6 =	vmul.f32 v18, v17  }
0x22c: {  	[tilespmem:s20+$0xFFFFFF90] =	vst v11;
	v11 =	vmul.f32 v16, v17;
	v16 =	vld [tilespmem:s20+$0x0]  }
0x22d: {  	[tilespmem:s20+$0xFFFFFFA0] =	vst v6;
	v6 =	vmul.f32 v14, v17;
	v14 =	vld [tilespmem:s20+$0x10]  }
0x22e: {  	[tilespmem:s20+$0xFFFFFFB0] =	vst v11;
	v11 =	vmul.f32 v12, v17;
	v12 =	vld [tilespmem:s20+$0x20]  }
0x22f: {  	[tilespmem:s20+$0xFFFFFFC0] =	vst v6;
	v6 =	vmul.f32 v13, v17;
	v13 =	vld [tilespmem:s20+$0x30]  }
0x230: {  	[tilespmem:s20+$0xFFFFFFD0] =	vst v11;
	v11 =	vmul.f32 v15, v17;
	v15 =	vld [tilespmem:s20+$0x40]  }
0x231: {  	[tilespmem:s20+$0xFFFFFFE0] =	vst v6;
	v6 =	vmul.f32 v16, v10;
	v16 =	vld [tilespmem:s20+$0x50]  }
0x232: {  	[tilespmem:s20+$0xFFFFFFF0] =	vst v11;
	v11 =	vmul.f32 v14, v10;
	v14 =	vld [tilespmem:s20+$0x60]  }
0x233: {  	[tilespmem:s20+$0x0] =	vst v6;
	v6 =	vmul.f32 v12, v10;
	v12 =	vld [tilespmem:s20+$0x70]  }
0x234: {  	[tilespmem:s20+$0x10] =	vst v11;
	v11 =	vmul.f32 v13, v10;
	v13 =	vld [tilespmem:s20+$0x80]  }
0x235: {  	[tilespmem:s20+$0x20] =	vst v6;
	v6 =	vmul.f32 v15, v10;
	v15 =	vld [tilespmem:s20+$0x90]  }
0x236: {  	[tilespmem:s20+$0x30] =	vst v11;
	v11 =	vmul.f32 v16, v10;
	v16 =	vld [tilespmem:s20+$0xA0]  }
0x237: {  	[tilespmem:s20+$0x40] =	vst v6;
	v6 =	vmul.f32 v14, v10;
	v14 =	vld [tilespmem:s20+$0xB0]  }
0x238: {  	[tilespmem:s20+$0x50] =	vst v11;
	v10 =	vmul.f32 v12, v10;
	v11 =	vld [tilespmem:s20+$0xC0]  }
0x239: {  	v12 =	vld [tilespmem:s20+$0xD0];
	[tilespmem:s20+$0x60] =	vst v6;
	v6 =	vmul.f32 v13, v9  }
0x23a: {  	v13 =	vld [tilespmem:s20+$0xE0];
	[tilespmem:s20+$0x70] =	vst v10;
	v10 =	vmul.f32 v15, v9  }
0x23b: {  	v15 =	vld [tilespmem:s20+$0xF0];
	[tilespmem:s20+$0x80] =	vst v6;
	v6 =	vmul.f32 v16, v9  }
0x23c: {  	[tilespmem:s20+$0x90] =	vst v10;
	v10 =	vmul.f32 v14, v9;
	v14 =	vld [tilespmem:s20+$0x100]  }
0x23d: {  	[tilespmem:s20+$0xA0] =	vst v6;
	v6 =	vmul.f32 v11, v9;
	v11 =	vld [tilespmem:s20+$0x110]  }
0x23e: {  	[tilespmem:s20+$0xB0] =	vst v10;
	v10 =	vmul.f32 v12, v9;
	v12 =	vld [tilespmem:s20+$0x120]  }
0x23f: {  	[tilespmem:s20+$0xC0] =	vst v6;
	v6 =	vmul.f32 v13, v9;
	v13 =	vld [tilespmem:s20+$0x130]  }
0x240: {  	v9 =	vmul.f32 v15, v9;
	[tilespmem:s20+$0xD0] =	vst v10;
	v10 =	vld [tilespmem:s20+$0x140]  }
0x241: {  	[tilespmem:s20+$0xE0] =	vst v6;
	v6 =	vmul.f32 v14, v8;
	v14 =	vld [tilespmem:s20+$0x150]  }
0x242: {  	[tilespmem:s20+$0xF0] =	vst v9;
	v9 =	vmul.f32 v11, v8;
	v11 =	vld [tilespmem:s20+$0x160]  }
0x243: {  	[tilespmem:s20+$0x100] =	vst v6;
	v6 =	vmul.f32 v12, v8;
	v12 =	vld [tilespmem:s20+$0x180]  }
0x244: {  	[tilespmem:s20+$0x110] =	vst v9;
	v9 =	vmul.f32 v13, v8;
	v13 =	vld [tilespmem:s20+$0x190]  }
0x245: {  	[tilespmem:s20+$0x120] =	vst v6;
	v6 =	vmul.f32 v10, v8;
	v10 =	vld [tilespmem:s20+$0x1A0]  }
0x246: {  	[tilespmem:s20+$0x130] =	vst v9;
	v9 =	vmul.f32 v14, v8;
	v14 =	vld [tilespmem:s20+$0x1B0]  }
0x247: {  	[tilespmem:s20+$0x140] =	vst v6;
	v6 =	vmul.f32 v11, v8;
	v8 =	vld [tilespmem:s20+$0x1C0]  }
0x248: {  	v11 =	vld [tilespmem:s20+$0x1D0];
	[tilespmem:s20+$0x150] =	vst v9;
	v9 =	vmul.f32 v12, v7  }
0x249: {  	v12 =	vld [tilespmem:s20+$0x1E0];
	[tilespmem:s20+$0x160] =	vst v6;
	v6 =	vmul.f32 v13, v7  }
0x24a: {  	[tilespmem:s20+$0x180] =	vst v9;
	v9 =	vmul.f32 v10, v7;
	v10 =	vld [tilespmem:s20+$0x1F0]  }
0x24b: {  	[tilespmem:s20+$0x190] =	vst v6;
	v6 =	vmul.f32 v14, v7  }
0x24c: {  	[tilespmem:s20+$0x1A0] =	vst v9;
	v8 =	vmul.f32 v8, v7  }
0x24d: {  	[tilespmem:s20+$0x1B0] =	vst v6;
	v6 =	vmul.f32 v11, v7  }
0x24e: {  	[tilespmem:s20+$0x1C0] =	vst v8;
	v8 =	vmul.f32 v12, v7  }
0x24f: {  	[tilespmem:s20+$0x1D0] =	vst v6;
	v6 =	vmul.f32 v10, v7  }
0x250: {  	[tilespmem:s20+$0x1E0] =	vst v8  }
0x251: {  	p1 =	seq.s32 s23, $0xF;
	[tilespmem:s20+$0x1F0] =	vst v6  }
0x252: {  	[spmem:s6] =	stream.indirect.scatter.add.f32 [tilespmem:s2], [sflag:$0x3], $0x80, s12, s13, $0xb8;
	[tilespmem:$0x1F600] =	vst v63  }
0x253: {  	s9 =	sshll.u32 s4, $0x7;
	s0 =	sshll.u32 @!p1 s23, $0x7;
	_ =	swait.ge [sflag:s8], $0x2000  }
0x254: {  	s1 =	simm.s32 @!p1 $0x40;
	s0 =	sand.u32 @!p1 $0x3FFFFF80, s0;
	[sflag:s8] =	ssyncset.done $0x0  }
0x255: {  	s0 =	sadd.s32 @!p1 $0x80, s0;
	s5 =	simm.s32 @!p1 $0x7100;
	[sflag:s8] =	ssyncadd.s32 $0xFFFFE000  }
0x256: {  	[tilespmem:s5], [sflag:$0x1] =	stream.indirect.gather @!p1 [hbm4b:s3+s1], $0x80, s0, s1, $0xb8;
	[tilespmem:$0x1F600] =	vst v63  }
0x257: {  	s5 =	sand.u32 $0x3FFFFF80, s9  }
0x258: {  	v6 =	vld [tilespmem:s5+$0x1000]  }
0x259: {  	v7 =	vld [tilespmem:s25+$0x0];
	_ =	sdelay $0x5  }
0x25a: {  	v8 =	vld [tilespmem:s25+$0x800]  }
0x25b: {  	v6 =	vld.idx.msk [tilespmem:v6+s30+$0x0], $0xffff  }
0x25c: {  	v7 =	vld.idx.msk [tilespmem:v7+s31+$0x0], $0xffff;
	_ =	sdelay $0x2  }
0x25d: {  	v8 =	vmul.f32 $1.442695020e+00, v8;
	_ =	sdelay $0x1  }
0x25e: {  	(erf) = vpow2.f32 v8;
	v6 =	vmul.f32 v7, v6;
	_ =	sdelay $0x1  }
0x25f: {  	(erf) = vrcp.f32 v6;
	_ =	sdelay $0x6  }
0x260: {  	v6 =	vpop (erf)  }
0x261: {  	v6 =	vmul.f32 v6, v6  }
0x262: {  	v7 =	vpop (erf)  }
0x263: {  	v6 =	vmul.f32 v7, v6;
	_ =	sdelay $0x1  }
0x264: {  	v6 =	vadd.f32 $1.000000010e-10, v6;
	_ =	sdelay $0x1  }
0x265: {  	v7 =	vshra.s32 v6, $0x1;
	v8 =	vmul.f32 $5.000000000e-01, v6  }
0x266: {  	v7 =	vsub.s32 $0x5F3759DF, v7  }
0x267: {  	v9 =	vmul.f32 v7, v8;
	_ =	sdelay $0x1  }
0x268: {  	v9 =	vmul.f32 v7, v9;
	_ =	sdelay $0x1  }
0x269: {  	v9 =	vsub.f32 $1.500000000e+00, v9;
	_ =	sdelay $0x1  }
0x26a: {  	v7 =	vmul.f32 v7, v9;
	_ =	sdelay $0x1  }
0x26b: {  	v9 =	vmul.f32 v7, v8;
	_ =	sdelay $0x1  }
0x26c: {  	v9 =	vmul.f32 v9, v7;
	_ =	sdelay $0x1  }
0x26d: {  	v9 =	vsub.f32 $1.500000000e+00, v9;
	_ =	sdelay $0x1  }
0x26e: {  	v7 =	vmul.f32 v9, v7;
	_ =	sdelay $0x1  }
0x26f: {  	v8 =	vmul.f32 v7, v8;
	_ =	sdelay $0x1  }
0x270: {  	v8 =	vmul.f32 v8, v7;
	_ =	sdelay $0x1  }
0x271: {  	v8 =	vsub.f32 $1.500000000e+00, v8;
	_ =	sdelay $0x1  }
0x272: {  	v7 =	vmul.f32 v8, v7;
	_ =	sdelay $0x1  }
0x273: {  	v6 =	vmul.f32 v7, v6;
	_ =	sdelay $0x1  }
0x274: {  	[tilespmem:$0x7080] =	vst v6  }
0x275: {  	s12 =	sor.u32 $0x50, s25;
	v6 =	vld [tilespmem:s5+$0x1010]  }
0x276: {  	v7 =	vld [tilespmem:s12+$0x0];
	_ =	sdelay $0x5  }
0x277: {  	v8 =	vld [tilespmem:s12+$0x800]  }
0x278: {  	v6 =	vld.idx.msk [tilespmem:v6+s30+$0x0], $0xffff  }
0x279: {  	v7 =	vld.idx.msk [tilespmem:v7+s31+$0x0], $0xffff;
	_ =	sdelay $0x2  }
0x27a: {  	v8 =	vmul.f32 $1.442695020e+00, v8;
	_ =	sdelay $0x1  }
0x27b: {  	(erf) = vpow2.f32 v8;
	v6 =	vmul.f32 v7, v6;
	_ =	sdelay $0x1  }
0x27c: {  	(erf) = vrcp.f32 v6;
	_ =	sdelay $0x6  }
0x27d: {  	v6 =	vpop (erf)  }
0x27e: {  	v6 =	vmul.f32 v6, v6  }
0x27f: {  	v7 =	vpop (erf)  }
0x280: {  	v6 =	vmul.f32 v7, v6;
	_ =	sdelay $0x1  }
0x281: {  	v6 =	vadd.f32 $1.000000010e-10, v6;
	_ =	sdelay $0x1  }
0x282: {  	v7 =	vshra.s32 v6, $0x1;
	v8 =	vmul.f32 $5.000000000e-01, v6  }
0x283: {  	v7 =	vsub.s32 $0x5F3759DF, v7  }
0x284: {  	v9 =	vmul.f32 v7, v8;
	_ =	sdelay $0x1  }
0x285: {  	v9 =	vmul.f32 v7, v9;
	_ =	sdelay $0x1  }
0x286: {  	v9 =	vsub.f32 $1.500000000e+00, v9;
	_ =	sdelay $0x1  }
0x287: {  	v7 =	vmul.f32 v7, v9;
	_ =	sdelay $0x1  }
0x288: {  	v9 =	vmul.f32 v7, v8;
	_ =	sdelay $0x1  }
0x289: {  	v9 =	vmul.f32 v9, v7;
	_ =	sdelay $0x1  }
0x28a: {  	v9 =	vsub.f32 $1.500000000e+00, v9;
	_ =	sdelay $0x1  }
0x28b: {  	v7 =	vmul.f32 v9, v7;
	_ =	sdelay $0x1  }
0x28c: {  	v8 =	vmul.f32 v7, v8;
	_ =	sdelay $0x1  }
0x28d: {  	v8 =	vmul.f32 v8, v7;
	_ =	sdelay $0x1  }
0x28e: {  	v8 =	vsub.f32 $1.500000000e+00, v8;
	_ =	sdelay $0x1  }
0x28f: {  	v7 =	vmul.f32 v8, v7;
	_ =	sdelay $0x1  }
0x290: {  	v6 =	vmul.f32 v7, v6;
	_ =	sdelay $0x1  }
0x291: {  	[tilespmem:$0x7090] =	vst v6  }
0x292: {  	s20 =	sor.u32 $0x60, s25;
	v6 =	vld [tilespmem:s5+$0x1020]  }
0x293: {  	v7 =	vld [tilespmem:s20+$0x0];
	_ =	sdelay $0x5  }
0x294: {  	v8 =	vld [tilespmem:s20+$0x800]  }
0x295: {  	v6 =	vld.idx.msk [tilespmem:v6+s30+$0x0], $0xffff  }
0x296: {  	v7 =	vld.idx.msk [tilespmem:v7+s31+$0x0], $0xffff;
	_ =	sdelay $0x2  }
0x297: {  	v8 =	vmul.f32 $1.442695020e+00, v8;
	_ =	sdelay $0x1  }
0x298: {  	(erf) = vpow2.f32 v8;
	v6 =	vmul.f32 v7, v6;
	_ =	sdelay $0x1  }
0x299: {  	(erf) = vrcp.f32 v6;
	_ =	sdelay $0x6  }
0x29a: {  	v6 =	vpop (erf)  }
0x29b: {  	v6 =	vmul.f32 v6, v6  }
0x29c: {  	v7 =	vpop (erf)  }
0x29d: {  	v6 =	vmul.f32 v7, v6;
	_ =	sdelay $0x1  }
0x29e: {  	v6 =	vadd.f32 $1.000000010e-10, v6;
	_ =	sdelay $0x1  }
0x29f: {  	v7 =	vshra.s32 v6, $0x1;
	v8 =	vmul.f32 $5.000000000e-01, v6  }
0x2a0: {  	v7 =	vsub.s32 $0x5F3759DF, v7  }
0x2a1: {  	v9 =	vmul.f32 v7, v8;
	_ =	sdelay $0x1  }
0x2a2: {  	v9 =	vmul.f32 v7, v9;
	_ =	sdelay $0x1  }
0x2a3: {  	v9 =	vsub.f32 $1.500000000e+00, v9;
	_ =	sdelay $0x1  }
0x2a4: {  	v7 =	vmul.f32 v7, v9;
	_ =	sdelay $0x1  }
0x2a5: {  	v9 =	vmul.f32 v7, v8;
	_ =	sdelay $0x1  }
0x2a6: {  	v9 =	vmul.f32 v9, v7;
	_ =	sdelay $0x1  }
0x2a7: {  	v9 =	vsub.f32 $1.500000000e+00, v9;
	_ =	sdelay $0x1  }
0x2a8: {  	v7 =	vmul.f32 v9, v7;
	_ =	sdelay $0x1  }
0x2a9: {  	v8 =	vmul.f32 v7, v8;
	_ =	sdelay $0x1  }
0x2aa: {  	v8 =	vmul.f32 v8, v7;
	_ =	sdelay $0x1  }
0x2ab: {  	v8 =	vsub.f32 $1.500000000e+00, v8;
	_ =	sdelay $0x1  }
0x2ac: {  	v7 =	vmul.f32 v8, v7;
	_ =	sdelay $0x1  }
0x2ad: {  	v6 =	vmul.f32 v7, v6;
	_ =	sdelay $0x1  }
0x2ae: {  	[tilespmem:$0x70A0] =	vst v6  }
0x2af: {  	s25 =	sor.u32 $0x70, s25;
	v6 =	vld [tilespmem:s5+$0x1030]  }
0x2b0: {  	v7 =	vld [tilespmem:s25+$0x0];
	_ =	sdelay $0x5  }
0x2b1: {  	v8 =	vld [tilespmem:s25+$0x800]  }
0x2b2: {  	v6 =	vld.idx.msk [tilespmem:v6+s30+$0x0], $0xffff  }
0x2b3: {  	v7 =	vld.idx.msk [tilespmem:v7+s31+$0x0], $0xffff;
	_ =	sdelay $0x2  }
0x2b4: {  	v8 =	vmul.f32 $1.442695020e+00, v8;
	_ =	sdelay $0x1  }
0x2b5: {  	(erf) = vpow2.f32 v8;
	v6 =	vmul.f32 v7, v6;
	_ =	sdelay $0x1  }
0x2b6: {  	(erf) = vrcp.f32 v6;
	_ =	sdelay $0x6  }
0x2b7: {  	v6 =	vpop (erf)  }
0x2b8: {  	v6 =	vmul.f32 v6, v6  }
0x2b9: {  	v7 =	vpop (erf)  }
0x2ba: {  	v6 =	vmul.f32 v7, v6;
	_ =	sdelay $0x1  }
0x2bb: {  	v6 =	vadd.f32 $1.000000010e-10, v6;
	_ =	sdelay $0x1  }
0x2bc: {  	v7 =	vshra.s32 v6, $0x1;
	v8 =	vmul.f32 $5.000000000e-01, v6  }
0x2bd: {  	v7 =	vsub.s32 $0x5F3759DF, v7  }
0x2be: {  	v9 =	vmul.f32 v7, v8;
	_ =	sdelay $0x1  }
0x2bf: {  	v9 =	vmul.f32 v7, v9;
	_ =	sdelay $0x1  }
0x2c0: {  	v9 =	vsub.f32 $1.500000000e+00, v9;
	_ =	sdelay $0x1  }
0x2c1: {  	v7 =	vmul.f32 v7, v9;
	_ =	sdelay $0x1  }
0x2c2: {  	v9 =	vmul.f32 v7, v8;
	_ =	sdelay $0x1  }
0x2c3: {  	v9 =	vmul.f32 v9, v7;
	_ =	sdelay $0x1  }
0x2c4: {  	v9 =	vsub.f32 $1.500000000e+00, v9;
	_ =	sdelay $0x1  }
0x2c5: {  	v7 =	vmul.f32 v9, v7;
	_ =	sdelay $0x1  }
0x2c6: {  	v8 =	vmul.f32 v7, v8;
	_ =	sdelay $0x1  }
0x2c7: {  	v8 =	vmul.f32 v8, v7;
	_ =	sdelay $0x1  }
0x2c8: {  	v8 =	vsub.f32 $1.500000000e+00, v8  }
0x2c9: {  	s1 =	simm.s32 $0x0  }
0x2ca: {  	v7 =	vmul.f32 v8, v7;
	v8 =	vmov s1  }
0x2cb: {  	v8 =	vand.u32 $0xFFFFFFF8, v8  }
0x2cc: {  	v6 =	vmul.f32 v7, v6;
	v7 =	vbroadcast v8, $0x0;
	_ =	sdelay $0x1  }
0x2cd: {  	[tilespmem:$0x70B0] =	vst v6  }
0x2ce: {  	_ =	swait.ge [sflag:s17], $0x2000  }
0x2cf: {  	[sflag:s17] =	ssyncset.done $0x0  }
0x2d0: {  	s4 =	simm.s32 $0x6;
	[sflag:s17] =	ssyncadd.s32 $0xFFFFE000  }
0x2d1: {  	v9 =	vmov s4;
	s4 =	simm.s32 $0x9300;
	v6 =	vld.idx.msk [tilespmem:v7+s16+$0x0], $0xffff  }
0x2d2: {  	v8 =	vand.u32 $0xFFFFFFFE, v9;
	v9 =	vld [tilespmem:s4+$0x170]  }
0x2d3: {  	v10 =	vld [tilespmem:s4+$0xFFFFFE00]  }
0x2d4: {  	v8 =	vbroadcast v8, $0x0;
	v11 =	vld [tilespmem:s4+$0xFFFFFE10]  }
0x2d5: {  	v12 =	vld [tilespmem:s4+$0xFFFFFE20]  }
0x2d6: {  	v13 =	vld [tilespmem:s4+$0xFFFFFE30]  }
0x2d7: {  	v14 =	vld [tilespmem:s4+$0xFFFFFE40]  }
0x2d8: {  	v15 =	vld [tilespmem:s4+$0xFFFFFE50]  }
0x2d9: {  	s9 =	simm.s32 $0x1;
	v16 =	vld [tilespmem:s4+$0xFFFFFE60]  }
0x2da: {  	v7 =	vld.idx.msk [tilespmem:v8+s16+$0x0], $0xffff;
	v8 =	vmov s9  }
0x2db: {  	v17 =	vld [tilespmem:s4+$0xFFFFFE70];
	v8 =	vand.u32 $0xFFFFFFF9, v8  }
0x2dc: {  	v18 =	vld [tilespmem:s4+$0xFFFFFE80];
	v8 =	vbroadcast v8, $0x0  }
0x2dd: {  	v19 =	vld [tilespmem:s4+$0xFFFFFE90];
	v10 =	vmul.f32 v10, v6  }
0x2de: {  	v20 =	vld [tilespmem:s4+$0xFFFFFEA0];
	v13 =	vmul.f32 v13, v6  }
0x2df: {  	v21 =	vld [tilespmem:s4+$0xFFFFFEB0];
	v14 =	vmul.f32 v14, v6;
	[tilespmem:s4+$0xFFFFFE00] =	vst v10  }
0x2e0: {  	s12 =	simm.s32 $0x2;
	[tilespmem:s4+$0xFFFFFE30] =	vst v13;
	v13 =	vmul.f32 v15, v6;
	v15 =	vld [tilespmem:s4+$0xFFFFFEF0]  }
0x2e1: {  	v9 =	vmul.f32 v9, v7;
	v10 =	vmov s12;
	[tilespmem:s4+$0xFFFFFE40] =	vst v14;
	v14 =	vmul.f32 v16, v6;
	v16 =	vld [tilespmem:s4+$0xFFFFFF00]  }
0x2e2: {  	v11 =	vmul.f32 v11, v6;
	v10 =	vand.u32 $0xFFFFFFFA, v10;
	v8 =	vld.idx.msk [tilespmem:v8+s16+$0x0], $0xffff  }
0x2e3: {  	[tilespmem:s4+$0x170] =	vst v9;
	v9 =	vmul.f32 v12, v6;
	v12 =	vld [tilespmem:s4+$0xFFFFFEC0];
	v10 =	vbroadcast v10, $0x0  }
0x2e4: {  	[tilespmem:s4+$0xFFFFFE10] =	vst v11;
	v6 =	vmul.f32 v17, v6;
	v17 =	vld [tilespmem:s4+$0xFFFFFF20]  }
0x2e5: {  	[tilespmem:s4+$0xFFFFFE50] =	vst v13;
	v13 =	vld [tilespmem:s4+$0xFFFFFF10]  }
0x2e6: {  	[tilespmem:s4+$0xFFFFFE20] =	vst v9;
	v9 =	vld [tilespmem:s4+$0xFFFFFEE0]  }
0x2e7: {  	[tilespmem:s4+$0xFFFFFE60] =	vst v14;
	v11 =	vmul.f32 v18, v8;
	v18 =	vld [tilespmem:s4+$0xFFFFFED0]  }
0x2e8: {  	[tilespmem:s4+$0xFFFFFE70] =	vst v6;
	v14 =	vmul.f32 v19, v8;
	v19 =	vld [tilespmem:s4+$0xFFFFFF30]  }
0x2e9: {  	s20 =	simm.s32 $0x3;
	v12 =	vmul.f32 v12, v8;
	v10 =	vld.idx.msk [tilespmem:v10+s16+$0x0], $0xffff;
	[tilespmem:s4+$0xFFFFFE80] =	vst v11  }
0x2ea: {  	v6 =	vmul.f32 v20, v8;
	v20 =	vld [tilespmem:s4+$0xFFFFFF40];
	v11 =	vmov s20;
	[tilespmem:s4+$0xFFFFFE90] =	vst v14;
	v14 =	vmul.f32 v21, v8  }
0x2eb: {  	[tilespmem:s4+$0xFFFFFEC0] =	vst v12;
	v12 =	vld [tilespmem:s4+$0xFFFFFF70];
	v11 =	vand.u32 $0xFFFFFFFB, v11  }
0x2ec: {  	v9 =	vmul.f32 v9, v8;
	v11 =	vbroadcast v11, $0x0;
	[tilespmem:s4+$0xFFFFFEB0] =	vst v14;
	v14 =	vld [tilespmem:s4+$0xFFFFFF60]  }
0x2ed: {  	[tilespmem:s4+$0xFFFFFEA0] =	vst v6;
	v18 =	vmul.f32 v18, v8;
	v8 =	vmul.f32 v15, v8;
	v15 =	vld [tilespmem:s4+$0xFFFFFF80]  }
0x2ee: {  	[tilespmem:s4+$0xFFFFFEE0] =	vst v9;
	v6 =	vmul.f32 v16, v10;
	v16 =	vld [tilespmem:s4+$0xFFFFFF50]  }
0x2ef: {  	v9 =	vmul.f32 v13, v10;
	v13 =	vld [tilespmem:s4+$0xFFFFFF90];
	[tilespmem:s4+$0xFFFFFED0] =	vst v18  }
0x2f0: {  	[tilespmem:s4+$0xFFFFFEF0] =	vst v8;
	v8 =	vmul.f32 v17, v10;
	v17 =	vld [tilespmem:s4+$0xFFFFFFA0]  }
0x2f1: {  	s25 =	simm.s32 $0x4;
	v18 =	vld [tilespmem:s4+$0xFFFFFFB0];
	[tilespmem:s4+$0xFFFFFF00] =	vst v6  }
0x2f2: {  	v6 =	vmov s25;
	[tilespmem:s4+$0xFFFFFF20] =	vst v8;
	v8 =	vmul.f32 v20, v10;
	v11 =	vld.idx.msk [tilespmem:v11+s16+$0x0], $0xffff  }
0x2f3: {  	[tilespmem:s4+$0xFFFFFF10] =	vst v9;
	v9 =	vmul.f32 v19, v10;
	v19 =	vld [tilespmem:s4+$0xFFFFFFC0];
	v6 =	vand.u32 $0xFFFFFFFC, v6  }
0x2f4: {  	v14 =	vmul.f32 v14, v10;
	v6 =	vbroadcast v6, $0x0;
	[tilespmem:s4+$0xFFFFFF40] =	vst v8;
	v8 =	vld [tilespmem:s4+$0xFFFFFFE0]  }
0x2f5: {  	[tilespmem:s4+$0xFFFFFF30] =	vst v9;
	v16 =	vmul.f32 v16, v10;
	v10 =	vmul.f32 v12, v10;
	v12 =	vld [tilespmem:s4+$0xFFFFFFF0]  }
0x2f6: {  	[tilespmem:s4+$0xFFFFFF60] =	vst v14;
	v14 =	vld [tilespmem:s4+$0x0]  }
0x2f7: {  	[tilespmem:s4+$0xFFFFFF50] =	vst v16;
	v16 =	vld [tilespmem:s4+$0x10];
	v9 =	vmul.f32 v15, v11  }
0x2f8: {  	[tilespmem:s4+$0xFFFFFF70] =	vst v10;
	v15 =	vld [tilespmem:s4+$0xFFFFFFD0];
	v13 =	vmul.f32 v13, v11  }
0x2f9: {  	v10 =	vmul.f32 v17, v11;
	v17 =	vld [tilespmem:s4+$0x20];
	[tilespmem:s4+$0xFFFFFF80] =	vst v9  }
0x2fa: {  	s1 =	simm.s32 $0x5;
	v6 =	vld.idx.msk [tilespmem:v6+s16+$0x0], $0xffff;
	v8 =	vmul.f32 v8, v11;
	[tilespmem:s4+$0xFFFFFF90] =	vst v13  }
0x2fb: {  	v9 =	vmov s1;
	v13 =	vmul.f32 v18, v11;
	[tilespmem:s4+$0xFFFFFFA0] =	vst v10;
	v18 =	vld [tilespmem:s4+$0x30]  }
0x2fc: {  	v10 =	vmul.f32 v19, v11;
	v19 =	vld [tilespmem:s4+$0x180];
	v9 =	vand.u32 $0xFFFFFFFD, v9;
	[tilespmem:s4+$0xFFFFFFE0] =	vst v8  }
0x2fd: {  	v9 =	vbroadcast v9, $0x0;
	[tilespmem:s4+$0xFFFFFFB0] =	vst v13;
	v13 =	vmul.f32 v15, v11;
	v15 =	vld [tilespmem:s4+$0x40]  }
0x2fe: {  	[tilespmem:s4+$0xFFFFFFC0] =	vst v10;
	v11 =	vmul.f32 v12, v11;
	v12 =	vld [tilespmem:s4+$0x80]  }
0x2ff: {  	v10 =	vmul.f32 v14, v6;
	v14 =	vld [tilespmem:s4+$0x50];
	[tilespmem:s4+$0xFFFFFFD0] =	vst v13  }
0x300: {  	v8 =	vmul.f32 v16, v6;
	v13 =	vld [tilespmem:s4+$0x60];
	[tilespmem:s4+$0xFFFFFFF0] =	vst v11  }
0x301: {  	v16 =	vld [tilespmem:s4+$0x90];
	v11 =	vmul.f32 v17, v6;
	[tilespmem:s4+$0x0] =	vst v10  }
0x302: {  	v10 =	vld [tilespmem:s4+$0x70];
	[tilespmem:s4+$0x10] =	vst v8;
	v8 =	vmul.f32 v18, v6  }
0x303: {  	[tilespmem:s4+$0x20] =	vst v11;
	v9 =	vld.idx.msk [tilespmem:v9+s16+$0x0], $0xffff;
	v11 =	vmul.f32 v15, v6  }
0x304: {  	v15 =	vld [tilespmem:s4+$0xA0];
	[tilespmem:s4+$0x30] =	vst v8  }
0x305: {  	v8 =	vmul.f32 v14, v6;
	v14 =	vld [tilespmem:s4+$0xB0];
	[tilespmem:s4+$0x40] =	vst v11;
	v11 =	vmul.f32 v13, v6  }
0x306: {  	v13 =	vld [tilespmem:s4+$0xC0]  }
0x307: {  	s9 =	simm.s32 $0x7;
	v10 =	vmul.f32 v10, v6;
	[tilespmem:s4+$0x60] =	vst v11;
	v11 =	vld [tilespmem:s4+$0xE0]  }
0x308: {  	v17 =	vmov s9;
	[tilespmem:s4+$0x50] =	vst v8;
	v8 =	vmul.f32 v12, v9;
	v12 =	vld [tilespmem:s4+$0xD0]  }
0x309: {  	v16 =	vmul.f32 v16, v9;
	[tilespmem:s4+$0x70] =	vst v10;
	v10 =	vld [tilespmem:s4+$0xF0]  }
0x30a: {  	[tilespmem:s4+$0x80] =	vst v8;
	v8 =	vmul.f32 v15, v9;
	v15 =	vld [tilespmem:s4+$0x100]  }
0x30b: {  	v14 =	vmul.f32 v14, v9;
	[tilespmem:s4+$0x90] =	vst v16;
	v16 =	vld [tilespmem:s4+$0x150]  }
0x30c: {  	[tilespmem:s4+$0xA0] =	vst v8;
	v8 =	vmul.f32 v13, v9;
	v13 =	vld [tilespmem:s4+$0x110]  }
0x30d: {  	v6 =	vld.idx.msk [tilespmem:v17+s16+$0x0], $0xffff;
	[tilespmem:s4+$0xB0] =	vst v14;
	v12 =	vmul.f32 v12, v9  }
0x30e: {  	v14 =	vld [tilespmem:s4+$0x120];
	[tilespmem:s4+$0xC0] =	vst v8;
	v8 =	vmul.f32 v11, v9  }
0x30f: {  	s9 =	simm.s32 $0xA;
	v11 =	vld [tilespmem:s4+$0x130];
	v9 =	vmul.f32 v10, v9;
	[tilespmem:s4+$0xD0] =	vst v12  }
0x310: {  	s25 =	simm.s32 $0x9;
	v18 =	vmov s9;
	v10 =	vld [tilespmem:s4+$0x140];
	v15 =	vmul.f32 v15, v7;
	[tilespmem:s4+$0xE0] =	vst v8  }
0x311: {  	s12 =	simm.s32 $0x8;
	v17 =	vmov s25;
	s25 =	simm.s32 $0xD;
	v16 =	vmul.f32 v16, v7;
	[tilespmem:s4+$0xF0] =	vst v9;
	v9 =	vmul.f32 v13, v7;
	v13 =	vld [tilespmem:s4+$0x160]  }
0x312: {  	s20 =	simm.s32 $0xF;
	v23 =	vmov s25;
	v19 =	vmul.f32 v19, v6;
	v12 =	vmov s12;
	[tilespmem:s4+$0x100] =	vst v15  }
0x313: {  	v22 =	vld [tilespmem:s4+$0x190];
	s12 =	simm.s32 $0xB;
	v12 =	vand.u32 $0xFFFFFFF8, v12;
	v8 =	vmov s20;
	v14 =	vmul.f32 v14, v7;
	[tilespmem:s4+$0x150] =	vst v16  }
0x314: {  	v15 =	vmov s12;
	[tilespmem:s4+$0x110] =	vst v9;
	v21 =	vmul.f32 v11, v7;
	v9 =	vbroadcast v12, $0x0;
	v11 =	vld [tilespmem:s4+$0x1A0]  }
0x315: {  	[tilespmem:s4+$0x120] =	vst v14;
	v14 =	vmul.f32 v10, v7;
	v10 =	vand.u32 $0xFFFFFFF9, v17;
	v17 =	vand.u32 $0xFFFFFFFA, v18;
	v12 =	vld [tilespmem:s4+$0x1B0]  }
0x316: {  	s20 =	simm.s32 $0xC;
	v18 =	vand.u32 $0xFFFFFFFB, v15;
	v10 =	vbroadcast v10, $0x0;
	[tilespmem:s4+$0x130] =	vst v21;
	v21 =	vmul.f32 v13, v7;
	v13 =	vld [tilespmem:s4+$0x1C0]  }
0x317: {  	v20 =	vmov s20;
	v15 =	vbroadcast v17, $0x0;
	v17 =	vbroadcast v18, $0x0;
	[tilespmem:s4+$0x140] =	vst v14;
	v14 =	vld [tilespmem:s4+$0x1D0]  }
0x318: {  	s0 =	simm.s32 $0xE;
	s5 =	sadd.s32 $0x1000, s5;
	s12 =	simm.s32 $0x10;
	v16 =	vld [tilespmem:s4+$0x1E0];
	v18 =	vmul.f32 v22, v6;
	v7 =	vand.u32 $0xFFFFFFFC, v20;
	v20 =	vand.u32 $0xFFFFFFFD, v23;
	[tilespmem:s4+$0x160] =	vst v21  }
.LBB2_14:
0x319: {  	p1 =	slt.u32 s12, $0x38;
	v7 =	vbroadcast v7, $0x0;
	v21 =	vmov s0;
	[tilespmem:s4+$0x180] =	vst v19;
	v11 =	vmul.f32 v11, v6;
	v19 =	vld [tilespmem:s4+$0x1F0]  }
0x31a: {  	v20 =	vbroadcast v20, $0x0;
	v21 =	vand.u32 $0xFFFFFFFE, v21;
	v22 =	vld.idx.msk [tilespmem:v8+s16+$0x0], $0xffff;
	[tilespmem:s4+$0x190] =	vst v18;
	v8 =	vmul.f32 v12, v6  }
0x31b: {  	v12 =	vld.idx.msk [tilespmem:v9+s16+$0x0], $0xffff;
	v18 =	vbroadcast v21, $0x0;
	[tilespmem:s4+$0x1A0] =	vst v11;
	v9 =	vmul.f32 v13, v6  }
0x31c: {  	v11 =	vld.idx.msk [tilespmem:v10+s16+$0x0], $0xffff;
	[tilespmem:s4+$0x1B0] =	vst v8;
	v8 =	vmul.f32 v14, v6  }
0x31d: {  	v13 =	vld.idx.msk [tilespmem:v15+s16+$0x0], $0xffff;
	[tilespmem:s4+$0x1C0] =	vst v9;
	v14 =	vmul.f32 v16, v6  }
0x31e: {  	v10 =	vld.idx.msk [tilespmem:v17+s16+$0x0], $0xffff;
	[tilespmem:s4+$0x1D0] =	vst v8;
	v15 =	vmul.f32 v19, v6  }
0x31f: {  	v9 =	vld.idx.msk [tilespmem:v7+s16+$0x0], $0xffff;
	[tilespmem:s4+$0x1E0] =	vst v14  }
0x320: {  	v6 =	vmov v22;
	v8 =	vld.idx.msk [tilespmem:v20+s16+$0x0], $0xffff;
	[tilespmem:s4+$0x1F0] =	vst v15  }
0x321: {  	s4 =	sadd.s32 $0x400, s4;
	v7 =	vld.idx.msk [tilespmem:v18+s16+$0x0], $0xffff  }
0x322: {  	v14 =	vld [tilespmem:s4+$0x170]  }
0x323: {  	v15 =	vld [tilespmem:s4+$0xFFFFFE00]  }
0x324: {  	v16 =	vld [tilespmem:s4+$0xFFFFFE10]  }
0x325: {  	v17 =	vld [tilespmem:s4+$0xFFFFFE20]  }
0x326: {  	v18 =	vld [tilespmem:s4+$0xFFFFFE30]  }
0x327: {  	v19 =	vld [tilespmem:s4+$0xFFFFFE40];
	v14 =	vmul.f32 v14, v7  }
0x328: {  	v15 =	vmul.f32 v15, v12;
	v20 =	vld [tilespmem:s4+$0xFFFFFE50]  }
0x329: {  	v16 =	vmul.f32 v16, v12;
	v21 =	vld [tilespmem:s4+$0xFFFFFE60];
	[tilespmem:s4+$0x170] =	vst v14  }
0x32a: {  	[tilespmem:s4+$0xFFFFFE00] =	vst v15;
	v14 =	vmul.f32 v17, v12;
	v15 =	vld [tilespmem:s4+$0xFFFFFE70]  }
0x32b: {  	[tilespmem:s4+$0xFFFFFE10] =	vst v16;
	v16 =	vmul.f32 v18, v12;
	v17 =	vld [tilespmem:s4+$0xFFFFFE80]  }
0x32c: {  	[tilespmem:s4+$0xFFFFFE20] =	vst v14;
	v14 =	vmul.f32 v19, v12;
	v18 =	vld [tilespmem:s4+$0xFFFFFE90]  }
0x32d: {  	[tilespmem:s4+$0xFFFFFE30] =	vst v16;
	v16 =	vmul.f32 v20, v12;
	v19 =	vld [tilespmem:s4+$0xFFFFFEA0]  }
0x32e: {  	[tilespmem:s4+$0xFFFFFE40] =	vst v14;
	v14 =	vmul.f32 v21, v12;
	v20 =	vld [tilespmem:s4+$0xFFFFFEB0]  }
0x32f: {  	[tilespmem:s4+$0xFFFFFE50] =	vst v16;
	v12 =	vmul.f32 v15, v12;
	v15 =	vld [tilespmem:s4+$0xFFFFFEC0]  }
0x330: {  	[tilespmem:s4+$0xFFFFFE60] =	vst v14;
	v14 =	vmul.f32 v17, v11;
	v16 =	vld [tilespmem:s4+$0xFFFFFED0]  }
0x331: {  	[tilespmem:s4+$0xFFFFFE70] =	vst v12;
	v12 =	vmul.f32 v18, v11;
	v17 =	vld [tilespmem:s4+$0xFFFFFEE0]  }
0x332: {  	[tilespmem:s4+$0xFFFFFE80] =	vst v14;
	v14 =	vmul.f32 v19, v11;
	v18 =	vld [tilespmem:s4+$0xFFFFFEF0]  }
0x333: {  	[tilespmem:s4+$0xFFFFFE90] =	vst v12;
	v12 =	vmul.f32 v20, v11;
	v19 =	vld [tilespmem:s4+$0xFFFFFF00]  }
0x334: {  	[tilespmem:s4+$0xFFFFFEA0] =	vst v14;
	v14 =	vmul.f32 v15, v11;
	v15 =	vld [tilespmem:s4+$0xFFFFFF10]  }
0x335: {  	[tilespmem:s4+$0xFFFFFEB0] =	vst v12;
	v12 =	vmul.f32 v16, v11;
	v16 =	vld [tilespmem:s4+$0xFFFFFF20]  }
0x336: {  	[tilespmem:s4+$0xFFFFFEC0] =	vst v14;
	v14 =	vmul.f32 v17, v11;
	v17 =	vld [tilespmem:s4+$0xFFFFFF30]  }
0x337: {  	[tilespmem:s4+$0xFFFFFED0] =	vst v12;
	v11 =	vmul.f32 v18, v11;
	v12 =	vld [tilespmem:s4+$0xFFFFFF40]  }
0x338: {  	[tilespmem:s4+$0xFFFFFEE0] =	vst v14;
	v14 =	vmul.f32 v19, v13;
	v18 =	vld [tilespmem:s4+$0xFFFFFF50]  }
0x339: {  	[tilespmem:s4+$0xFFFFFEF0] =	vst v11;
	v11 =	vmul.f32 v15, v13;
	v15 =	vld [tilespmem:s4+$0xFFFFFF60]  }
0x33a: {  	[tilespmem:s4+$0xFFFFFF00] =	vst v14;
	v14 =	vmul.f32 v16, v13;
	v16 =	vld [tilespmem:s4+$0xFFFFFF70]  }
0x33b: {  	[tilespmem:s4+$0xFFFFFF10] =	vst v11;
	v11 =	vmul.f32 v17, v13;
	v17 =	vld [tilespmem:s4+$0xFFFFFF80]  }
0x33c: {  	[tilespmem:s4+$0xFFFFFF20] =	vst v14;
	v12 =	vmul.f32 v12, v13;
	v14 =	vld [tilespmem:s4+$0xFFFFFF90]  }
0x33d: {  	[tilespmem:s4+$0xFFFFFF30] =	vst v11;
	v11 =	vmul.f32 v18, v13;
	v18 =	vld [tilespmem:s4+$0xFFFFFFA0]  }
0x33e: {  	[tilespmem:s4+$0xFFFFFF40] =	vst v12;
	v12 =	vmul.f32 v15, v13;
	v15 =	vld [tilespmem:s4+$0xFFFFFFB0]  }
0x33f: {  	[tilespmem:s4+$0xFFFFFF50] =	vst v11;
	v11 =	vmul.f32 v16, v13;
	v13 =	vld [tilespmem:s4+$0xFFFFFFC0]  }
0x340: {  	[tilespmem:s4+$0xFFFFFF60] =	vst v12;
	v12 =	vmul.f32 v17, v10;
	v16 =	vld [tilespmem:s4+$0xFFFFFFD0]  }
0x341: {  	[tilespmem:s4+$0xFFFFFF70] =	vst v11;
	v11 =	vmul.f32 v14, v10;
	v14 =	vld [tilespmem:s4+$0xFFFFFFE0]  }
0x342: {  	[tilespmem:s4+$0xFFFFFF80] =	vst v12;
	v12 =	vmul.f32 v18, v10;
	v17 =	vld [tilespmem:s4+$0xFFFFFFF0]  }
0x343: {  	[tilespmem:s4+$0xFFFFFF90] =	vst v11;
	v11 =	vmul.f32 v15, v10;
	v15 =	vld [tilespmem:s4+$0x0]  }
0x344: {  	[tilespmem:s4+$0xFFFFFFA0] =	vst v12;
	v12 =	vmul.f32 v13, v10;
	v13 =	vld [tilespmem:s4+$0x10]  }
0x345: {  	[tilespmem:s4+$0xFFFFFFB0] =	vst v11;
	v11 =	vmul.f32 v16, v10;
	v16 =	vld [tilespmem:s4+$0x20]  }
0x346: {  	[tilespmem:s4+$0xFFFFFFC0] =	vst v12;
	v12 =	vmul.f32 v14, v10;
	v14 =	vld [tilespmem:s4+$0x30]  }
0x347: {  	[tilespmem:s4+$0xFFFFFFD0] =	vst v11;
	v10 =	vmul.f32 v17, v10;
	v11 =	vld [tilespmem:s4+$0x40]  }
0x348: {  	[tilespmem:s4+$0xFFFFFFE0] =	vst v12;
	v12 =	vmul.f32 v15, v9;
	v15 =	vld [tilespmem:s4+$0x50]  }
0x349: {  	[tilespmem:s4+$0xFFFFFFF0] =	vst v10;
	v10 =	vmul.f32 v13, v9;
	v13 =	vld [tilespmem:s4+$0x60]  }
0x34a: {  	[tilespmem:s4+$0x0] =	vst v12;
	v12 =	vmul.f32 v16, v9;
	v16 =	vld [tilespmem:s4+$0x70]  }
0x34b: {  	[tilespmem:s4+$0x10] =	vst v10;
	v10 =	vmul.f32 v14, v9;
	v14 =	vld [tilespmem:s4+$0x80]  }
0x34c: {  	[tilespmem:s4+$0x20] =	vst v12;
	v11 =	vmul.f32 v11, v9;
	v12 =	vld [tilespmem:s4+$0x90]  }
0x34d: {  	[tilespmem:s4+$0x30] =	vst v10;
	v10 =	vmul.f32 v15, v9;
	v15 =	vld [tilespmem:s4+$0xA0]  }
0x34e: {  	[tilespmem:s4+$0x40] =	vst v11;
	v11 =	vmul.f32 v13, v9;
	v13 =	vld [tilespmem:s4+$0xB0]  }
0x34f: {  	[tilespmem:s4+$0x50] =	vst v10;
	v9 =	vmul.f32 v16, v9;
	v10 =	vld [tilespmem:s4+$0xC0]  }
0x350: {  	[tilespmem:s4+$0x60] =	vst v11;
	v11 =	vmul.f32 v14, v8;
	v14 =	vld [tilespmem:s4+$0xD0]  }
0x351: {  	[tilespmem:s4+$0x70] =	vst v9;
	v9 =	vmul.f32 v12, v8;
	v12 =	vld [tilespmem:s4+$0xE0]  }
0x352: {  	[tilespmem:s4+$0x80] =	vst v11;
	v11 =	vmul.f32 v15, v8;
	v15 =	vld [tilespmem:s4+$0xF0]  }
0x353: {  	[tilespmem:s4+$0x90] =	vst v9;
	v9 =	vmul.f32 v13, v8;
	v13 =	vld [tilespmem:s4+$0x100]  }
0x354: {  	[tilespmem:s4+$0xA0] =	vst v11;
	v10 =	vmul.f32 v10, v8;
	v11 =	vld [tilespmem:s4+$0x110]  }
0x355: {  	[tilespmem:s4+$0xB0] =	vst v9;
	v9 =	vmul.f32 v14, v8;
	v14 =	vld [tilespmem:s4+$0x120]  }
0x356: {  	[tilespmem:s4+$0xC0] =	vst v10;
	v10 =	vmul.f32 v12, v8;
	v12 =	vld [tilespmem:s4+$0x130]  }
0x357: {  	[tilespmem:s4+$0xD0] =	vst v9;
	v9 =	vmul.f32 v15, v8;
	v15 =	vld [tilespmem:s4+$0x140]  }
0x358: {  	s0 =	sadd.s32 $0x7, s12;
	v8 =	vmov s12;
	[tilespmem:s4+$0xE0] =	vst v10;
	v10 =	vmul.f32 v13, v7;
	v13 =	vld [tilespmem:s4+$0x150]  }
0x359: {  	s1 =	sadd.s32 $0x1, s12;
	s9 =	sadd.s32 $0x2, s12;
	v16 =	vand.u32 $0xFFFFFFF8, v8;
	v8 =	vmov s0;
	[tilespmem:s4+$0xF0] =	vst v9;
	v9 =	vmul.f32 v11, v7;
	v17 =	vld [tilespmem:s4+$0x160]  }
0x35a: {  	v19 =	vmov s9;
	v18 =	vmov s1;
	s1 =	sadd.s32 $0x4, s12;
	s0 =	sadd.s32 $0x3, s12;
	[tilespmem:s4+$0x100] =	vst v10;
	v10 =	vmul.f32 v14, v7;
	v14 =	vld [tilespmem:s4+$0x180]  }
0x35b: {  	v21 =	vmov s1;
	v20 =	vmov s0;
	s0 =	sadd.s32 $0x5, s12;
	[tilespmem:s4+$0x110] =	vst v9;
	v12 =	vmul.f32 v12, v7;
	v22 =	vld [tilespmem:s4+$0x190]  }
.Ltmp5:
0x35c: {  	v9 =	vbroadcast v16, $0x0;
	v16 =	vmov s0;
	[tilespmem:s4+$0x120] =	vst v10;
	v15 =	vmul.f32 v15, v7;
	v11 =	vld [tilespmem:s4+$0x1A0];
	(pc) =	sbr.rel @p1 .LBB2_14-.Ltmp5, $4  }
0x35d: {  	v10 =	vand.u32 $0xFFFFFFF9, v18;
	v18 =	vand.u32 $0xFFFFFFFA, v19;
	[tilespmem:s4+$0x130] =	vst v12;
	v19 =	vmul.f32 v13, v7;
	v12 =	vld [tilespmem:s4+$0x1B0]  }
0x35e: {  	v20 =	vand.u32 $0xFFFFFFFB, v20;
	v10 =	vbroadcast v10, $0x0;
	[tilespmem:s4+$0x140] =	vst v15;
	v23 =	vmul.f32 v17, v7;
	v13 =	vld [tilespmem:s4+$0x1C0]  }
0x35f: {  	v15 =	vbroadcast v18, $0x0;
	v7 =	vand.u32 $0xFFFFFFFC, v21;
	[tilespmem:s4+$0x150] =	vst v19;
	v19 =	vmul.f32 v14, v6;
	v14 =	vld [tilespmem:s4+$0x1D0]  }
0x360: {  	s0 =	sadd.s32 $0x6, s12;
	s12 =	sadd.s32 $0x8, s12;
	v17 =	vbroadcast v20, $0x0;
	v20 =	vand.u32 $0xFFFFFFFD, v16;
	[tilespmem:s4+$0x160] =	vst v23;
	v18 =	vmul.f32 v22, v6;
	v16 =	vld [tilespmem:s4+$0x1E0]  }
0x361: {  	_ =	sdelay $0x2  }
0x362: {  	v21 =	vld [tilespmem:s4+$0x1F0]  }
0x363: {  	v23 =	vld.idx.msk [tilespmem:v9+s16+$0x0], $0xffff  }
0x364: {  	v56 =	vld.idx.msk [tilespmem:v10+s16+$0x0], $0xffff  }
0x365: {  	v54 =	vbroadcast v7, $0x0;
	v7 =	vmov s0;
	v15 =	vld.idx.msk [tilespmem:v15+s16+$0x0], $0xffff  }
0x366: {  	v22 =	vand.u32 $0xFFFFFFFE, v7;
	v7 =	vld.idx.msk [tilespmem:v8+s16+$0x0], $0xffff  }
0x367: {  	s12 =	sadd.s32 $0x400, s4;
	v17 =	vld.idx.msk [tilespmem:v17+s16+$0x0], $0xffff  }
0x368: {  	v57 =	vld [tilespmem:s12+$0x170]  }
0x369: {  	v59 =	vld [tilespmem:s12+$0xFFFFFE00]  }
0x36a: {  	v61 =	vld [tilespmem:s12+$0xFFFFFE10]  }
0x36b: {  	[tilespmem:s4+$0x180] =	vst v19;
	v11 =	vmul.f32 v11, v6;
	v63 =	vld [tilespmem:s12+$0xFFFFFE20]  }
0x36c: {  	[tilespmem:s4+$0x190] =	vst v18;
	v12 =	vmul.f32 v12, v6;
	v24 =	vld [tilespmem:s12+$0xFFFFFE40]  }
0x36d: {  	v25 =	vld [tilespmem:s12+$0xFFFFFE50];
	[tilespmem:s4+$0x1A0] =	vst v11;
	v58 =	vmul.f32 v13, v6  }
0x36e: {  	v26 =	vld [tilespmem:s12+$0xFFFFFE60];
	[tilespmem:s4+$0x1B0] =	vst v12;
	v60 =	vmul.f32 v14, v6  }
0x36f: {  	v27 =	vld [tilespmem:s12+$0xFFFFFE70];
	[tilespmem:s4+$0x1C0] =	vst v58;
	v62 =	vmul.f32 v16, v6  }
0x370: {  	v28 =	vld [tilespmem:s12+$0xFFFFFE80];
	[tilespmem:s4+$0x1D0] =	vst v60;
	v6 =	vmul.f32 v21, v6  }
0x371: {  	v29 =	vld [tilespmem:s12+$0xFFFFFE90];
	[tilespmem:s4+$0x1E0] =	vst v62;
	v14 =	vmul.f32 v61, v23  }
0x372: {  	v31 =	vld [tilespmem:s12+$0xFFFFFEA0];
	[tilespmem:s4+$0x1F0] =	vst v6;
	v6 =	vmul.f32 v59, v23  }
0x373: {  	v32 =	vld [tilespmem:s12+$0xFFFFFEB0];
	v30 =	vmul.f32 v25, v23;
	[tilespmem:s12+$0xFFFFFE10] =	vst v14  }
0x374: {  	v34 =	vld [tilespmem:s12+$0xFFFFFEC0];
	[tilespmem:s12+$0xFFFFFE00] =	vst v6;
	v6 =	vmul.f32 v63, v23  }
0x375: {  	v35 =	vld [tilespmem:s12+$0xFFFFFED0];
	v33 =	vmul.f32 v27, v23;
	[tilespmem:s12+$0xFFFFFE50] =	vst v30  }
0x376: {  	v36 =	vld [tilespmem:s12+$0xFFFFFEE0];
	[tilespmem:s12+$0xFFFFFE20] =	vst v6;
	v6 =	vmul.f32 v24, v23  }
0x377: {  	v37 =	vld [tilespmem:s12+$0xFFFFFEF0];
	v11 =	vmul.f32 v29, v56;
	[tilespmem:s12+$0xFFFFFE70] =	vst v33  }
0x378: {  	v39 =	vld [tilespmem:s12+$0xFFFFFF00];
	[tilespmem:s12+$0xFFFFFE40] =	vst v6;
	v6 =	vmul.f32 v26, v23  }
0x379: {  	v40 =	vld [tilespmem:s12+$0xFFFFFF10];
	v38 =	vmul.f32 v32, v56;
	[tilespmem:s12+$0xFFFFFE90] =	vst v11  }
0x37a: {  	v42 =	vld [tilespmem:s12+$0xFFFFFF20];
	[tilespmem:s12+$0xFFFFFE60] =	vst v6;
	v6 =	vmul.f32 v28, v56  }
0x37b: {  	v43 =	vld [tilespmem:s12+$0xFFFFFF30];
	v41 =	vmul.f32 v35, v56;
	[tilespmem:s12+$0xFFFFFEB0] =	vst v38  }
0x37c: {  	v45 =	vld [tilespmem:s12+$0xFFFFFF40];
	[tilespmem:s12+$0xFFFFFE80] =	vst v6;
	v6 =	vmul.f32 v31, v56  }
0x37d: {  	v46 =	vld [tilespmem:s12+$0xFFFFFF50];
	v44 =	vmul.f32 v37, v56;
	[tilespmem:s12+$0xFFFFFED0] =	vst v41  }
0x37e: {  	v48 =	vld [tilespmem:s12+$0xFFFFFF60];
	v55 =	vbroadcast v22, $0x0;
	[tilespmem:s12+$0xFFFFFEA0] =	vst v6;
	v6 =	vmul.f32 v34, v56  }
0x37f: {  	v20 =	vbroadcast v20, $0x0;
	v51 =	vld [tilespmem:s12+$0xFFFFFF80];
	v47 =	vmul.f32 v40, v15;
	[tilespmem:s12+$0xFFFFFEF0] =	vst v44  }
0x380: {  	v52 =	vld [tilespmem:s12+$0xFFFFFF90];
	[tilespmem:s12+$0xFFFFFEC0] =	vst v6;
	v6 =	vmul.f32 v36, v56  }
0x381: {  	v58 =	vld [tilespmem:s12+$0xFFFFFFD0];
	v50 =	vmul.f32 v43, v15;
	[tilespmem:s12+$0xFFFFFF10] =	vst v47  }
0x382: {  	v21 =	vld [tilespmem:s12+$0xFFFFFE30];
	[tilespmem:s12+$0xFFFFFEE0] =	vst v6;
	v6 =	vmul.f32 v39, v15  }
0x383: {  	v10 =	vld.idx.msk [tilespmem:v54+s16+$0x0], $0xffff;
	v53 =	vmul.f32 v46, v15;
	[tilespmem:s12+$0xFFFFFF30] =	vst v50  }
0x384: {  	v8 =	vld.idx.msk [tilespmem:v55+s16+$0x0], $0xffff;
	[tilespmem:s12+$0xFFFFFF00] =	vst v6;
	v6 =	vmul.f32 v42, v15  }
0x385: {  	v9 =	vld.idx.msk [tilespmem:v20+s16+$0x0], $0xffff;
	v59 =	vmul.f32 v52, v17;
	[tilespmem:s12+$0xFFFFFF50] =	vst v53  }
0x386: {  	v61 =	vld [tilespmem:s12+$0xFFFFFFF0];
	[tilespmem:s12+$0xFFFFFF20] =	vst v6;
	v6 =	vmul.f32 v45, v15  }
0x387: {  	v54 =	vld [tilespmem:s12+$0xFFFFFFA0];
	[tilespmem:s12+$0xFFFFFF90] =	vst v59;
	v12 =	vmul.f32 v21, v23  }
0x388: {  	v20 =	vld [tilespmem:s12+$0x10];
	[tilespmem:s12+$0xFFFFFF40] =	vst v6;
	v6 =	vmul.f32 v48, v15  }
0x389: {  	v21 =	vmul.f32 v58, v17;
	[tilespmem:s12+$0xFFFFFE30] =	vst v12;
	v18 =	vmul.f32 v57, v8;
	v57 =	vld [tilespmem:s12+$0xFFFFFFC0]  }
0x38a: {  	v32 =	vld [tilespmem:s12+$0x90];
	[tilespmem:s12+$0xFFFFFF60] =	vst v6;
	v6 =	vmul.f32 v51, v17  }
0x38b: {  	v60 =	vld [tilespmem:s12+$0xFFFFFFE0];
	v24 =	vmul.f32 v61, v17;
	[tilespmem:s12+$0xFFFFFFD0] =	vst v21  }
0x38c: {  	v35 =	vld [tilespmem:s12+$0xB0];
	[tilespmem:s12+$0xFFFFFF80] =	vst v6;
	v6 =	vmul.f32 v54, v17  }
0x38d: {  	v63 =	vld [tilespmem:s12+$0x0];
	v27 =	vmul.f32 v20, v10;
	[tilespmem:s12+$0xFFFFFFF0] =	vst v24  }
0x38e: {  	v37 =	vld [tilespmem:s12+$0xD0];
	[tilespmem:s12+$0xFFFFFFA0] =	vst v6;
	v6 =	vmul.f32 v57, v17  }
0x38f: {  	v22 =	vld [tilespmem:s12+$0x20];
	v38 =	vmul.f32 v32, v9;
	[tilespmem:s12+$0x10] =	vst v27  }
0x390: {  	[tilespmem:s12+$0xFFFFFFC0] =	vst v6;
	v6 =	vmul.f32 v60, v17  }
0x391: {  	v25 =	vld [tilespmem:s12+$0x40];
	v41 =	vmul.f32 v35, v9;
	[tilespmem:s12+$0x90] =	vst v38  }
0x392: {  	v55 =	vld [tilespmem:s12+$0xFFFFFFB0];
	[tilespmem:s12+$0xFFFFFFE0] =	vst v6;
	v6 =	vmul.f32 v63, v10  }
0x393: {  	v44 =	vmul.f32 v37, v9;
	[tilespmem:s12+$0xB0] =	vst v41;
	v28 =	vld [tilespmem:s12+$0x60]  }
0x394: {  	v46 =	vld [tilespmem:s12+$0x130];
	[tilespmem:s12+$0x0] =	vst v6;
	v6 =	vmul.f32 v22, v10  }
0x395: {  	[tilespmem:s12+$0xD0] =	vst v44;
	v31 =	vld [tilespmem:s12+$0x80]  }
0x396: {  	v23 =	vld [tilespmem:s12+$0x30];
	[tilespmem:s12+$0x20] =	vst v6;
	v6 =	vmul.f32 v25, v10  }
0x397: {  	v62 =	vmul.f32 v55, v17;
	[tilespmem:s12+$0x170] =	vst v18;
	v34 =	vld [tilespmem:s12+$0xA0]  }
0x398: {  	v26 =	vld [tilespmem:s12+$0x50];
	[tilespmem:s12+$0x40] =	vst v6;
	v6 =	vmul.f32 v28, v10  }
0x399: {  	v52 =	vmul.f32 v46, v8;
	[tilespmem:s12+$0xFFFFFFB0] =	vst v62;
	v36 =	vld [tilespmem:s12+$0xC0]  }
0x39a: {  	v49 =	vld [tilespmem:s12+$0xFFFFFF70];
	[tilespmem:s12+$0x60] =	vst v6;
	v6 =	vmul.f32 v31, v9  }
0x39b: {  	[tilespmem:s12+$0x130] =	vst v52;
	v30 =	vmul.f32 v23, v10;
	v39 =	vld [tilespmem:s12+$0xE0]  }
0x39c: {  	v43 =	vld [tilespmem:s12+$0x110];
	[tilespmem:s12+$0x80] =	vst v6;
	v6 =	vmul.f32 v34, v9  }
0x39d: {  	v33 =	vmul.f32 v26, v10;
	[tilespmem:s12+$0x30] =	vst v30;
	v42 =	vld [tilespmem:s12+$0x100]  }
0x39e: {  	v48 =	vld [tilespmem:s12+$0x150];
	[tilespmem:s12+$0xA0] =	vst v6;
	v6 =	vmul.f32 v36, v9  }
0x39f: {  	[tilespmem:s12+$0x50] =	vst v33;
	v56 =	vmul.f32 v49, v15;
	v45 =	vld [tilespmem:s12+$0x120]  }
0x3a0: {  	v51 =	vld [tilespmem:s12+$0x180];
	[tilespmem:s12+$0xC0] =	vst v6;
	v6 =	vmul.f32 v39, v9  }
0x3a1: {  	v47 =	vld [tilespmem:s12+$0x140];
	v49 =	vmul.f32 v43, v8;
	[tilespmem:s12+$0xFFFFFF70] =	vst v56  }
0x3a2: {  	v54 =	vld [tilespmem:s12+$0x1A0];
	[tilespmem:s12+$0xE0] =	vst v6;
	v6 =	vmul.f32 v42, v8  }
0x3a3: {  	v50 =	vld [tilespmem:s12+$0x160];
	[tilespmem:s12+$0x110] =	vst v49;
	v55 =	vmul.f32 v48, v8  }
0x3a4: {  	v60 =	vld [tilespmem:s12+$0x1E0];
	[tilespmem:s12+$0x100] =	vst v6;
	v6 =	vmul.f32 v45, v8  }
0x3a5: {  	v53 =	vld [tilespmem:s12+$0x190];
	[tilespmem:s12+$0x150] =	vst v55;
	v58 =	vmul.f32 v51, v7  }
0x3a6: {  	v29 =	vld [tilespmem:s12+$0x70];
	[tilespmem:s12+$0x120] =	vst v6;
	v6 =	vmul.f32 v47, v8  }
0x3a7: {  	v56 =	vld [tilespmem:s12+$0x1B0];
	[tilespmem:s12+$0x180] =	vst v58;
	v61 =	vmul.f32 v54, v7  }
0x3a8: {  	v40 =	vld [tilespmem:s12+$0xF0];
	[tilespmem:s12+$0x140] =	vst v6;
	v6 =	vmul.f32 v50, v8  }
0x3a9: {  	v59 =	vld [tilespmem:s12+$0x1D0];
	[tilespmem:s12+$0x1A0] =	vst v61;
	v63 =	vmul.f32 v60, v7  }
0x3aa: {  	v57 =	vld [tilespmem:s12+$0x1C0];
	[tilespmem:s12+$0x160] =	vst v6;
	v6 =	vmul.f32 v53, v7  }
0x3ab: {  	v62 =	vld [tilespmem:s12+$0x1F0];
	[tilespmem:s12+$0x1E0] =	vst v63;
	v10 =	vmul.f32 v29, v10  }
0x3ac: {  	[tilespmem:s12+$0x190] =	vst v6;
	v6 =	vmul.f32 v56, v7  }
0x3ad: {  	s23 =	sadd.s32 $0x1, s23;
	[tilespmem:s12+$0x70] =	vst v10;
	v9 =	vmul.f32 v40, v9  }
0x3ae: {  	p1 =	sne.s32 s23, $0x10;
	[tilespmem:s12+$0x1B0] =	vst v6;
	v6 =	vmul.f32 v59, v7  }
.Ltmp6:
0x3af: {  	[tilespmem:s12+$0xF0] =	vst v9;
	v8 =	vmul.f32 v57, v7;
	(pc) =	sbr.rel @p1 .LBB2_11-.Ltmp6, $4  }
0x3b0: {  	[tilespmem:s12+$0x1D0] =	vst v6;
	v6 =	vmul.f32 v62, v7  }
0x3b1: {  	[tilespmem:s12+$0x1C0] =	vst v8  }
0x3b2: {  	[tilespmem:s12+$0x1F0] =	vst v6  }
0x3b3: {  	[spmem:s6] =	stream.indirect.scatter.add.f32 [tilespmem:s14], [sflag:$0x4], $0x80, s5, s13, $0xb8;
	[tilespmem:$0x1F600] =	vst v63  }
0x3b4: {  	s22 =	sadd.s32 $0x1, s22  }
0x3b5: {  	p1 =	sne.s32 s22, $0x5  }
.Ltmp7:
0x3b6: {  	_ = 	snop;
	(pc) =	sbr.rel @p1 .LBB2_10-.Ltmp7, $4  }
0x3b7: {  	_ = 	snop  }
0x3b8: {  	_ =	swait.ge [sflag:s18], $0x2000  }
0x3b9: {  	[sflag:s18] =	ssyncset.done $0x0  }
0x3ba: {  	s9 =	smov.u32 s11;
	s23 =	smov.u32 s10;
	[sflag:s18] =	ssyncadd.s32 $0xFFFFE000  }
0x3bb: {  	s0 =	stileid.u32;
	[bflag:$0x0] =	sbarrier.arrive $0xFFFF  }
0x3bc: {  	s0 =	sshll.u32 s0, $0x6;
	s25 =	rddreg [dreg:$0xc]  }
0x3bd: {  	s4 =	rddreg [dreg:$0x15];
	s0 =	sor.u32 $0x1C05, s0;
	s1 =	sshrl.u32 s25, $0x3  }
0x3be: {  	[hbm:s4], [sflag:s0] =	dma.local [spmem:s1], $0x2800  }
0x3bf: {  	_ =	swait.ge [sflag:s28], $0x2800  }
0x3c0: {  	s21 =	rddreg [dreg:$0x18]  }
0x3c1: {  	s22 =	rddreg [dreg:$0x17];
	s1 =	sadd.s32 $0x1, s21  }
0x3c2: {  	p1 =	sne.s32 s1, s22  }
.Ltmp8:
0x3c3: {  	_ = 	snop;
	(pc) =	sbr.rel @p1 .LBB2_1-.Ltmp8, $4  }
0x3c4: {  	_ = 	snop  }
0x3c5: {  	s10 =	rddreg [dreg:$0x9]  }
0x3c6: {  	[sflag:s28] =	ssyncset.done $0x0;
	s11 =	rddreg [dreg:$0xa]  }
0x3c7: {  	[sflag:s28] =	ssyncadd.s32 $0xFFFFD800;
	s22 =	rddreg [dreg:$0xb]  }
0x3c8: {  	_ =	sfence.sel $0x180000  }
0x3c9: {  	[bflag:$0x0] =	sbarrier.arrive $0xFFFF  }
0x3ca: {  	_ =	strace $0x90000047  }
0x3cb: {  	[bflag:$0x2] =	sbarrier.arrive $0xFFFF  }
0x3cc: {  	s0 =	rddreg [dreg:$0x8]  }
0x3cd: {  	s0 =	sadd.s32 @!p0 $0x100000, s0  }
0x3ce: {  	[sflag:s0] =	ssyncadd.tile.s32 @!p0 $0x1;
	_ =	shalt  }
.Lfunc_end2:
_tile_overlayer_lowered:
.L_overlay_start_2:
0x3cf: {  	(tag) =	ssettag $0x2  }
0x3d0: {  	s0 =	rddreg [dreg:$0x0];
	s2 =	stileid.u32  }
0x3d1: {  	s1 =	rddreg [dreg:$0x1];
	p0 =	sne.s32 s2, $0x0  }
0x3d2: {  	s3 =	rddreg [dreg:$0x2];
	[bflag:$0x3] =	sbarrier.arrive $0xFFFF;
	s2 =	simm.s32 @!p0 $0x1C05  }
0x3d3: {  	[timem:s3], [sflag:s2] =	dma.local @!p0 [hbm:s0], s1  }
0x3d4: {  	s0 =	simm.s32 @!p0 $0x5  }
0x3d5: {  	_ =	swait.ge @!p0 [sflag:s0], s1  }
0x3d6: {  	s1 =	ssub.s32 @!p0 $0x0, s1;
	[sflag:s0] =	ssyncset.done @!p0 $0x0  }
0x3d7: {  	[sflag:s0] =	ssyncadd.s32 @!p0 s1  }
0x3d8: {  	[bflag:$0x3] =	sbarrier.arrive $0xFFFF  }
0x3d9: {  	_ =	shalt  }

</sc_bundles>
